<compile_context>
chip_gen: v7x
topology: tpu7x:2x2x1
jax: 0.10.2.dev20260603
libtpu: 0.0.44.dev20260713+nightly
codegen_flags: <defaults>
</compile_context>

<pallas_src>
import functools

import jax
import jax.numpy as jnp
import numpy as np
from jax import lax
from jax.experimental import pallas as pl
from jax.experimental.pallas import tpu as pltpu
from jax.experimental.pallas import tpu_sc as plsc

_NS = 16
_NV = 4
_NORM = 1.0 / np.sqrt(np.float32(_NS))
_CHUNK = 128
_NW = 32


def _build_constants():
    R = np.kron(np.eye(_NS, dtype=np.float32), np.ones((1, _NS), np.float32))
    T = np.kron(np.ones((1, _NS), np.float32), np.eye(_NS, dtype=np.float32))
    Q = np.zeros((32, 32), np.float32)
    for j in range(_NS):
        Q[j, j] = 1.0
    for c in range(_NV):
        for d in range(3):
            Q[_NS + c, _NS + 3 * c + d] = 1.0
    S = np.zeros((4, 32), np.float32)
    S[0, :_NS] = 1.0
    for c in range(_NV):
        for d in range(3):
            S[1 + d, _NS + 3 * c + d] = 1.0
    return R, T, Q, S


def _sc_gather(node_attr, dst2, e_pad):
    n_rows = dst2.shape[0]
    cpt = n_rows // _NW
    ept = cpt * _CHUNK
    mesh = plsc.VectorSubcoreMesh(core_axis_name="c", subcore_axis_name="s")

    @functools.partial(
        pl.kernel,
        mesh=mesh,
        out_type=jax.ShapeDtypeStruct((e_pad, _NS), jnp.float32),
        scratch_types=[
            pltpu.VMEM((cpt, _CHUNK), jnp.int32),
            pltpu.VMEM((ept, _NS), jnp.float32),
            pltpu.SemaphoreType.DMA,
        ],
        compiler_params=pltpu.CompilerParams(use_tc_tiling_on_sc=False),
    )
    def k(node_hbm, idx_hbm, out_hbm, idx_v, buf, sem):
        wid = lax.axis_index("s") * 2 + lax.axis_index("c")
        row0 = wid * cpt
        pltpu.sync_copy(idx_hbm.at[pl.ds(row0, cpt), :], idx_v)

        grp = 20

        def fire(g, carry):
            cps = []
            for t in range(grp):
                j = g * grp + t
                cps.append(pltpu.async_copy(
                    node_hbm.at[idx_v.at[j]],
                    buf.at[pl.ds(j * _CHUNK, _CHUNK), :], sem))
            for cp in cps:
                cp.wait()
            return carry

        lax.fori_loop(0, cpt // grp, fire, 0)
        pltpu.sync_copy(buf, out_hbm.at[pl.ds(row0 * _CHUNK, ept), :])

    return k(node_attr, dst2)


def _sc_scatter(tp32, src2, zinit, n_pad):
    n_rows = src2.shape[0]
    cpt = n_rows // _NW
    rpt = n_pad // 16
    nph = 4
    q = cpt // nph
    chunk_bytes = _CHUNK * 32 * 4
    mesh = plsc.VectorSubcoreMesh(core_axis_name="c", subcore_axis_name="s")

    @functools.partial(
        pl.kernel,
        mesh=mesh,
        out_type=jax.ShapeDtypeStruct((2, n_pad, 32), jnp.float32),
        scratch_types=[
            pltpu.VMEM((cpt, _CHUNK), jnp.int32),
            pltpu.VMEM(((cpt // 4) * _CHUNK, 32), jnp.float32),
            pltpu.VMEM(((cpt // 4) * _CHUNK, 32), jnp.float32),
            pltpu.VMEM_SHARED((n_pad, 32), jnp.float32),
            pltpu.SemaphoreType.DMA,
            pltpu.SemaphoreType.DMA,
        ],
        compiler_params=pltpu.CompilerParams(use_tc_tiling_on_sc=False),
    )
    def k(tp_hbm, idx_hbm, z_hbm, out_hbm, idx_v, buf_a, buf_b, acc, sem_ld, sem_sc):
        c = lax.axis_index("c")
        s = lax.axis_index("s")
        wid = s * 2 + c
        pltpu.sync_copy(z_hbm.at[pl.ds(s * rpt, rpt), :], acc.at[pl.ds(s * rpt, rpt), :])
        plsc.subcore_barrier()
        row0 = wid * cpt
        pltpu.sync_copy(idx_hbm.at[pl.ds(row0, cpt), :], idx_v)

        bufs = [buf_a, buf_b]
        cps = [pltpu.async_copy(tp_hbm.at[pl.ds(row0 * _CHUNK, q * _CHUNK), :],
                                buf_a, sem_ld)]
        for p in range(nph):
            buf = bufs[p % 2]
            if p + 1 < nph:
                cps.append(pltpu.async_copy(
                    tp_hbm.at[pl.ds((row0 + (p + 1) * q) * _CHUNK, q * _CHUNK), :],
                    bufs[(p + 1) % 2], sem_ld))
            cps[p].wait()

            def scat(j, carry, p=p, buf=buf):
                pltpu.sync_copy(buf.at[pl.ds(j * _CHUNK, _CHUNK), :],
                                acc.at[idx_v.at[p * q + j]], add=True)
                return carry

            lax.fori_loop(0, q, scat, 0)
        plsc.subcore_barrier()
        pltpu.sync_copy(acc.at[pl.ds(s * rpt, rpt), :],
                        out_hbm.at[c, pl.ds(s * rpt, rpt), :])

    return k(tp32, src2, zinit)


def _tc_dense(eaT, x, shT, W1t, b1c, Rt, Tt, Mqt, Bqt, St, e_pad):
    e = eaT.shape[1]
    be = 2048
    grid = ((e + be - 1) // be,)

    def body(eaT_ref, x_ref, shT_ref, w1t_ref, b1c_ref, rt_ref, tt_ref,
             mqt_ref, bqt_ref, st_ref, out_ref):
        f32 = jnp.float32
        xT = x_ref[...].T
        hT = jnp.maximum(
            jnp.dot(w1t_ref[...], eaT_ref[...], preferred_element_type=f32)
            + b1c_ref[...], 0.0)
        hrT = jnp.dot(rt_ref[...], hT, preferred_element_type=f32)
        xtT = jnp.dot(tt_ref[...], xT, preferred_element_type=f32)
        baseT = (jnp.dot(mqt_ref[...], hrT * xtT, preferred_element_type=f32)
                 + jnp.dot(bqt_ref[...], xT, preferred_element_type=f32))
        scaleT = jnp.dot(st_ref[...], shT_ref[...], preferred_element_type=f32)
        row = lax.broadcasted_iota(jnp.int32, (32, be), 0)
        tpT = jnp.where(row == 28, 1.0, baseT * scaleT)
        out_ref[...] = tpT.T

    full = lambda shape: pl.BlockSpec(shape, lambda i: (0, 0))
    return pl.pallas_call(
        body,
        grid=grid,
        in_specs=[
            pl.BlockSpec((_NS, be), lambda i: (0, i)),
            pl.BlockSpec((be, _NS), lambda i: (i, 0)),
            pl.BlockSpec((4, be), lambda i: (0, i)),
            full((_NS, _NS)),
            full((_NS, 1)),
            full((256, _NS)),
            full((256, _NS)),
            full((32, 256)),
            full((32, _NS)),
            full((32, 4)),
        ],
        out_specs=pl.BlockSpec((be, 32), lambda i: (i, 0)),
        out_shape=jax.ShapeDtypeStruct((e_pad, 32), jnp.float32),
        compiler_params=pltpu.CompilerParams(
            dimension_semantics=("arbitrary",)),
    )(eaT, x, shT, W1t, b1c, Rt, Tt, Mqt, Bqt, St)


def _tc_epilogue(p0, p1, node_attr):
    n, ns = node_attr.shape
    out_w = _NS + 3 * _NV

    def body(p0_ref, p1_ref, na_ref, out_ref):
        s = p0_ref[...] + p1_ref[...]
        cnt = jnp.maximum(s[:, 28:29], 1.0)
        pad = jnp.concatenate(
            [na_ref[...], jnp.zeros((n, out_w - ns), jnp.float32)], axis=1)
        out_ref[...] = s[:, :out_w] / cnt + pad

    return pl.pallas_call(
        body,
        out_shape=jax.ShapeDtypeStruct((n, out_w), jnp.float32),
    )(p0, p1, node_attr)


def kernel(node_attr, edge_index, edge_attr, edge_sh, W1, b1, W2, b2):
    n, ns = node_attr.shape
    e = edge_attr.shape[0]
    e_pad = ((e + _NW * _CHUNK - 1) // (_NW * _CHUNK)) * (_NW * _CHUNK)
    n_pad = ((n + 1 + 15) // 16) * 16
    ep = e_pad - e

    edge_dst = jnp.pad(edge_index[1].astype(jnp.int32), (0, ep))
    edge_src = jnp.pad(edge_index[0].astype(jnp.int32), (0, ep),
                       constant_values=n)
    dst2 = edge_dst.reshape(e_pad // _CHUNK, _CHUNK)
    src2 = edge_src.reshape(e_pad // _CHUNK, _CHUNK)

    R, T, Q, S = _build_constants()
    M0 = W2[:, :_NS * _NS].reshape(_NS, _NS, _NS).reshape(_NS * _NS, _NS)
    M1 = W2[:, _NS * _NS:].reshape(_NS, _NS, _NV).reshape(_NS * _NS, _NV)
    M32 = jnp.concatenate([M0, M1, jnp.zeros((_NS * _NS, 12), jnp.float32)], 1)
    B0 = b2[:_NS * _NS].reshape(_NS, _NS)
    B1 = b2[_NS * _NS:].reshape(_NS, _NV)
    B32 = jnp.concatenate([B0, B1, jnp.zeros((_NS, 12), jnp.float32)], 1)
    Mq = (M32 @ Q) * _NORM
    Bq = (B32 @ Q) * _NORM

    x = _sc_gather(node_attr, dst2, e_pad)
    tp = _tc_dense(edge_attr.T, x, edge_sh.T, W1.T, b1.reshape(_NS, 1),
                   jnp.asarray(R.T.copy()), jnp.asarray(T.T.copy()),
                   Mq.T, Bq.T, jnp.asarray(S.T.copy()), e_pad)
    zinit = jnp.zeros((n_pad, 32), jnp.float32)
    partials = _sc_scatter(tp, src2, zinit, n_pad)
    out = _tc_epilogue(partials[0, :n, :], partials[1, :n, :], node_attr)
    return out

# --- scband reference (transcript-rebuilt; emitter-appended) ---
"""Pipeline reference for scband-cgtensor-product-equivariant-model-72645076844778 (READ-ONLY COPY).

The authoritative reference and input builder live on the scoring server;
editing this copy changes nothing except your own understanding.
"""

import jax, jax.numpy as jnp
import numpy as np

NS = 16
NV = 4
N_NODES = 10000
N_EDGES = 160000
N_EDGE_FEAT = 16
HIDDEN = 16
WEIGHT_NUMEL = NS * NS + NS * NV  # 320


def setup_inputs(seed: int = 0) -> dict:
    key = jax.random.key(seed)
    ks = jax.random.split(key, 8)
    node_attr = jax.random.normal(ks[0], (N_NODES, NS), dtype=jnp.float32)
    edge_index = jax.random.randint(ks[1], (2, N_EDGES), 0, N_NODES, dtype=jnp.int64 if jax.config.jax_enable_x64 else jnp.int32)
    edge_attr = jax.random.normal(ks[2], (N_EDGES, N_EDGE_FEAT), dtype=jnp.float32)
    edge_sh = jax.random.normal(ks[3], (N_EDGES, 4), dtype=jnp.float32)
    # fc: Linear(n_edge_features, hidden) -> ReLU -> Linear(hidden, weight_numel)
    W1 = jax.random.normal(ks[4], (N_EDGE_FEAT, HIDDEN), dtype=jnp.float32) / np.sqrt(N_EDGE_FEAT)
    b1 = jnp.zeros((HIDDEN,), dtype=jnp.float32)
    W2 = jax.random.normal(ks[5], (HIDDEN, WEIGHT_NUMEL), dtype=jnp.float32) / np.sqrt(HIDDEN)
    b2 = jnp.zeros((WEIGHT_NUMEL,), dtype=jnp.float32)
    return {"node_attr": node_attr, "edge_index": edge_index, "edge_attr": edge_attr,
            "edge_sh": edge_sh, "W1": W1, "b1": b1, "W2": W2, "b2": b2}


def reference(node_attr, edge_index, edge_attr, edge_sh, W1, b1, W2, b2):
    # CGTPEL.forward with in_irreps=16x0e, sh_irreps=1x0e+1x1o, out_irreps=16x0e+4x1o
    edge_src = edge_index[0]
    edge_dst = edge_index[1]
    # fc(edge_attr) -> per-edge tensor-product weights
    h = jax.nn.relu(edge_attr @ W1 + b1)
    w = h @ W2 + b2  # [E, weight_numel]
    w0 = w[:, : NS * NS].reshape(-1, NS, NS)        # path 0e x 0e -> 0e
    w1 = w[:, NS * NS:].reshape(-1, NS, NV)         # path 0e x 1o -> 1o
    x = node_attr[edge_dst]                          # gather [E, NS]
    norm = 1.0 / jnp.sqrt(jnp.asarray(NS, jnp.float32))  # e3nn path fan-in normalization
    out_s = jnp.einsum('ei,eij->ej', x, w0) * edge_sh[:, :1] * norm            # [E, NS]
    mixed = jnp.einsum('ei,eik->ek', x, w1)                                     # [E, NV]
    out_v = (mixed[:, :, None] * edge_sh[:, None, 1:4]) * norm                  # [E, NV, 3]
    tp = jnp.concatenate([out_s, out_v.reshape(-1, NV * 3)], axis=1)            # [E, NS+3*NV]
    out_nodes = node_attr.shape[0]
    summed = jax.ops.segment_sum(tp, edge_src, num_segments=out_nodes)
    counts = jax.ops.segment_sum(jnp.ones((tp.shape[0],), jnp.float32), edge_src, num_segments=out_nodes)
    out = summed / jnp.maximum(counts, 1.0)[:, None]  # scatter-mean
    # residual: pad node_attr on the feature dim to out width
    pad = out.shape[-1] - node_attr.shape[-1]
    padded = jnp.pad(node_attr, ((0, 0), (0, pad)))
    out = out + padded
    return out

if __name__ == "__main__":
    import jax
    _d = setup_inputs()
    print(jax.jit(kernel)(*tuple(_d.values())))

</pallas_src>

<mosaic_0001>
#map = affine_map<(d0, d1) -> (0, 0)>
#map1 = affine_map<(d0, d1) -> (0, 0, 0)>
module attributes {stable_mosaic.version = 14 : i64} {
  func.func @k(%arg0: i32, %arg1: i32, %arg2: memref<163840x32xf32, #tpu.memory_space<hbm>>, %arg3: memref<1280x128xi32, #tpu.memory_space<hbm>>, %arg4: memref<10016x32xf32, #tpu.memory_space<hbm>>, %arg5: memref<2x10016x32xf32, #tpu.memory_space<hbm>>, %arg6: memref<40x128xi32, #tpu.memory_space<vmem>>, %arg7: memref<1280x32xf32, #tpu.memory_space<vmem>>, %arg8: memref<1280x32xf32, #tpu.memory_space<vmem>>, %arg9: memref<10016x32xf32, #tpu.memory_space<vmem_shared>>, %arg10: memref<!tpu.dma_semaphore, #tpu.memory_space<semaphore_mem>>, %arg11: memref<!tpu.dma_semaphore, #tpu.memory_space<semaphore_mem>>) attributes {dimension_semantics = [#tpu.dimension_semantics<core_parallel>, #tpu.dimension_semantics<subcore_parallel>], iteration_bounds = array<i64: 2, 16>, scalar_prefetch = 0 : i64, scratch_operands = 6 : i64, tpu.core_type = #tpu.core_type<sc_vector_subcore>, window_params = [{transform_indices = #map}, {transform_indices = #map}, {transform_indices = #map}, {transform_indices = #map1}]} {
    %mul3A = arith.constant 2 : i32
    %mul3A_0 = arith.muli %arg1, %mul3A : i32
    %add3A = arith.addi %mul3A_0, %arg0 : i32
    %mul3A_1 = arith.constant 626 : i32
    %mul3A_2 = arith.muli %arg1, %mul3A_1 : i32
    %mul3A_3 = arith.constant 626 : i32
    %mul3A_4 = arith.muli %arg1, %mul3A_3 : i32
    "tpu.region"() ({
      %run_scoped3A = tpu.sem_alloc : memref<!tpu.dma_semaphore, #tpu.memory_space<semaphore_mem>>
      %dma_start3A_79 = arith.constant 0 : i32
      %dma_start3A_80 = tpu.memref_slice %arg9[%mul3A_4, %dma_start3A_79] : memref<10016x32xf32, #tpu.memory_space<vmem_shared>> -> memref<626x32xf32, #tpu.memory_space<vmem_shared>>
      %dma_start3A_81 = arith.constant 0 : i32
      %dma_start3A_82 = tpu.memref_slice %arg4[%mul3A_2, %dma_start3A_81] : memref<10016x32xf32, #tpu.memory_space<hbm>> -> memref<626x32xf32, #tpu.memory_space<hbm>>
      tpu.enqueue_dma source(%dma_start3A_82 : memref<626x32xf32, #tpu.memory_space<hbm>>) target(%dma_start3A_80 : memref<626x32xf32, #tpu.memory_space<vmem_shared>>) target_semaphore(%run_scoped3A : memref<!tpu.dma_semaphore, #tpu.memory_space<semaphore_mem>>)
      %dma_wait3A_83 = arith.constant 0 : i32
      %dma_wait3A_84 = tpu.memref_slice %arg9[%mul3A_4, %dma_wait3A_83] : memref<10016x32xf32, #tpu.memory_space<vmem_shared>> -> memref<626x32xf32, #tpu.memory_space<vmem_shared>>
      %dma_wait3A_85 = arith.constant 0 : i32
      %dma_wait3A_86 = tpu.memref_slice %arg4[%mul3A_2, %dma_wait3A_85] : memref<10016x32xf32, #tpu.memory_space<hbm>> -> memref<626x32xf32, #tpu.memory_space<hbm>>
      tpu.wait_dma2 semaphore(%run_scoped3A : memref<!tpu.dma_semaphore, #tpu.memory_space<semaphore_mem>>) src(%dma_wait3A_86 : memref<626x32xf32, #tpu.memory_space<hbm>>) dst(%dma_wait3A_84 : memref<626x32xf32, #tpu.memory_space<vmem_shared>>)
      tpu.yield
    }) : () -> ()
    %barrier3A = arith.constant 0 : index
    tpu.barrier barrier_id(%barrier3A)
    %mul3A_5 = arith.constant 40 : i32
    %mul3A_6 = arith.muli %add3A, %mul3A_5 : i32
    "tpu.region"() ({
      %run_scoped3A = tpu.sem_alloc : memref<!tpu.dma_semaphore, #tpu.memory_space<semaphore_mem>>
      %dma_start3A_79 = arith.constant 0 : i32
      %dma_start3A_80 = tpu.memref_slice %arg3[%mul3A_6, %dma_start3A_79] : memref<1280x128xi32, #tpu.memory_space<hbm>> -> memref<40x128xi32, #tpu.memory_space<hbm>>
      %dma_start3A_81 = arith.constant 0 : i32
      %dma_start3A_82 = tpu.memref_slice %arg3[%mul3A_6, %dma_start3A_81] : memref<1280x128xi32, #tpu.memory_space<hbm>> -> memref<40x128xi32, #tpu.memory_space<hbm>>
      tpu.enqueue_dma source(%dma_start3A_82 : memref<40x128xi32, #tpu.memory_space<hbm>>) target(%arg6 : memref<40x128xi32, #tpu.memory_space<vmem>>) target_semaphore(%run_scoped3A : memref<!tpu.dma_semaphore, #tpu.memory_space<semaphore_mem>>)
      %dma_wait3A_83 = arith.constant 0 : i32
      %dma_wait3A_84 = tpu.memref_slice %arg3[%mul3A_6, %dma_wait3A_83] : memref<1280x128xi32, #tpu.memory_space<hbm>> -> memref<40x128xi32, #tpu.memory_space<hbm>>
      %dma_wait3A_85 = arith.constant 0 : i32
      %dma_wait3A_86 = tpu.memref_slice %arg3[%mul3A_6, %dma_wait3A_85] : memref<1280x128xi32, #tpu.memory_space<hbm>> -> memref<40x128xi32, #tpu.memory_space<hbm>>
      tpu.wait_dma2 semaphore(%run_scoped3A : memref<!tpu.dma_semaphore, #tpu.memory_space<semaphore_mem>>) src(%dma_wait3A_86 : memref<40x128xi32, #tpu.memory_space<hbm>>) dst(%arg6 : memref<40x128xi32, #tpu.memory_space<vmem>>)
      tpu.yield
    }) : () -> ()
    %mul3A_7 = arith.constant 128 : i32
    %mul3A_8 = arith.muli %mul3A_6, %mul3A_7 : i32
    %dma_start3A = arith.constant 0 : i32
    %dma_start3A_9 = tpu.memref_slice %arg2[%mul3A_8, %dma_start3A] : memref<163840x32xf32, #tpu.memory_space<hbm>> -> memref<1280x32xf32, #tpu.memory_space<hbm>>
    %dma_start3A_10 = arith.constant 0 : i32
    %dma_start3A_11 = tpu.memref_slice %arg2[%mul3A_8, %dma_start3A_10] : memref<163840x32xf32, #tpu.memory_space<hbm>> -> memref<1280x32xf32, #tpu.memory_space<hbm>>
    tpu.enqueue_dma source(%dma_start3A_11 : memref<1280x32xf32, #tpu.memory_space<hbm>>) target(%arg7 : memref<1280x32xf32, #tpu.memory_space<vmem>>) target_semaphore(%arg10 : memref<!tpu.dma_semaphore, #tpu.memory_space<semaphore_mem>>)
    %add3A_12 = arith.constant 10 : i32
    %add3A_13 = arith.addi %mul3A_6, %add3A_12 : i32
    %mul3A_14 = arith.constant 128 : i32
    %mul3A_15 = arith.muli %add3A_13, %mul3A_14 : i32
    %dma_start3A_16 = arith.constant 0 : i32
    %dma_start3A_17 = tpu.memref_slice %arg2[%mul3A_15, %dma_start3A_16] : memref<163840x32xf32, #tpu.memory_space<hbm>> -> memref<1280x32xf32, #tpu.memory_space<hbm>>
    %dma_start3A_18 = arith.constant 0 : i32
    %dma_start3A_19 = tpu.memref_slice %arg2[%mul3A_15, %dma_start3A_18] : memref<163840x32xf32, #tpu.memory_space<hbm>> -> memref<1280x32xf32, #tpu.memory_space<hbm>>
    tpu.enqueue_dma source(%dma_start3A_19 : memref<1280x32xf32, #tpu.memory_space<hbm>>) target(%arg8 : memref<1280x32xf32, #tpu.memory_space<vmem>>) target_semaphore(%arg10 : memref<!tpu.dma_semaphore, #tpu.memory_space<semaphore_mem>>)
    %dma_wait3A = arith.constant 0 : i32
    %dma_wait3A_20 = tpu.memref_slice %arg2[%mul3A_8, %dma_wait3A] : memref<163840x32xf32, #tpu.memory_space<hbm>> -> memref<1280x32xf32, #tpu.memory_space<hbm>>
    %dma_wait3A_21 = arith.constant 0 : i32
    %dma_wait3A_22 = tpu.memref_slice %arg2[%mul3A_8, %dma_wait3A_21] : memref<163840x32xf32, #tpu.memory_space<hbm>> -> memref<1280x32xf32, #tpu.memory_space<hbm>>
    tpu.wait_dma2 semaphore(%arg10 : memref<!tpu.dma_semaphore, #tpu.memory_space<semaphore_mem>>) src(%dma_wait3A_22 : memref<1280x32xf32, #tpu.memory_space<hbm>>) dst(%arg7 : memref<1280x32xf32, #tpu.memory_space<vmem>>)
    %scan3A = arith.constant 0 : i32
    %scan3A_23 = arith.constant 0 : i32
    %scan3A_24 = arith.constant 10 : i32
    %scan3A_25 = arith.addi %scan3A_23, %scan3A_24 : i32
    %scan3A_26 = arith.constant 1 : i32
    scf.for %scan3A_79 = %scan3A_23 to %scan3A_25 step %scan3A_26  : i32 {
      %mul3A_80 = arith.constant 128 : i32
      %mul3A_81 = arith.muli %scan3A_79, %mul3A_80 : i32
      %add3A_82 = arith.constant 0 : i32
      %add3A_83 = arith.addi %add3A_82, %scan3A_79 : i32
      "tpu.region"() ({
        %run_scoped3A = tpu.sem_alloc : memref<!tpu.dma_semaphore, #tpu.memory_space<semaphore_mem>>
        %dma_start3A_84 = arith.constant 0 : i32
        %dma_start3A_85 = tpu.memref_slice %arg7[%mul3A_81, %dma_start3A_84] : memref<1280x32xf32, #tpu.memory_space<vmem>> -> memref<128x32xf32, #tpu.memory_space<vmem>>
        %dma_start3A_86 = arith.constant 0 : i32
        %dma_start3A_87 = tpu.memref_slice %arg6[%add3A_83, %dma_start3A_86] : memref<40x128xi32, #tpu.memory_space<vmem>> -> memref<1x128xi32, #tpu.memory_space<vmem>>
        %dma_start3A_88 = tpu.memref_squeeze %dma_start3A_87 : memref<1x128xi32, #tpu.memory_space<vmem>> -> memref<128xi32, #tpu.memory_space<vmem>>
        %dma_start3A_89 = arith.constant 0 : i32
        %dma_start3A_90 = arith.constant 0 : i32
        %dma_start3A_91 = tpu.memref_slice %arg9[%dma_start3A_89, %dma_start3A_90] : memref<10016x32xf32, #tpu.memory_space<vmem_shared>> -> memref<10016x32xf32, #tpu.memory_space<vmem_shared>>
        tpu.enqueue_indirect_dma source(%dma_start3A_85 : memref<128x32xf32, #tpu.memory_space<vmem>>) target(%dma_start3A_91 : memref<10016x32xf32, #tpu.memory_space<vmem_shared>>) offsets(%dma_start3A_88 : memref<128xi32, #tpu.memory_space<vmem>>) semaphore(%run_scoped3A : memref<!tpu.dma_semaphore, #tpu.memory_space<semaphore_mem>>) {add = true}
        %dma_wait3A_92 = arith.constant 0 : i32
        %dma_wait3A_93 = tpu.memref_slice %arg7[%mul3A_81, %dma_wait3A_92] : memref<1280x32xf32, #tpu.memory_space<vmem>> -> memref<128x32xf32, #tpu.memory_space<vmem>>
        %dma_wait3A_94 = arith.constant 0 : i32
        %dma_wait3A_95 = tpu.memref_slice %arg6[%add3A_83, %dma_wait3A_94] : memref<40x128xi32, #tpu.memory_space<vmem>> -> memref<1x128xi32, #tpu.memory_space<vmem>>
        %dma_wait3A_96 = tpu.memref_squeeze %dma_wait3A_95 : memref<1x128xi32, #tpu.memory_space<vmem>> -> memref<128xi32, #tpu.memory_space<vmem>>
        %dma_wait3A_97 = arith.constant 0 : i32
        %dma_wait3A_98 = arith.constant 0 : i32
        %dma_wait3A_99 = tpu.memref_slice %arg9[%dma_wait3A_97, %dma_wait3A_98] : memref<10016x32xf32, #tpu.memory_space<vmem_shared>> -> memref<10016x32xf32, #tpu.memory_space<vmem_shared>>
        tpu.wait_indirect_dma semaphore(%run_scoped3A : memref<!tpu.dma_semaphore, #tpu.memory_space<semaphore_mem>>) src(%dma_wait3A_93 : memref<128x32xf32, #tpu.memory_space<vmem>>) dst(%dma_wait3A_99 : memref<10016x32xf32, #tpu.memory_space<vmem_shared>>)
        tpu.yield
      }) : () -> ()
    }
    %scan3A_27 = arith.constant 10 : i32
    %add3A_28 = arith.constant 20 : i32
    %add3A_29 = arith.addi %mul3A_6, %add3A_28 : i32
    %mul3A_30 = arith.constant 128 : i32
    %mul3A_31 = arith.muli %add3A_29, %mul3A_30 : i32
    %dma_start3A_32 = arith.constant 0 : i32
    %dma_start3A_33 = tpu.memref_slice %arg2[%mul3A_31, %dma_start3A_32] : memref<163840x32xf32, #tpu.memory_space<hbm>> -> memref<1280x32xf32, #tpu.memory_space<hbm>>
    %dma_start3A_34 = arith.constant 0 : i32
    %dma_start3A_35 = tpu.memref_slice %arg2[%mul3A_31, %dma_start3A_34] : memref<163840x32xf32, #tpu.memory_space<hbm>> -> memref<1280x32xf32, #tpu.memory_space<hbm>>
    tpu.enqueue_dma source(%dma_start3A_35 : memref<1280x32xf32, #tpu.memory_space<hbm>>) target(%arg7 : memref<1280x32xf32, #tpu.memory_space<vmem>>) target_semaphore(%arg10 : memref<!tpu.dma_semaphore, #tpu.memory_space<semaphore_mem>>)
    %dma_wait3A_36 = arith.constant 0 : i32
    %dma_wait3A_37 = tpu.memref_slice %arg2[%mul3A_15, %dma_wait3A_36] : memref<163840x32xf32, #tpu.memory_space<hbm>> -> memref<1280x32xf32, #tpu.memory_space<hbm>>
    %dma_wait3A_38 = arith.constant 0 : i32
    %dma_wait3A_39 = tpu.memref_slice %arg2[%mul3A_15, %dma_wait3A_38] : memref<163840x32xf32, #tpu.memory_space<hbm>> -> memref<1280x32xf32, #tpu.memory_space<hbm>>
    tpu.wait_dma2 semaphore(%arg10 : memref<!tpu.dma_semaphore, #tpu.memory_space<semaphore_mem>>) src(%dma_wait3A_39 : memref<1280x32xf32, #tpu.memory_space<hbm>>) dst(%arg8 : memref<1280x32xf32, #tpu.memory_space<vmem>>)
    %scan3A_40 = arith.constant 0 : i32
    %scan3A_41 = arith.constant 0 : i32
    %scan3A_42 = arith.constant 10 : i32
    %scan3A_43 = arith.addi %scan3A_41, %scan3A_42 : i32
    %scan3A_44 = arith.constant 1 : i32
    scf.for %scan3A_79 = %scan3A_41 to %scan3A_43 step %scan3A_44  : i32 {
      %mul3A_80 = arith.constant 128 : i32
      %mul3A_81 = arith.muli %scan3A_79, %mul3A_80 : i32
      %add3A_82 = arith.constant 10 : i32
      %add3A_83 = arith.addi %add3A_82, %scan3A_79 : i32
      "tpu.region"() ({
        %run_scoped3A = tpu.sem_alloc : memref<!tpu.dma_semaphore, #tpu.memory_space<semaphore_mem>>
        %dma_start3A_84 = arith.constant 0 : i32
        %dma_start3A_85 = tpu.memref_slice %arg8[%mul3A_81, %dma_start3A_84] : memref<1280x32xf32, #tpu.memory_space<vmem>> -> memref<128x32xf32, #tpu.memory_space<vmem>>
        %dma_start3A_86 = arith.constant 0 : i32
        %dma_start3A_87 = tpu.memref_slice %arg6[%add3A_83, %dma_start3A_86] : memref<40x128xi32, #tpu.memory_space<vmem>> -> memref<1x128xi32, #tpu.memory_space<vmem>>
        %dma_start3A_88 = tpu.memref_squeeze %dma_start3A_87 : memref<1x128xi32, #tpu.memory_space<vmem>> -> memref<128xi32, #tpu.memory_space<vmem>>
        %dma_start3A_89 = arith.constant 0 : i32
        %dma_start3A_90 = arith.constant 0 : i32
        %dma_start3A_91 = tpu.memref_slice %arg9[%dma_start3A_89, %dma_start3A_90] : memref<10016x32xf32, #tpu.memory_space<vmem_shared>> -> memref<10016x32xf32, #tpu.memory_space<vmem_shared>>
        tpu.enqueue_indirect_dma source(%dma_start3A_85 : memref<128x32xf32, #tpu.memory_space<vmem>>) target(%dma_start3A_91 : memref<10016x32xf32, #tpu.memory_space<vmem_shared>>) offsets(%dma_start3A_88 : memref<128xi32, #tpu.memory_space<vmem>>) semaphore(%run_scoped3A : memref<!tpu.dma_semaphore, #tpu.memory_space<semaphore_mem>>) {add = true}
        %dma_wait3A_92 = arith.constant 0 : i32
        %dma_wait3A_93 = tpu.memref_slice %arg8[%mul3A_81, %dma_wait3A_92] : memref<1280x32xf32, #tpu.memory_space<vmem>> -> memref<128x32xf32, #tpu.memory_space<vmem>>
        %dma_wait3A_94 = arith.constant 0 : i32
        %dma_wait3A_95 = tpu.memref_slice %arg6[%add3A_83, %dma_wait3A_94] : memref<40x128xi32, #tpu.memory_space<vmem>> -> memref<1x128xi32, #tpu.memory_space<vmem>>
        %dma_wait3A_96 = tpu.memref_squeeze %dma_wait3A_95 : memref<1x128xi32, #tpu.memory_space<vmem>> -> memref<128xi32, #tpu.memory_space<vmem>>
        %dma_wait3A_97 = arith.constant 0 : i32
        %dma_wait3A_98 = arith.constant 0 : i32
        %dma_wait3A_99 = tpu.memref_slice %arg9[%dma_wait3A_97, %dma_wait3A_98] : memref<10016x32xf32, #tpu.memory_space<vmem_shared>> -> memref<10016x32xf32, #tpu.memory_space<vmem_shared>>
        tpu.wait_indirect_dma semaphore(%run_scoped3A : memref<!tpu.dma_semaphore, #tpu.memory_space<semaphore_mem>>) src(%dma_wait3A_93 : memref<128x32xf32, #tpu.memory_space<vmem>>) dst(%dma_wait3A_99 : memref<10016x32xf32, #tpu.memory_space<vmem_shared>>)
        tpu.yield
      }) : () -> ()
    }
    %scan3A_45 = arith.constant 10 : i32
    %add3A_46 = arith.constant 30 : i32
    %add3A_47 = arith.addi %mul3A_6, %add3A_46 : i32
    %mul3A_48 = arith.constant 128 : i32
    %mul3A_49 = arith.muli %add3A_47, %mul3A_48 : i32
    %dma_start3A_50 = arith.constant 0 : i32
    %dma_start3A_51 = tpu.memref_slice %arg2[%mul3A_49, %dma_start3A_50] : memref<163840x32xf32, #tpu.memory_space<hbm>> -> memref<1280x32xf32, #tpu.memory_space<hbm>>
    %dma_start3A_52 = arith.constant 0 : i32
    %dma_start3A_53 = tpu.memref_slice %arg2[%mul3A_49, %dma_start3A_52] : memref<163840x32xf32, #tpu.memory_space<hbm>> -> memref<1280x32xf32, #tpu.memory_space<hbm>>
    tpu.enqueue_dma source(%dma_start3A_53 : memref<1280x32xf32, #tpu.memory_space<hbm>>) target(%arg8 : memref<1280x32xf32, #tpu.memory_space<vmem>>) target_semaphore(%arg10 : memref<!tpu.dma_semaphore, #tpu.memory_space<semaphore_mem>>)
    %dma_wait3A_54 = arith.constant 0 : i32
    %dma_wait3A_55 = tpu.memref_slice %arg2[%mul3A_31, %dma_wait3A_54] : memref<163840x32xf32, #tpu.memory_space<hbm>> -> memref<1280x32xf32, #tpu.memory_space<hbm>>
    %dma_wait3A_56 = arith.constant 0 : i32
    %dma_wait3A_57 = tpu.memref_slice %arg2[%mul3A_31, %dma_wait3A_56] : memref<163840x32xf32, #tpu.memory_space<hbm>> -> memref<1280x32xf32, #tpu.memory_space<hbm>>
    tpu.wait_dma2 semaphore(%arg10 : memref<!tpu.dma_semaphore, #tpu.memory_space<semaphore_mem>>) src(%dma_wait3A_57 : memref<1280x32xf32, #tpu.memory_space<hbm>>) dst(%arg7 : memref<1280x32xf32, #tpu.memory_space<vmem>>)
    %scan3A_58 = arith.constant 0 : i32
    %scan3A_59 = arith.constant 0 : i32
    %scan3A_60 = arith.constant 10 : i32
    %scan3A_61 = arith.addi %scan3A_59, %scan3A_60 : i32
    %scan3A_62 = arith.constant 1 : i32
    scf.for %scan3A_79 = %scan3A_59 to %scan3A_61 step %scan3A_62  : i32 {
      %mul3A_80 = arith.constant 128 : i32
      %mul3A_81 = arith.muli %scan3A_79, %mul3A_80 : i32
      %add3A_82 = arith.constant 20 : i32
      %add3A_83 = arith.addi %add3A_82, %scan3A_79 : i32
      "tpu.region"() ({
        %run_scoped3A = tpu.sem_alloc : memref<!tpu.dma_semaphore, #tpu.memory_space<semaphore_mem>>
        %dma_start3A_84 = arith.constant 0 : i32
        %dma_start3A_85 = tpu.memref_slice %arg7[%mul3A_81, %dma_start3A_84] : memref<1280x32xf32, #tpu.memory_space<vmem>> -> memref<128x32xf32, #tpu.memory_space<vmem>>
        %dma_start3A_86 = arith.constant 0 : i32
        %dma_start3A_87 = tpu.memref_slice %arg6[%add3A_83, %dma_start3A_86] : memref<40x128xi32, #tpu.memory_space<vmem>> -> memref<1x128xi32, #tpu.memory_space<vmem>>
        %dma_start3A_88 = tpu.memref_squeeze %dma_start3A_87 : memref<1x128xi32, #tpu.memory_space<vmem>> -> memref<128xi32, #tpu.memory_space<vmem>>
        %dma_start3A_89 = arith.constant 0 : i32
        %dma_start3A_90 = arith.constant 0 : i32
        %dma_start3A_91 = tpu.memref_slice %arg9[%dma_start3A_89, %dma_start3A_90] : memref<10016x32xf32, #tpu.memory_space<vmem_shared>> -> memref<10016x32xf32, #tpu.memory_space<vmem_shared>>
        tpu.enqueue_indirect_dma source(%dma_start3A_85 : memref<128x32xf32, #tpu.memory_space<vmem>>) target(%dma_start3A_91 : memref<10016x32xf32, #tpu.memory_space<vmem_shared>>) offsets(%dma_start3A_88 : memref<128xi32, #tpu.memory_space<vmem>>) semaphore(%run_scoped3A : memref<!tpu.dma_semaphore, #tpu.memory_space<semaphore_mem>>) {add = true}
        %dma_wait3A_92 = arith.constant 0 : i32
        %dma_wait3A_93 = tpu.memref_slice %arg7[%mul3A_81, %dma_wait3A_92] : memref<1280x32xf32, #tpu.memory_space<vmem>> -> memref<128x32xf32, #tpu.memory_space<vmem>>
        %dma_wait3A_94 = arith.constant 0 : i32
        %dma_wait3A_95 = tpu.memref_slice %arg6[%add3A_83, %dma_wait3A_94] : memref<40x128xi32, #tpu.memory_space<vmem>> -> memref<1x128xi32, #tpu.memory_space<vmem>>
        %dma_wait3A_96 = tpu.memref_squeeze %dma_wait3A_95 : memref<1x128xi32, #tpu.memory_space<vmem>> -> memref<128xi32, #tpu.memory_space<vmem>>
        %dma_wait3A_97 = arith.constant 0 : i32
        %dma_wait3A_98 = arith.constant 0 : i32
        %dma_wait3A_99 = tpu.memref_slice %arg9[%dma_wait3A_97, %dma_wait3A_98] : memref<10016x32xf32, #tpu.memory_space<vmem_shared>> -> memref<10016x32xf32, #tpu.memory_space<vmem_shared>>
        tpu.wait_indirect_dma semaphore(%run_scoped3A : memref<!tpu.dma_semaphore, #tpu.memory_space<semaphore_mem>>) src(%dma_wait3A_93 : memref<128x32xf32, #tpu.memory_space<vmem>>) dst(%dma_wait3A_99 : memref<10016x32xf32, #tpu.memory_space<vmem_shared>>)
        tpu.yield
      }) : () -> ()
    }
    %scan3A_63 = arith.constant 10 : i32
    %dma_wait3A_64 = arith.constant 0 : i32
    %dma_wait3A_65 = tpu.memref_slice %arg2[%mul3A_49, %dma_wait3A_64] : memref<163840x32xf32, #tpu.memory_space<hbm>> -> memref<1280x32xf32, #tpu.memory_space<hbm>>
    %dma_wait3A_66 = arith.constant 0 : i32
    %dma_wait3A_67 = tpu.memref_slice %arg2[%mul3A_49, %dma_wait3A_66] : memref<163840x32xf32, #tpu.memory_space<hbm>> -> memref<1280x32xf32, #tpu.memory_space<hbm>>
    tpu.wait_dma2 semaphore(%arg10 : memref<!tpu.dma_semaphore, #tpu.memory_space<semaphore_mem>>) src(%dma_wait3A_67 : memref<1280x32xf32, #tpu.memory_space<hbm>>) dst(%arg8 : memref<1280x32xf32, #tpu.memory_space<vmem>>)
    %scan3A_68 = arith.constant 0 : i32
    %scan3A_69 = arith.constant 0 : i32
    %scan3A_70 = arith.constant 10 : i32
    %scan3A_71 = arith.addi %scan3A_69, %scan3A_70 : i32
    %scan3A_72 = arith.constant 1 : i32
    scf.for %scan3A_79 = %scan3A_69 to %scan3A_71 step %scan3A_72  : i32 {
      %mul3A_80 = arith.constant 128 : i32
      %mul3A_81 = arith.muli %scan3A_79, %mul3A_80 : i32
      %add3A_82 = arith.constant 30 : i32
      %add3A_83 = arith.addi %add3A_82, %scan3A_79 : i32
      "tpu.region"() ({
        %run_scoped3A = tpu.sem_alloc : memref<!tpu.dma_semaphore, #tpu.memory_space<semaphore_mem>>
        %dma_start3A_84 = arith.constant 0 : i32
        %dma_start3A_85 = tpu.memref_slice %arg8[%mul3A_81, %dma_start3A_84] : memref<1280x32xf32, #tpu.memory_space<vmem>> -> memref<128x32xf32, #tpu.memory_space<vmem>>
        %dma_start3A_86 = arith.constant 0 : i32
        %dma_start3A_87 = tpu.memref_slice %arg6[%add3A_83, %dma_start3A_86] : memref<40x128xi32, #tpu.memory_space<vmem>> -> memref<1x128xi32, #tpu.memory_space<vmem>>
        %dma_start3A_88 = tpu.memref_squeeze %dma_start3A_87 : memref<1x128xi32, #tpu.memory_space<vmem>> -> memref<128xi32, #tpu.memory_space<vmem>>
        %dma_start3A_89 = arith.constant 0 : i32
        %dma_start3A_90 = arith.constant 0 : i32
        %dma_start3A_91 = tpu.memref_slice %arg9[%dma_start3A_89, %dma_start3A_90] : memref<10016x32xf32, #tpu.memory_space<vmem_shared>> -> memref<10016x32xf32, #tpu.memory_space<vmem_shared>>
        tpu.enqueue_indirect_dma source(%dma_start3A_85 : memref<128x32xf32, #tpu.memory_space<vmem>>) target(%dma_start3A_91 : memref<10016x32xf32, #tpu.memory_space<vmem_shared>>) offsets(%dma_start3A_88 : memref<128xi32, #tpu.memory_space<vmem>>) semaphore(%run_scoped3A : memref<!tpu.dma_semaphore, #tpu.memory_space<semaphore_mem>>) {add = true}
        %dma_wait3A_92 = arith.constant 0 : i32
        %dma_wait3A_93 = tpu.memref_slice %arg8[%mul3A_81, %dma_wait3A_92] : memref<1280x32xf32, #tpu.memory_space<vmem>> -> memref<128x32xf32, #tpu.memory_space<vmem>>
        %dma_wait3A_94 = arith.constant 0 : i32
        %dma_wait3A_95 = tpu.memref_slice %arg6[%add3A_83, %dma_wait3A_94] : memref<40x128xi32, #tpu.memory_space<vmem>> -> memref<1x128xi32, #tpu.memory_space<vmem>>
        %dma_wait3A_96 = tpu.memref_squeeze %dma_wait3A_95 : memref<1x128xi32, #tpu.memory_space<vmem>> -> memref<128xi32, #tpu.memory_space<vmem>>
        %dma_wait3A_97 = arith.constant 0 : i32
        %dma_wait3A_98 = arith.constant 0 : i32
        %dma_wait3A_99 = tpu.memref_slice %arg9[%dma_wait3A_97, %dma_wait3A_98] : memref<10016x32xf32, #tpu.memory_space<vmem_shared>> -> memref<10016x32xf32, #tpu.memory_space<vmem_shared>>
        tpu.wait_indirect_dma semaphore(%run_scoped3A : memref<!tpu.dma_semaphore, #tpu.memory_space<semaphore_mem>>) src(%dma_wait3A_93 : memref<128x32xf32, #tpu.memory_space<vmem>>) dst(%dma_wait3A_99 : memref<10016x32xf32, #tpu.memory_space<vmem_shared>>)
        tpu.yield
      }) : () -> ()
    }
    %scan3A_73 = arith.constant 10 : i32
    %barrier3A_74 = arith.constant 0 : index
    tpu.barrier barrier_id(%barrier3A_74)
    %mul3A_75 = arith.constant 626 : i32
    %mul3A_76 = arith.muli %arg1, %mul3A_75 : i32
    %mul3A_77 = arith.constant 626 : i32
    %mul3A_78 = arith.muli %arg1, %mul3A_77 : i32
    "tpu.region"() ({
      %run_scoped3A = tpu.sem_alloc : memref<!tpu.dma_semaphore, #tpu.memory_space<semaphore_mem>>
      %dma_start3A_79 = arith.constant 0 : i32
      %dma_start3A_80 = tpu.memref_slice %arg5[%arg0, %mul3A_78, %dma_start3A_79] : memref<2x10016x32xf32, #tpu.memory_space<hbm>> -> memref<1x626x32xf32, #tpu.memory_space<hbm>>
      %dma_start3A_81 = tpu.memref_squeeze %dma_start3A_80 : memref<1x626x32xf32, #tpu.memory_space<hbm>> -> memref<626x32xf32, #tpu.memory_space<hbm>>
      %dma_start3A_82 = arith.constant 0 : i32
      %dma_start3A_83 = tpu.memref_slice %arg9[%mul3A_76, %dma_start3A_82] : memref<10016x32xf32, #tpu.memory_space<vmem_shared>> -> memref<626x32xf32, #tpu.memory_space<vmem_shared>>
      tpu.enqueue_dma source(%dma_start3A_83 : memref<626x32xf32, #tpu.memory_space<vmem_shared>>) target(%dma_start3A_81 : memref<626x32xf32, #tpu.memory_space<hbm>>) target_semaphore(%run_scoped3A : memref<!tpu.dma_semaphore, #tpu.memory_space<semaphore_mem>>)
      %dma_wait3A_84 = arith.constant 0 : i32
      %dma_wait3A_85 = tpu.memref_slice %arg5[%arg0, %mul3A_78, %dma_wait3A_84] : memref<2x10016x32xf32, #tpu.memory_space<hbm>> -> memref<1x626x32xf32, #tpu.memory_space<hbm>>
      %dma_wait3A_86 = tpu.memref_squeeze %dma_wait3A_85 : memref<1x626x32xf32, #tpu.memory_space<hbm>> -> memref<626x32xf32, #tpu.memory_space<hbm>>
      %dma_wait3A_87 = arith.constant 0 : i32
      %dma_wait3A_88 = tpu.memref_slice %arg9[%mul3A_76, %dma_wait3A_87] : memref<10016x32xf32, #tpu.memory_space<vmem_shared>> -> memref<626x32xf32, #tpu.memory_space<vmem_shared>>
      tpu.wait_dma2 semaphore(%run_scoped3A : memref<!tpu.dma_semaphore, #tpu.memory_space<semaphore_mem>>) src(%dma_wait3A_88 : memref<626x32xf32, #tpu.memory_space<vmem_shared>>) dst(%dma_wait3A_86 : memref<626x32xf32, #tpu.memory_space<hbm>>)
      tpu.yield
    }) : () -> ()
    return
  }
}

#map = affine_map<(d0, d1) -> (0, 0)>
module attributes {stable_mosaic.version = 14 : i64} {
  func.func @k(%arg0: i32, %arg1: i32, %arg2: memref<10000x16xf32, #tpu.memory_space<hbm>>, %arg3: memref<1280x128xi32, #tpu.memory_space<hbm>>, %arg4: memref<163840x16xf32, #tpu.memory_space<hbm>>, %arg5: memref<40x128xi32, #tpu.memory_space<vmem>>, %arg6: memref<5120x16xf32, #tpu.memory_space<vmem>>, %arg7: memref<!tpu.dma_semaphore, #tpu.memory_space<semaphore_mem>>) attributes {dimension_semantics = [#tpu.dimension_semantics<core_parallel>, #tpu.dimension_semantics<subcore_parallel>], iteration_bounds = array<i64: 2, 16>, scalar_prefetch = 0 : i64, scratch_operands = 3 : i64, tpu.core_type = #tpu.core_type<sc_vector_subcore>, window_params = [{transform_indices = #map}, {transform_indices = #map}, {transform_indices = #map}]} {
    %mul3A = arith.constant 2 : i32
    %mul3A_0 = arith.muli %arg1, %mul3A : i32
    %add3A = arith.addi %mul3A_0, %arg0 : i32
    %mul3A_1 = arith.constant 40 : i32
    %mul3A_2 = arith.muli %add3A, %mul3A_1 : i32
    "tpu.region"() ({
      %run_scoped3A = tpu.sem_alloc : memref<!tpu.dma_semaphore, #tpu.memory_space<semaphore_mem>>
      %dma_start3A = arith.constant 0 : i32
      %dma_start3A_10 = tpu.memref_slice %arg3[%mul3A_2, %dma_start3A] : memref<1280x128xi32, #tpu.memory_space<hbm>> -> memref<40x128xi32, #tpu.memory_space<hbm>>
      %dma_start3A_11 = arith.constant 0 : i32
      %dma_start3A_12 = tpu.memref_slice %arg3[%mul3A_2, %dma_start3A_11] : memref<1280x128xi32, #tpu.memory_space<hbm>> -> memref<40x128xi32, #tpu.memory_space<hbm>>
      tpu.enqueue_dma source(%dma_start3A_12 : memref<40x128xi32, #tpu.memory_space<hbm>>) target(%arg5 : memref<40x128xi32, #tpu.memory_space<vmem>>) target_semaphore(%run_scoped3A : memref<!tpu.dma_semaphore, #tpu.memory_space<semaphore_mem>>)
      %dma_wait3A = arith.constant 0 : i32
      %dma_wait3A_13 = tpu.memref_slice %arg3[%mul3A_2, %dma_wait3A] : memref<1280x128xi32, #tpu.memory_space<hbm>> -> memref<40x128xi32, #tpu.memory_space<hbm>>
      %dma_wait3A_14 = arith.constant 0 : i32
      %dma_wait3A_15 = tpu.memref_slice %arg3[%mul3A_2, %dma_wait3A_14] : memref<1280x128xi32, #tpu.memory_space<hbm>> -> memref<40x128xi32, #tpu.memory_space<hbm>>
      tpu.wait_dma2 semaphore(%run_scoped3A : memref<!tpu.dma_semaphore, #tpu.memory_space<semaphore_mem>>) src(%dma_wait3A_15 : memref<40x128xi32, #tpu.memory_space<hbm>>) dst(%arg5 : memref<40x128xi32, #tpu.memory_space<vmem>>)
      tpu.yield
    }) : () -> ()
    %scan3A = arith.constant 0 : i32
    %scan3A_3 = arith.constant 0 : i32
    %scan3A_4 = arith.constant 2 : i32
    %scan3A_5 = arith.addi %scan3A_3, %scan3A_4 : i32
    %scan3A_6 = arith.constant 1 : i32
    scf.for %scan3A_10 = %scan3A_3 to %scan3A_5 step %scan3A_6  : i32 {
      %mul3A_11 = arith.constant 20 : i32
      %mul3A_12 = arith.muli %scan3A_10, %mul3A_11 : i32
      %add3A_13 = arith.constant 0 : i32
      %add3A_14 = arith.addi %mul3A_12, %add3A_13 : i32
      %mul3A_15 = arith.constant 128 : i32
      %mul3A_16 = arith.muli %add3A_14, %mul3A_15 : i32
      %dma_start3A = arith.constant 0 : i32
      %dma_start3A_17 = tpu.memref_slice %arg6[%mul3A_16, %dma_start3A] : memref<5120x16xf32, #tpu.memory_space<vmem>> -> memref<128x16xf32, #tpu.memory_space<vmem>>
      %dma_start3A_18 = arith.constant 0 : i32
      %dma_start3A_19 = tpu.memref_slice %arg5[%add3A_14, %dma_start3A_18] : memref<40x128xi32, #tpu.memory_space<vmem>> -> memref<1x128xi32, #tpu.memory_space<vmem>>
      %dma_start3A_20 = tpu.memref_squeeze %dma_start3A_19 : memref<1x128xi32, #tpu.memory_space<vmem>> -> memref<128xi32, #tpu.memory_space<vmem>>
      %dma_start3A_21 = arith.constant 0 : i32
      %dma_start3A_22 = arith.constant 0 : i32
      %dma_start3A_23 = tpu.memref_slice %arg2[%dma_start3A_21, %dma_start3A_22] : memref<10000x16xf32, #tpu.memory_space<hbm>> -> memref<10000x16xf32, #tpu.memory_space<hbm>>
      tpu.enqueue_indirect_dma source(%dma_start3A_23 : memref<10000x16xf32, #tpu.memory_space<hbm>>) target(%dma_start3A_17 : memref<128x16xf32, #tpu.memory_space<vmem>>) offsets(%dma_start3A_20 : memref<128xi32, #tpu.memory_space<vmem>>) semaphore(%arg7 : memref<!tpu.dma_semaphore, #tpu.memory_space<semaphore_mem>>)
      %mul3A_24 = arith.constant 20 : i32
      %mul3A_25 = arith.muli %scan3A_10, %mul3A_24 : i32
      %add3A_26 = arith.constant 1 : i32
      %add3A_27 = arith.addi %mul3A_25, %add3A_26 : i32
      %mul3A_28 = arith.constant 128 : i32
      %mul3A_29 = arith.muli %add3A_27, %mul3A_28 : i32
      %dma_start3A_30 = arith.constant 0 : i32
      %dma_start3A_31 = tpu.memref_slice %arg6[%mul3A_29, %dma_start3A_30] : memref<5120x16xf32, #tpu.memory_space<vmem>> -> memref<128x16xf32, #tpu.memory_space<vmem>>
      %dma_start3A_32 = arith.constant 0 : i32
      %dma_start3A_33 = tpu.memref_slice %arg5[%add3A_27, %dma_start3A_32] : memref<40x128xi32, #tpu.memory_space<vmem>> -> memref<1x128xi32, #tpu.memory_space<vmem>>
      %dma_start3A_34 = tpu.memref_squeeze %dma_start3A_33 : memref<1x128xi32, #tpu.memory_space<vmem>> -> memref<128xi32, #tpu.memory_space<vmem>>
      %dma_start3A_35 = arith.constant 0 : i32
      %dma_start3A_36 = arith.constant 0 : i32
      %dma_start3A_37 = tpu.memref_slice %arg2[%dma_start3A_35, %dma_start3A_36] : memref<10000x16xf32, #tpu.memory_space<hbm>> -> memref<10000x16xf32, #tpu.memory_space<hbm>>
      tpu.enqueue_indirect_dma source(%dma_start3A_37 : memref<10000x16xf32, #tpu.memory_space<hbm>>) target(%dma_start3A_31 : memref<128x16xf32, #tpu.memory_space<vmem>>) offsets(%dma_start3A_34 : memref<128xi32, #tpu.memory_space<vmem>>) semaphore(%arg7 : memref<!tpu.dma_semaphore, #tpu.memory_space<semaphore_mem>>)
      %mul3A_38 = arith.constant 20 : i32
      %mul3A_39 = arith.muli %scan3A_10, %mul3A_38 : i32
      %add3A_40 = arith.constant 2 : i32
      %add3A_41 = arith.addi %mul3A_39, %add3A_40 : i32
      %mul3A_42 = arith.constant 128 : i32
      %mul3A_43 = arith.muli %add3A_41, %mul3A_42 : i32
      %dma_start3A_44 = arith.constant 0 : i32
      %dma_start3A_45 = tpu.memref_slice %arg6[%mul3A_43, %dma_start3A_44] : memref<5120x16xf32, #tpu.memory_space<vmem>> -> memref<128x16xf32, #tpu.memory_space<vmem>>
      %dma_start3A_46 = arith.constant 0 : i32
      %dma_start3A_47 = tpu.memref_slice %arg5[%add3A_41, %dma_start3A_46] : memref<40x128xi32, #tpu.memory_space<vmem>> -> memref<1x128xi32, #tpu.memory_space<vmem>>
      %dma_start3A_48 = tpu.memref_squeeze %dma_start3A_47 : memref<1x128xi32, #tpu.memory_space<vmem>> -> memref<128xi32, #tpu.memory_space<vmem>>
      %dma_start3A_49 = arith.constant 0 : i32
      %dma_start3A_50 = arith.constant 0 : i32
      %dma_start3A_51 = tpu.memref_slice %arg2[%dma_start3A_49, %dma_start3A_50] : memref<10000x16xf32, #tpu.memory_space<hbm>> -> memref<10000x16xf32, #tpu.memory_space<hbm>>
      tpu.enqueue_indirect_dma source(%dma_start3A_51 : memref<10000x16xf32, #tpu.memory_space<hbm>>) target(%dma_start3A_45 : memref<128x16xf32, #tpu.memory_space<vmem>>) offsets(%dma_start3A_48 : memref<128xi32, #tpu.memory_space<vmem>>) semaphore(%arg7 : memref<!tpu.dma_semaphore, #tpu.memory_space<semaphore_mem>>)
      %mul3A_52 = arith.constant 20 : i32
      %mul3A_53 = arith.muli %scan3A_10, %mul3A_52 : i32
      %add3A_54 = arith.constant 3 : i32
      %add3A_55 = arith.addi %mul3A_53, %add3A_54 : i32
      %mul3A_56 = arith.constant 128 : i32
      %mul3A_57 = arith.muli %add3A_55, %mul3A_56 : i32
      %dma_start3A_58 = arith.constant 0 : i32
      %dma_start3A_59 = tpu.memref_slice %arg6[%mul3A_57, %dma_start3A_58] : memref<5120x16xf32, #tpu.memory_space<vmem>> -> memref<128x16xf32, #tpu.memory_space<vmem>>
      %dma_start3A_60 = arith.constant 0 : i32
      %dma_start3A_61 = tpu.memref_slice %arg5[%add3A_55, %dma_start3A_60] : memref<40x128xi32, #tpu.memory_space<vmem>> -> memref<1x128xi32, #tpu.memory_space<vmem>>
      %dma_start3A_62 = tpu.memref_squeeze %dma_start3A_61 : memref<1x128xi32, #tpu.memory_space<vmem>> -> memref<128xi32, #tpu.memory_space<vmem>>
      %dma_start3A_63 = arith.constant 0 : i32
      %dma_start3A_64 = arith.constant 0 : i32
      %dma_start3A_65 = tpu.memref_slice %arg2[%dma_start3A_63, %dma_start3A_64] : memref<10000x16xf32, #tpu.memory_space<hbm>> -> memref<10000x16xf32, #tpu.memory_space<hbm>>
      tpu.enqueue_indirect_dma source(%dma_start3A_65 : memref<10000x16xf32, #tpu.memory_space<hbm>>) target(%dma_start3A_59 : memref<128x16xf32, #tpu.memory_space<vmem>>) offsets(%dma_start3A_62 : memref<128xi32, #tpu.memory_space<vmem>>) semaphore(%arg7 : memref<!tpu.dma_semaphore, #tpu.memory_space<semaphore_mem>>)
      %mul3A_66 = arith.constant 20 : i32
      %mul3A_67 = arith.muli %scan3A_10, %mul3A_66 : i32
      %add3A_68 = arith.constant 4 : i32
      %add3A_69 = arith.addi %mul3A_67, %add3A_68 : i32
      %mul3A_70 = arith.constant 128 : i32
      %mul3A_71 = arith.muli %add3A_69, %mul3A_70 : i32
      %dma_start3A_72 = arith.constant 0 : i32
      %dma_start3A_73 = tpu.memref_slice %arg6[%mul3A_71, %dma_start3A_72] : memref<5120x16xf32, #tpu.memory_space<vmem>> -> memref<128x16xf32, #tpu.memory_space<vmem>>
      %dma_start3A_74 = arith.constant 0 : i32
      %dma_start3A_75 = tpu.memref_slice %arg5[%add3A_69, %dma_start3A_74] : memref<40x128xi32, #tpu.memory_space<vmem>> -> memref<1x128xi32, #tpu.memory_space<vmem>>
      %dma_start3A_76 = tpu.memref_squeeze %dma_start3A_75 : memref<1x128xi32, #tpu.memory_space<vmem>> -> memref<128xi32, #tpu.memory_space<vmem>>
      %dma_start3A_77 = arith.constant 0 : i32
      %dma_start3A_78 = arith.constant 0 : i32
      %dma_start3A_79 = tpu.memref_slice %arg2[%dma_start3A_77, %dma_start3A_78] : memref<10000x16xf32, #tpu.memory_space<hbm>> -> memref<10000x16xf32, #tpu.memory_space<hbm>>
      tpu.enqueue_indirect_dma source(%dma_start3A_79 : memref<10000x16xf32, #tpu.memory_space<hbm>>) target(%dma_start3A_73 : memref<128x16xf32, #tpu.memory_space<vmem>>) offsets(%dma_start3A_76 : memref<128xi32, #tpu.memory_space<vmem>>) semaphore(%arg7 : memref<!tpu.dma_semaphore, #tpu.memory_space<semaphore_mem>>)
      %mul3A_80 = arith.constant 20 : i32
      %mul3A_81 = arith.muli %scan3A_10, %mul3A_80 : i32
      %add3A_82 = arith.constant 5 : i32
      %add3A_83 = arith.addi %mul3A_81, %add3A_82 : i32
      %mul3A_84 = arith.constant 128 : i32
      %mul3A_85 = arith.muli %add3A_83, %mul3A_84 : i32
      %dma_start3A_86 = arith.constant 0 : i32
      %dma_start3A_87 = tpu.memref_slice %arg6[%mul3A_85, %dma_start3A_86] : memref<5120x16xf32, #tpu.memory_space<vmem>> -> memref<128x16xf32, #tpu.memory_space<vmem>>
      %dma_start3A_88 = arith.constant 0 : i32
      %dma_start3A_89 = tpu.memref_slice %arg5[%add3A_83, %dma_start3A_88] : memref<40x128xi32, #tpu.memory_space<vmem>> -> memref<1x128xi32, #tpu.memory_space<vmem>>
      %dma_start3A_90 = tpu.memref_squeeze %dma_start3A_89 : memref<1x128xi32, #tpu.memory_space<vmem>> -> memref<128xi32, #tpu.memory_space<vmem>>
      %dma_start3A_91 = arith.constant 0 : i32
      %dma_start3A_92 = arith.constant 0 : i32
      %dma_start3A_93 = tpu.memref_slice %arg2[%dma_start3A_91, %dma_start3A_92] : memref<10000x16xf32, #tpu.memory_space<hbm>> -> memref<10000x16xf32, #tpu.memory_space<hbm>>
      tpu.enqueue_indirect_dma source(%dma_start3A_93 : memref<10000x16xf32, #tpu.memory_space<hbm>>) target(%dma_start3A_87 : memref<128x16xf32, #tpu.memory_space<vmem>>) offsets(%dma_start3A_90 : memref<128xi32, #tpu.memory_space<vmem>>) semaphore(%arg7 : memref<!tpu.dma_semaphore, #tpu.memory_space<semaphore_mem>>)
      %mul3A_94 = arith.constant 20 : i32
      %mul3A_95 = arith.muli %scan3A_10, %mul3A_94 : i32
      %add3A_96 = arith.constant 6 : i32
      %add3A_97 = arith.addi %mul3A_95, %add3A_96 : i32
      %mul3A_98 = arith.constant 128 : i32
      %mul3A_99 = arith.muli %add3A_97, %mul3A_98 : i32
      %dma_start3A_100 = arith.constant 0 : i32
      %dma_start3A_101 = tpu.memref_slice %arg6[%mul3A_99, %dma_start3A_100] : memref<5120x16xf32, #tpu.memory_space<vmem>> -> memref<128x16xf32, #tpu.memory_space<vmem>>
      %dma_start3A_102 = arith.constant 0 : i32
      %dma_start3A_103 = tpu.memref_slice %arg5[%add3A_97, %dma_start3A_102] : memref<40x128xi32, #tpu.memory_space<vmem>> -> memref<1x128xi32, #tpu.memory_space<vmem>>
      %dma_start3A_104 = tpu.memref_squeeze %dma_start3A_103 : memref<1x128xi32, #tpu.memory_space<vmem>> -> memref<128xi32, #tpu.memory_space<vmem>>
      %dma_start3A_105 = arith.constant 0 : i32
      %dma_start3A_106 = arith.constant 0 : i32
      %dma_start3A_107 = tpu.memref_slice %arg2[%dma_start3A_105, %dma_start3A_106] : memref<10000x16xf32, #tpu.memory_space<hbm>> -> memref<10000x16xf32, #tpu.memory_space<hbm>>
      tpu.enqueue_indirect_dma source(%dma_start3A_107 : memref<10000x16xf32, #tpu.memory_space<hbm>>) target(%dma_start3A_101 : memref<128x16xf32, #tpu.memory_space<vmem>>) offsets(%dma_start3A_104 : memref<128xi32, #tpu.memory_space<vmem>>) semaphore(%arg7 : memref<!tpu.dma_semaphore, #tpu.memory_space<semaphore_mem>>)
      %mul3A_108 = arith.constant 20 : i32
      %mul3A_109 = arith.muli %scan3A_10, %mul3A_108 : i32
      %add3A_110 = arith.constant 7 : i32
      %add3A_111 = arith.addi %mul3A_109, %add3A_110 : i32
      %mul3A_112 = arith.constant 128 : i32
      %mul3A_113 = arith.muli %add3A_111, %mul3A_112 : i32
      %dma_start3A_114 = arith.constant 0 : i32
      %dma_start3A_115 = tpu.memref_slice %arg6[%mul3A_113, %dma_start3A_114] : memref<5120x16xf32, #tpu.memory_space<vmem>> -> memref<128x16xf32, #tpu.memory_space<vmem>>
      %dma_start3A_116 = arith.constant 0 : i32
      %dma_start3A_117 = tpu.memref_slice %arg5[%add3A_111, %dma_start3A_116] : memref<40x128xi32, #tpu.memory_space<vmem>> -> memref<1x128xi32, #tpu.memory_space<vmem>>
      %dma_start3A_118 = tpu.memref_squeeze %dma_start3A_117 : memref<1x128xi32, #tpu.memory_space<vmem>> -> memref<128xi32, #tpu.memory_space<vmem>>
      %dma_start3A_119 = arith.constant 0 : i32
      %dma_start3A_120 = arith.constant 0 : i32
      %dma_start3A_121 = tpu.memref_slice %arg2[%dma_start3A_119, %dma_start3A_120] : memref<10000x16xf32, #tpu.memory_space<hbm>> -> memref<10000x16xf32, #tpu.memory_space<hbm>>
      tpu.enqueue_indirect_dma source(%dma_start3A_121 : memref<10000x16xf32, #tpu.memory_space<hbm>>) target(%dma_start3A_115 : memref<128x16xf32, #tpu.memory_space<vmem>>) offsets(%dma_start3A_118 : memref<128xi32, #tpu.memory_space<vmem>>) semaphore(%arg7 : memref<!tpu.dma_semaphore, #tpu.memory_space<semaphore_mem>>)
      %mul3A_122 = arith.constant 20 : i32
      %mul3A_123 = arith.muli %scan3A_10, %mul3A_122 : i32
      %add3A_124 = arith.constant 8 : i32
      %add3A_125 = arith.addi %mul3A_123, %add3A_124 : i32
      %mul3A_126 = arith.constant 128 : i32
      %mul3A_127 = arith.muli %add3A_125, %mul3A_126 : i32
      %dma_start3A_128 = arith.constant 0 : i32
      %dma_start3A_129 = tpu.memref_slice %arg6[%mul3A_127, %dma_start3A_128] : memref<5120x16xf32, #tpu.memory_space<vmem>> -> memref<128x16xf32, #tpu.memory_space<vmem>>
      %dma_start3A_130 = arith.constant 0 : i32
      %dma_start3A_131 = tpu.memref_slice %arg5[%add3A_125, %dma_start3A_130] : memref<40x128xi32, #tpu.memory_space<vmem>> -> memref<1x128xi32, #tpu.memory_space<vmem>>
      %dma_start3A_132 = tpu.memref_squeeze %dma_start3A_131 : memref<1x128xi32, #tpu.memory_space<vmem>> -> memref<128xi32, #tpu.memory_space<vmem>>
      %dma_start3A_133 = arith.constant 0 : i32
      %dma_start3A_134 = arith.constant 0 : i32
      %dma_start3A_135 = tpu.memref_slice %arg2[%dma_start3A_133, %dma_start3A_134] : memref<10000x16xf32, #tpu.memory_space<hbm>> -> memref<10000x16xf32, #tpu.memory_space<hbm>>
      tpu.enqueue_indirect_dma source(%dma_start3A_135 : memref<10000x16xf32, #tpu.memory_space<hbm>>) target(%dma_start3A_129 : memref<128x16xf32, #tpu.memory_space<vmem>>) offsets(%dma_start3A_132 : memref<128xi32, #tpu.memory_space<vmem>>) semaphore(%arg7 : memref<!tpu.dma_semaphore, #tpu.memory_space<semaphore_mem>>)
      %mul3A_136 = arith.constant 20 : i32
      %mul3A_137 = arith.muli %scan3A_10, %mul3A_136 : i32
      %add3A_138 = arith.constant 9 : i32
      %add3A_139 = arith.addi %mul3A_137, %add3A_138 : i32
      %mul3A_140 = arith.constant 128 : i32
      %mul3A_141 = arith.muli %add3A_139, %mul3A_140 : i32
      %dma_start3A_142 = arith.constant 0 : i32
      %dma_start3A_143 = tpu.memref_slice %arg6[%mul3A_141, %dma_start3A_142] : memref<5120x16xf32, #tpu.memory_space<vmem>> -> memref<128x16xf32, #tpu.memory_space<vmem>>
      %dma_start3A_144 = arith.constant 0 : i32
      %dma_start3A_145 = tpu.memref_slice %arg5[%add3A_139, %dma_start3A_144] : memref<40x128xi32, #tpu.memory_space<vmem>> -> memref<1x128xi32, #tpu.memory_space<vmem>>
      %dma_start3A_146 = tpu.memref_squeeze %dma_start3A_145 : memref<1x128xi32, #tpu.memory_space<vmem>> -> memref<128xi32, #tpu.memory_space<vmem>>
      %dma_start3A_147 = arith.constant 0 : i32
      %dma_start3A_148 = arith.constant 0 : i32
      %dma_start3A_149 = tpu.memref_slice %arg2[%dma_start3A_147, %dma_start3A_148] : memref<10000x16xf32, #tpu.memory_space<hbm>> -> memref<10000x16xf32, #tpu.memory_space<hbm>>
      tpu.enqueue_indirect_dma source(%dma_start3A_149 : memref<10000x16xf32, #tpu.memory_space<hbm>>) target(%dma_start3A_143 : memref<128x16xf32, #tpu.memory_space<vmem>>) offsets(%dma_start3A_146 : memref<128xi32, #tpu.memory_space<vmem>>) semaphore(%arg7 : memref<!tpu.dma_semaphore, #tpu.memory_space<semaphore_mem>>)
      %mul3A_150 = arith.constant 20 : i32
      %mul3A_151 = arith.muli %scan3A_10, %mul3A_150 : i32
      %add3A_152 = arith.constant 10 : i32
      %add3A_153 = arith.addi %mul3A_151, %add3A_152 : i32
      %mul3A_154 = arith.constant 128 : i32
      %mul3A_155 = arith.muli %add3A_153, %mul3A_154 : i32
      %dma_start3A_156 = arith.constant 0 : i32
      %dma_start3A_157 = tpu.memref_slice %arg6[%mul3A_155, %dma_start3A_156] : memref<5120x16xf32, #tpu.memory_space<vmem>> -> memref<128x16xf32, #tpu.memory_space<vmem>>
      %dma_start3A_158 = arith.constant 0 : i32
      %dma_start3A_159 = tpu.memref_slice %arg5[%add3A_153, %dma_start3A_158] : memref<40x128xi32, #tpu.memory_space<vmem>> -> memref<1x128xi32, #tpu.memory_space<vmem>>
      %dma_start3A_160 = tpu.memref_squeeze %dma_start3A_159 : memref<1x128xi32, #tpu.memory_space<vmem>> -> memref<128xi32, #tpu.memory_space<vmem>>
      %dma_start3A_161 = arith.constant 0 : i32
      %dma_start3A_162 = arith.constant 0 : i32
      %dma_start3A_163 = tpu.memref_slice %arg2[%dma_start3A_161, %dma_start3A_162] : memref<10000x16xf32, #tpu.memory_space<hbm>> -> memref<10000x16xf32, #tpu.memory_space<hbm>>
      tpu.enqueue_indirect_dma source(%dma_start3A_163 : memref<10000x16xf32, #tpu.memory_space<hbm>>) target(%dma_start3A_157 : memref<128x16xf32, #tpu.memory_space<vmem>>) offsets(%dma_start3A_160 : memref<128xi32, #tpu.memory_space<vmem>>) semaphore(%arg7 : memref<!tpu.dma_semaphore, #tpu.memory_space<semaphore_mem>>)
      %mul3A_164 = arith.constant 20 : i32
      %mul3A_165 = arith.muli %scan3A_10, %mul3A_164 : i32
      %add3A_166 = arith.constant 11 : i32
      %add3A_167 = arith.addi %mul3A_165, %add3A_166 : i32
      %mul3A_168 = arith.constant 128 : i32
      %mul3A_169 = arith.muli %add3A_167, %mul3A_168 : i32
      %dma_start3A_170 = arith.constant 0 : i32
      %dma_start3A_171 = tpu.memref_slice %arg6[%mul3A_169, %dma_start3A_170] : memref<5120x16xf32, #tpu.memory_space<vmem>> -> memref<128x16xf32, #tpu.memory_space<vmem>>
      %dma_start3A_172 = arith.constant 0 : i32
      %dma_start3A_173 = tpu.memref_slice %arg5[%add3A_167, %dma_start3A_172] : memref<40x128xi32, #tpu.memory_space<vmem>> -> memref<1x128xi32, #tpu.memory_space<vmem>>
      %dma_start3A_174 = tpu.memref_squeeze %dma_start3A_173 : memref<1x128xi32, #tpu.memory_space<vmem>> -> memref<128xi32, #tpu.memory_space<vmem>>
      %dma_start3A_175 = arith.constant 0 : i32
      %dma_start3A_176 = arith.constant 0 : i32
      %dma_start3A_177 = tpu.memref_slice %arg2[%dma_start3A_175, %dma_start3A_176] : memref<10000x16xf32, #tpu.memory_space<hbm>> -> memref<10000x16xf32, #tpu.memory_space<hbm>>
      tpu.enqueue_indirect_dma source(%dma_start3A_177 : memref<10000x16xf32, #tpu.memory_space<hbm>>) target(%dma_start3A_171 : memref<128x16xf32, #tpu.memory_space<vmem>>) offsets(%dma_start3A_174 : memref<128xi32, #tpu.memory_space<vmem>>) semaphore(%arg7 : memref<!tpu.dma_semaphore, #tpu.memory_space<semaphore_mem>>)
      %mul3A_178 = arith.constant 20 : i32
      %mul3A_179 = arith.muli %scan3A_10, %mul3A_178 : i32
      %add3A_180 = arith.constant 12 : i32
      %add3A_181 = arith.addi %mul3A_179, %add3A_180 : i32
      %mul3A_182 = arith.constant 128 : i32
      %mul3A_183 = arith.muli %add3A_181, %mul3A_182 : i32
      %dma_start3A_184 = arith.constant 0 : i32
      %dma_start3A_185 = tpu.memref_slice %arg6[%mul3A_183, %dma_start3A_184] : memref<5120x16xf32, #tpu.memory_space<vmem>> -> memref<128x16xf32, #tpu.memory_space<vmem>>
      %dma_start3A_186 = arith.constant 0 : i32
      %dma_start3A_187 = tpu.memref_slice %arg5[%add3A_181, %dma_start3A_186] : memref<40x128xi32, #tpu.memory_space<vmem>> -> memref<1x128xi32, #tpu.memory_space<vmem>>
      %dma_start3A_188 = tpu.memref_squeeze %dma_start3A_187 : memref<1x128xi32, #tpu.memory_space<vmem>> -> memref<128xi32, #tpu.memory_space<vmem>>
      %dma_start3A_189 = arith.constant 0 : i32
      %dma_start3A_190 = arith.constant 0 : i32
      %dma_start3A_191 = tpu.memref_slice %arg2[%dma_start3A_189, %dma_start3A_190] : memref<10000x16xf32, #tpu.memory_space<hbm>> -> memref<10000x16xf32, #tpu.memory_space<hbm>>
      tpu.enqueue_indirect_dma source(%dma_start3A_191 : memref<10000x16xf32, #tpu.memory_space<hbm>>) target(%dma_start3A_185 : memref<128x16xf32, #tpu.memory_space<vmem>>) offsets(%dma_start3A_188 : memref<128xi32, #tpu.memory_space<vmem>>) semaphore(%arg7 : memref<!tpu.dma_semaphore, #tpu.memory_space<semaphore_mem>>)
      %mul3A_192 = arith.constant 20 : i32
      %mul3A_193 = arith.muli %scan3A_10, %mul3A_192 : i32
      %add3A_194 = arith.constant 13 : i32
      %add3A_195 = arith.addi %mul3A_193, %add3A_194 : i32
      %mul3A_196 = arith.constant 128 : i32
      %mul3A_197 = arith.muli %add3A_195, %mul3A_196 : i32
      %dma_start3A_198 = arith.constant 0 : i32
      %dma_start3A_199 = tpu.memref_slice %arg6[%mul3A_197, %dma_start3A_198] : memref<5120x16xf32, #tpu.memory_space<vmem>> -> memref<128x16xf32, #tpu.memory_space<vmem>>
      %dma_start3A_200 = arith.constant 0 : i32
      %dma_start3A_201 = tpu.memref_slice %arg5[%add3A_195, %dma_start3A_200] : memref<40x128xi32, #tpu.memory_space<vmem>> -> memref<1x128xi32, #tpu.memory_space<vmem>>
      %dma_start3A_202 = tpu.memref_squeeze %dma_start3A_201 : memref<1x128xi32, #tpu.memory_space<vmem>> -> memref<128xi32, #tpu.memory_space<vmem>>
      %dma_start3A_203 = arith.constant 0 : i32
      %dma_start3A_204 = arith.constant 0 : i32
      %dma_start3A_205 = tpu.memref_slice %arg2[%dma_start3A_203, %dma_start3A_204] : memref<10000x16xf32, #tpu.memory_space<hbm>> -> memref<10000x16xf32, #tpu.memory_space<hbm>>
      tpu.enqueue_indirect_dma source(%dma_start3A_205 : memref<10000x16xf32, #tpu.memory_space<hbm>>) target(%dma_start3A_199 : memref<128x16xf32, #tpu.memory_space<vmem>>) offsets(%dma_start3A_202 : memref<128xi32, #tpu.memory_space<vmem>>) semaphore(%arg7 : memref<!tpu.dma_semaphore, #tpu.memory_space<semaphore_mem>>)
      %mul3A_206 = arith.constant 20 : i32
      %mul3A_207 = arith.muli %scan3A_10, %mul3A_206 : i32
      %add3A_208 = arith.constant 14 : i32
      %add3A_209 = arith.addi %mul3A_207, %add3A_208 : i32
      %mul3A_210 = arith.constant 128 : i32
      %mul3A_211 = arith.muli %add3A_209, %mul3A_210 : i32
      %dma_start3A_212 = arith.constant 0 : i32
      %dma_start3A_213 = tpu.memref_slice %arg6[%mul3A_211, %dma_start3A_212] : memref<5120x16xf32, #tpu.memory_space<vmem>> -> memref<128x16xf32, #tpu.memory_space<vmem>>
      %dma_start3A_214 = arith.constant 0 : i32
      %dma_start3A_215 = tpu.memref_slice %arg5[%add3A_209, %dma_start3A_214] : memref<40x128xi32, #tpu.memory_space<vmem>> -> memref<1x128xi32, #tpu.memory_space<vmem>>
      %dma_start3A_216 = tpu.memref_squeeze %dma_start3A_215 : memref<1x128xi32, #tpu.memory_space<vmem>> -> memref<128xi32, #tpu.memory_space<vmem>>
      %dma_start3A_217 = arith.constant 0 : i32
      %dma_start3A_218 = arith.constant 0 : i32
      %dma_start3A_219 = tpu.memref_slice %arg2[%dma_start3A_217, %dma_start3A_218] : memref<10000x16xf32, #tpu.memory_space<hbm>> -> memref<10000x16xf32, #tpu.memory_space<hbm>>
      tpu.enqueue_indirect_dma source(%dma_start3A_219 : memref<10000x16xf32, #tpu.memory_space<hbm>>) target(%dma_start3A_213 : memref<128x16xf32, #tpu.memory_space<vmem>>) offsets(%dma_start3A_216 : memref<128xi32, #tpu.memory_space<vmem>>) semaphore(%arg7 : memref<!tpu.dma_semaphore, #tpu.memory_space<semaphore_mem>>)
      %mul3A_220 = arith.constant 20 : i32
      %mul3A_221 = arith.muli %scan3A_10, %mul3A_220 : i32
      %add3A_222 = arith.constant 15 : i32
      %add3A_223 = arith.addi %mul3A_221, %add3A_222 : i32
      %mul3A_224 = arith.constant 128 : i32
      %mul3A_225 = arith.muli %add3A_223, %mul3A_224 : i32
      %dma_start3A_226 = arith.constant 0 : i32
      %dma_start3A_227 = tpu.memref_slice %arg6[%mul3A_225, %dma_start3A_226] : memref<5120x16xf32, #tpu.memory_space<vmem>> -> memref<128x16xf32, #tpu.memory_space<vmem>>
      %dma_start3A_228 = arith.constant 0 : i32
      %dma_start3A_229 = tpu.memref_slice %arg5[%add3A_223, %dma_start3A_228] : memref<40x128xi32, #tpu.memory_space<vmem>> -> memref<1x128xi32, #tpu.memory_space<vmem>>
      %dma_start3A_230 = tpu.memref_squeeze %dma_start3A_229 : memref<1x128xi32, #tpu.memory_space<vmem>> -> memref<128xi32, #tpu.memory_space<vmem>>
      %dma_start3A_231 = arith.constant 0 : i32
      %dma_start3A_232 = arith.constant 0 : i32
      %dma_start3A_233 = tpu.memref_slice %arg2[%dma_start3A_231, %dma_start3A_232] : memref<10000x16xf32, #tpu.memory_space<hbm>> -> memref<10000x16xf32, #tpu.memory_space<hbm>>
      tpu.enqueue_indirect_dma source(%dma_start3A_233 : memref<10000x16xf32, #tpu.memory_space<hbm>>) target(%dma_start3A_227 : memref<128x16xf32, #tpu.memory_space<vmem>>) offsets(%dma_start3A_230 : memref<128xi32, #tpu.memory_space<vmem>>) semaphore(%arg7 : memref<!tpu.dma_semaphore, #tpu.memory_space<semaphore_mem>>)
      %mul3A_234 = arith.constant 20 : i32
      %mul3A_235 = arith.muli %scan3A_10, %mul3A_234 : i32
      %add3A_236 = arith.constant 16 : i32
      %add3A_237 = arith.addi %mul3A_235, %add3A_236 : i32
      %mul3A_238 = arith.constant 128 : i32
      %mul3A_239 = arith.muli %add3A_237, %mul3A_238 : i32
      %dma_start3A_240 = arith.constant 0 : i32
      %dma_start3A_241 = tpu.memref_slice %arg6[%mul3A_239, %dma_start3A_240] : memref<5120x16xf32, #tpu.memory_space<vmem>> -> memref<128x16xf32, #tpu.memory_space<vmem>>
      %dma_start3A_242 = arith.constant 0 : i32
      %dma_start3A_243 = tpu.memref_slice %arg5[%add3A_237, %dma_start3A_242] : memref<40x128xi32, #tpu.memory_space<vmem>> -> memref<1x128xi32, #tpu.memory_space<vmem>>
      %dma_start3A_244 = tpu.memref_squeeze %dma_start3A_243 : memref<1x128xi32, #tpu.memory_space<vmem>> -> memref<128xi32, #tpu.memory_space<vmem>>
      %dma_start3A_245 = arith.constant 0 : i32
      %dma_start3A_246 = arith.constant 0 : i32
      %dma_start3A_247 = tpu.memref_slice %arg2[%dma_start3A_245, %dma_start3A_246] : memref<10000x16xf32, #tpu.memory_space<hbm>> -> memref<10000x16xf32, #tpu.memory_space<hbm>>
      tpu.enqueue_indirect_dma source(%dma_start3A_247 : memref<10000x16xf32, #tpu.memory_space<hbm>>) target(%dma_start3A_241 : memref<128x16xf32, #tpu.memory_space<vmem>>) offsets(%dma_start3A_244 : memref<128xi32, #tpu.memory_space<vmem>>) semaphore(%arg7 : memref<!tpu.dma_semaphore, #tpu.memory_space<semaphore_mem>>)
      %mul3A_248 = arith.constant 20 : i32
      %mul3A_249 = arith.muli %scan3A_10, %mul3A_248 : i32
      %add3A_250 = arith.constant 17 : i32
      %add3A_251 = arith.addi %mul3A_249, %add3A_250 : i32
      %mul3A_252 = arith.constant 128 : i32
      %mul3A_253 = arith.muli %add3A_251, %mul3A_252 : i32
      %dma_start3A_254 = arith.constant 0 : i32
      %dma_start3A_255 = tpu.memref_slice %arg6[%mul3A_253, %dma_start3A_254] : memref<5120x16xf32, #tpu.memory_space<vmem>> -> memref<128x16xf32, #tpu.memory_space<vmem>>
      %dma_start3A_256 = arith.constant 0 : i32
      %dma_start3A_257 = tpu.memref_slice %arg5[%add3A_251, %dma_start3A_256] : memref<40x128xi32, #tpu.memory_space<vmem>> -> memref<1x128xi32, #tpu.memory_space<vmem>>
      %dma_start3A_258 = tpu.memref_squeeze %dma_start3A_257 : memref<1x128xi32, #tpu.memory_space<vmem>> -> memref<128xi32, #tpu.memory_space<vmem>>
      %dma_start3A_259 = arith.constant 0 : i32
      %dma_start3A_260 = arith.constant 0 : i32
      %dma_start3A_261 = tpu.memref_slice %arg2[%dma_start3A_259, %dma_start3A_260] : memref<10000x16xf32, #tpu.memory_space<hbm>> -> memref<10000x16xf32, #tpu.memory_space<hbm>>
      tpu.enqueue_indirect_dma source(%dma_start3A_261 : memref<10000x16xf32, #tpu.memory_space<hbm>>) target(%dma_start3A_255 : memref<128x16xf32, #tpu.memory_space<vmem>>) offsets(%dma_start3A_258 : memref<128xi32, #tpu.memory_space<vmem>>) semaphore(%arg7 : memref<!tpu.dma_semaphore, #tpu.memory_space<semaphore_mem>>)
      %mul3A_262 = arith.constant 20 : i32
      %mul3A_263 = arith.muli %scan3A_10, %mul3A_262 : i32
      %add3A_264 = arith.constant 18 : i32
      %add3A_265 = arith.addi %mul3A_263, %add3A_264 : i32
      %mul3A_266 = arith.constant 128 : i32
      %mul3A_267 = arith.muli %add3A_265, %mul3A_266 : i32
      %dma_start3A_268 = arith.constant 0 : i32
      %dma_start3A_269 = tpu.memref_slice %arg6[%mul3A_267, %dma_start3A_268] : memref<5120x16xf32, #tpu.memory_space<vmem>> -> memref<128x16xf32, #tpu.memory_space<vmem>>
      %dma_start3A_270 = arith.constant 0 : i32
      %dma_start3A_271 = tpu.memref_slice %arg5[%add3A_265, %dma_start3A_270] : memref<40x128xi32, #tpu.memory_space<vmem>> -> memref<1x128xi32, #tpu.memory_space<vmem>>
      %dma_start3A_272 = tpu.memref_squeeze %dma_start3A_271 : memref<1x128xi32, #tpu.memory_space<vmem>> -> memref<128xi32, #tpu.memory_space<vmem>>
      %dma_start3A_273 = arith.constant 0 : i32
      %dma_start3A_274 = arith.constant 0 : i32
      %dma_start3A_275 = tpu.memref_slice %arg2[%dma_start3A_273, %dma_start3A_274] : memref<10000x16xf32, #tpu.memory_space<hbm>> -> memref<10000x16xf32, #tpu.memory_space<hbm>>
      tpu.enqueue_indirect_dma source(%dma_start3A_275 : memref<10000x16xf32, #tpu.memory_space<hbm>>) target(%dma_start3A_269 : memref<128x16xf32, #tpu.memory_space<vmem>>) offsets(%dma_start3A_272 : memref<128xi32, #tpu.memory_space<vmem>>) semaphore(%arg7 : memref<!tpu.dma_semaphore, #tpu.memory_space<semaphore_mem>>)
      %mul3A_276 = arith.constant 20 : i32
      %mul3A_277 = arith.muli %scan3A_10, %mul3A_276 : i32
      %add3A_278 = arith.constant 19 : i32
      %add3A_279 = arith.addi %mul3A_277, %add3A_278 : i32
      %mul3A_280 = arith.constant 128 : i32
      %mul3A_281 = arith.muli %add3A_279, %mul3A_280 : i32
      %dma_start3A_282 = arith.constant 0 : i32
      %dma_start3A_283 = tpu.memref_slice %arg6[%mul3A_281, %dma_start3A_282] : memref<5120x16xf32, #tpu.memory_space<vmem>> -> memref<128x16xf32, #tpu.memory_space<vmem>>
      %dma_start3A_284 = arith.constant 0 : i32
      %dma_start3A_285 = tpu.memref_slice %arg5[%add3A_279, %dma_start3A_284] : memref<40x128xi32, #tpu.memory_space<vmem>> -> memref<1x128xi32, #tpu.memory_space<vmem>>
      %dma_start3A_286 = tpu.memref_squeeze %dma_start3A_285 : memref<1x128xi32, #tpu.memory_space<vmem>> -> memref<128xi32, #tpu.memory_space<vmem>>
      %dma_start3A_287 = arith.constant 0 : i32
      %dma_start3A_288 = arith.constant 0 : i32
      %dma_start3A_289 = tpu.memref_slice %arg2[%dma_start3A_287, %dma_start3A_288] : memref<10000x16xf32, #tpu.memory_space<hbm>> -> memref<10000x16xf32, #tpu.memory_space<hbm>>
      tpu.enqueue_indirect_dma source(%dma_start3A_289 : memref<10000x16xf32, #tpu.memory_space<hbm>>) target(%dma_start3A_283 : memref<128x16xf32, #tpu.memory_space<vmem>>) offsets(%dma_start3A_286 : memref<128xi32, #tpu.memory_space<vmem>>) semaphore(%arg7 : memref<!tpu.dma_semaphore, #tpu.memory_space<semaphore_mem>>)
      %dma_wait3A = arith.constant 0 : i32
      %dma_wait3A_290 = tpu.memref_slice %arg6[%mul3A_16, %dma_wait3A] : memref<5120x16xf32, #tpu.memory_space<vmem>> -> memref<128x16xf32, #tpu.memory_space<vmem>>
      %dma_wait3A_291 = arith.constant 0 : i32
      %dma_wait3A_292 = tpu.memref_slice %arg5[%add3A_14, %dma_wait3A_291] : memref<40x128xi32, #tpu.memory_space<vmem>> -> memref<1x128xi32, #tpu.memory_space<vmem>>
      %dma_wait3A_293 = tpu.memref_squeeze %dma_wait3A_292 : memref<1x128xi32, #tpu.memory_space<vmem>> -> memref<128xi32, #tpu.memory_space<vmem>>
      %dma_wait3A_294 = arith.constant 0 : i32
      %dma_wait3A_295 = arith.constant 0 : i32
      %dma_wait3A_296 = tpu.memref_slice %arg2[%dma_wait3A_294, %dma_wait3A_295] : memref<10000x16xf32, #tpu.memory_space<hbm>> -> memref<10000x16xf32, #tpu.memory_space<hbm>>
      tpu.wait_indirect_dma semaphore(%arg7 : memref<!tpu.dma_semaphore, #tpu.memory_space<semaphore_mem>>) src(%dma_wait3A_296 : memref<10000x16xf32, #tpu.memory_space<hbm>>) dst(%dma_wait3A_290 : memref<128x16xf32, #tpu.memory_space<vmem>>)
      %dma_wait3A_297 = arith.constant 0 : i32
      %dma_wait3A_298 = tpu.memref_slice %arg6[%mul3A_29, %dma_wait3A_297] : memref<5120x16xf32, #tpu.memory_space<vmem>> -> memref<128x16xf32, #tpu.memory_space<vmem>>
      %dma_wait3A_299 = arith.constant 0 : i32
      %dma_wait3A_300 = tpu.memref_slice %arg5[%add3A_27, %dma_wait3A_299] : memref<40x128xi32, #tpu.memory_space<vmem>> -> memref<1x128xi32, #tpu.memory_space<vmem>>
      %dma_wait3A_301 = tpu.memref_squeeze %dma_wait3A_300 : memref<1x128xi32, #tpu.memory_space<vmem>> -> memref<128xi32, #tpu.memory_space<vmem>>
      %dma_wait3A_302 = arith.constant 0 : i32
      %dma_wait3A_303 = arith.constant 0 : i32
      %dma_wait3A_304 = tpu.memref_slice %arg2[%dma_wait3A_302, %dma_wait3A_303] : memref<10000x16xf32, #tpu.memory_space<hbm>> -> memref<10000x16xf32, #tpu.memory_space<hbm>>
      tpu.wait_indirect_dma semaphore(%arg7 : memref<!tpu.dma_semaphore, #tpu.memory_space<semaphore_mem>>) src(%dma_wait3A_304 : memref<10000x16xf32, #tpu.memory_space<hbm>>) dst(%dma_wait3A_298 : memref<128x16xf32, #tpu.memory_space<vmem>>)
      %dma_wait3A_305 = arith.constant 0 : i32
      %dma_wait3A_306 = tpu.memref_slice %arg6[%mul3A_43, %dma_wait3A_305] : memref<5120x16xf32, #tpu.memory_space<vmem>> -> memref<128x16xf32, #tpu.memory_space<vmem>>
      %dma_wait3A_307 = arith.constant 0 : i32
      %dma_wait3A_308 = tpu.memref_slice %arg5[%add3A_41, %dma_wait3A_307] : memref<40x128xi32, #tpu.memory_space<vmem>> -> memref<1x128xi32, #tpu.memory_space<vmem>>
      %dma_wait3A_309 = tpu.memref_squeeze %dma_wait3A_308 : memref<1x128xi32, #tpu.memory_space<vmem>> -> memref<128xi32, #tpu.memory_space<vmem>>
      %dma_wait3A_310 = arith.constant 0 : i32
      %dma_wait3A_311 = arith.constant 0 : i32
      %dma_wait3A_312 = tpu.memref_slice %arg2[%dma_wait3A_310, %dma_wait3A_311] : memref<10000x16xf32, #tpu.memory_space<hbm>> -> memref<10000x16xf32, #tpu.memory_space<hbm>>
      tpu.wait_indirect_dma semaphore(%arg7 : memref<!tpu.dma_semaphore, #tpu.memory_space<semaphore_mem>>) src(%dma_wait3A_312 : memref<10000x16xf32, #tpu.memory_space<hbm>>) dst(%dma_wait3A_306 : memref<128x16xf32, #tpu.memory_space<vmem>>)
      %dma_wait3A_313 = arith.constant 0 : i32
      %dma_wait3A_314 = tpu.memref_slice %arg6[%mul3A_57, %dma_wait3A_313] : memref<5120x16xf32, #tpu.memory_space<vmem>> -> memref<128x16xf32, #tpu.memory_space<vmem>>
      %dma_wait3A_315 = arith.constant 0 : i32
      %dma_wait3A_316 = tpu.memref_slice %arg5[%add3A_55, %dma_wait3A_315] : memref<40x128xi32, #tpu.memory_space<vmem>> -> memref<1x128xi32, #tpu.memory_space<vmem>>
      %dma_wait3A_317 = tpu.memref_squeeze %dma_wait3A_316 : memref<1x128xi32, #tpu.memory_space<vmem>> -> memref<128xi32, #tpu.memory_space<vmem>>
      %dma_wait3A_318 = arith.constant 0 : i32
      %dma_wait3A_319 = arith.constant 0 : i32
      %dma_wait3A_320 = tpu.memref_slice %arg2[%dma_wait3A_318, %dma_wait3A_319] : memref<10000x16xf32, #tpu.memory_space<hbm>> -> memref<10000x16xf32, #tpu.memory_space<hbm>>
      tpu.wait_indirect_dma semaphore(%arg7 : memref<!tpu.dma_semaphore, #tpu.memory_space<semaphore_mem>>) src(%dma_wait3A_320 : memref<10000x16xf32, #tpu.memory_space<hbm>>) dst(%dma_wait3A_314 : memref<128x16xf32, #tpu.memory_space<vmem>>)
      %dma_wait3A_321 = arith.constant 0 : i32
      %dma_wait3A_322 = tpu.memref_slice %arg6[%mul3A_71, %dma_wait3A_321] : memref<5120x16xf32, #tpu.memory_space<vmem>> -> memref<128x16xf32, #tpu.memory_space<vmem>>
      %dma_wait3A_323 = arith.constant 0 : i32
      %dma_wait3A_324 = tpu.memref_slice %arg5[%add3A_69, %dma_wait3A_323] : memref<40x128xi32, #tpu.memory_space<vmem>> -> memref<1x128xi32, #tpu.memory_space<vmem>>
      %dma_wait3A_325 = tpu.memref_squeeze %dma_wait3A_324 : memref<1x128xi32, #tpu.memory_space<vmem>> -> memref<128xi32, #tpu.memory_space<vmem>>
      %dma_wait3A_326 = arith.constant 0 : i32
      %dma_wait3A_327 = arith.constant 0 : i32
      %dma_wait3A_328 = tpu.memref_slice %arg2[%dma_wait3A_326, %dma_wait3A_327] : memref<10000x16xf32, #tpu.memory_space<hbm>> -> memref<10000x16xf32, #tpu.memory_space<hbm>>
      tpu.wait_indirect_dma semaphore(%arg7 : memref<!tpu.dma_semaphore, #tpu.memory_space<semaphore_mem>>) src(%dma_wait3A_328 : memref<10000x16xf32, #tpu.memory_space<hbm>>) dst(%dma_wait3A_322 : memref<128x16xf32, #tpu.memory_space<vmem>>)
      %dma_wait3A_329 = arith.constant 0 : i32
      %dma_wait3A_330 = tpu.memref_slice %arg6[%mul3A_85, %dma_wait3A_329] : memref<5120x16xf32, #tpu.memory_space<vmem>> -> memref<128x16xf32, #tpu.memory_space<vmem>>
      %dma_wait3A_331 = arith.constant 0 : i32
      %dma_wait3A_332 = tpu.memref_slice %arg5[%add3A_83, %dma_wait3A_331] : memref<40x128xi32, #tpu.memory_space<vmem>> -> memref<1x128xi32, #tpu.memory_space<vmem>>
      %dma_wait3A_333 = tpu.memref_squeeze %dma_wait3A_332 : memref<1x128xi32, #tpu.memory_space<vmem>> -> memref<128xi32, #tpu.memory_space<vmem>>
      %dma_wait3A_334 = arith.constant 0 : i32
      %dma_wait3A_335 = arith.constant 0 : i32
      %dma_wait3A_336 = tpu.memref_slice %arg2[%dma_wait3A_334, %dma_wait3A_335] : memref<10000x16xf32, #tpu.memory_space<hbm>> -> memref<10000x16xf32, #tpu.memory_space<hbm>>
      tpu.wait_indirect_dma semaphore(%arg7 : memref<!tpu.dma_semaphore, #tpu.memory_space<semaphore_mem>>) src(%dma_wait3A_336 : memref<10000x16xf32, #tpu.memory_space<hbm>>) dst(%dma_wait3A_330 : memref<128x16xf32, #tpu.memory_space<vmem>>)
      %dma_wait3A_337 = arith.constant 0 : i32
      %dma_wait3A_338 = tpu.memref_slice %arg6[%mul3A_99, %dma_wait3A_337] : memref<5120x16xf32, #tpu.memory_space<vmem>> -> memref<128x16xf32, #tpu.memory_space<vmem>>
      %dma_wait3A_339 = arith.constant 0 : i32
      %dma_wait3A_340 = tpu.memref_slice %arg5[%add3A_97, %dma_wait3A_339] : memref<40x128xi32, #tpu.memory_space<vmem>> -> memref<1x128xi32, #tpu.memory_space<vmem>>
      %dma_wait3A_341 = tpu.memref_squeeze %dma_wait3A_340 : memref<1x128xi32, #tpu.memory_space<vmem>> -> memref<128xi32, #tpu.memory_space<vmem>>
      %dma_wait3A_342 = arith.constant 0 : i32
      %dma_wait3A_343 = arith.constant 0 : i32
      %dma_wait3A_344 = tpu.memref_slice %arg2[%dma_wait3A_342, %dma_wait3A_343] : memref<10000x16xf32, #tpu.memory_space<hbm>> -> memref<10000x16xf32, #tpu.memory_space<hbm>>
      tpu.wait_indirect_dma semaphore(%arg7 : memref<!tpu.dma_semaphore, #tpu.memory_space<semaphore_mem>>) src(%dma_wait3A_344 : memref<10000x16xf32, #tpu.memory_space<hbm>>) dst(%dma_wait3A_338 : memref<128x16xf32, #tpu.memory_space<vmem>>)
      %dma_wait3A_345 = arith.constant 0 : i32
      %dma_wait3A_346 = tpu.memref_slice %arg6[%mul3A_113, %dma_wait3A_345] : memref<5120x16xf32, #tpu.memory_space<vmem>> -> memref<128x16xf32, #tpu.memory_space<vmem>>
      %dma_wait3A_347 = arith.constant 0 : i32
      %dma_wait3A_348 = tpu.memref_slice %arg5[%add3A_111, %dma_wait3A_347] : memref<40x128xi32, #tpu.memory_space<vmem>> -> memref<1x128xi32, #tpu.memory_space<vmem>>
      %dma_wait3A_349 = tpu.memref_squeeze %dma_wait3A_348 : memref<1x128xi32, #tpu.memory_space<vmem>> -> memref<128xi32, #tpu.memory_space<vmem>>
      %dma_wait3A_350 = arith.constant 0 : i32
      %dma_wait3A_351 = arith.constant 0 : i32
      %dma_wait3A_352 = tpu.memref_slice %arg2[%dma_wait3A_350, %dma_wait3A_351] : memref<10000x16xf32, #tpu.memory_space<hbm>> -> memref<10000x16xf32, #tpu.memory_space<hbm>>
      tpu.wait_indirect_dma semaphore(%arg7 : memref<!tpu.dma_semaphore, #tpu.memory_space<semaphore_mem>>) src(%dma_wait3A_352 : memref<10000x16xf32, #tpu.memory_space<hbm>>) dst(%dma_wait3A_346 : memref<128x16xf32, #tpu.memory_space<vmem>>)
      %dma_wait3A_353 = arith.constant 0 : i32
      %dma_wait3A_354 = tpu.memref_slice %arg6[%mul3A_127, %dma_wait3A_353] : memref<5120x16xf32, #tpu.memory_space<vmem>> -> memref<128x16xf32, #tpu.memory_space<vmem>>
      %dma_wait3A_355 = arith.constant 0 : i32
      %dma_wait3A_356 = tpu.memref_slice %arg5[%add3A_125, %dma_wait3A_355] : memref<40x128xi32, #tpu.memory_space<vmem>> -> memref<1x128xi32, #tpu.memory_space<vmem>>
      %dma_wait3A_357 = tpu.memref_squeeze %dma_wait3A_356 : memref<1x128xi32, #tpu.memory_space<vmem>> -> memref<128xi32, #tpu.memory_space<vmem>>
      %dma_wait3A_358 = arith.constant 0 : i32
      %dma_wait3A_359 = arith.constant 0 : i32
      %dma_wait3A_360 = tpu.memref_slice %arg2[%dma_wait3A_358, %dma_wait3A_359] : memref<10000x16xf32, #tpu.memory_space<hbm>> -> memref<10000x16xf32, #tpu.memory_space<hbm>>
      tpu.wait_indirect_dma semaphore(%arg7 : memref<!tpu.dma_semaphore, #tpu.memory_space<semaphore_mem>>) src(%dma_wait3A_360 : memref<10000x16xf32, #tpu.memory_space<hbm>>) dst(%dma_wait3A_354 : memref<128x16xf32, #tpu.memory_space<vmem>>)
      %dma_wait3A_361 = arith.constant 0 : i32
      %dma_wait3A_362 = tpu.memref_slice %arg6[%mul3A_141, %dma_wait3A_361] : memref<5120x16xf32, #tpu.memory_space<vmem>> -> memref<128x16xf32, #tpu.memory_space<vmem>>
      %dma_wait3A_363 = arith.constant 0 : i32
      %dma_wait3A_364 = tpu.memref_slice %arg5[%add3A_139, %dma_wait3A_363] : memref<40x128xi32, #tpu.memory_space<vmem>> -> memref<1x128xi32, #tpu.memory_space<vmem>>
      %dma_wait3A_365 = tpu.memref_squeeze %dma_wait3A_364 : memref<1x128xi32, #tpu.memory_space<vmem>> -> memref<128xi32, #tpu.memory_space<vmem>>
      %dma_wait3A_366 = arith.constant 0 : i32
      %dma_wait3A_367 = arith.constant 0 : i32
      %dma_wait3A_368 = tpu.memref_slice %arg2[%dma_wait3A_366, %dma_wait3A_367] : memref<10000x16xf32, #tpu.memory_space<hbm>> -> memref<10000x16xf32, #tpu.memory_space<hbm>>
      tpu.wait_indirect_dma semaphore(%arg7 : memref<!tpu.dma_semaphore, #tpu.memory_space<semaphore_mem>>) src(%dma_wait3A_368 : memref<10000x16xf32, #tpu.memory_space<hbm>>) dst(%dma_wait3A_362 : memref<128x16xf32, #tpu.memory_space<vmem>>)
      %dma_wait3A_369 = arith.constant 0 : i32
      %dma_wait3A_370 = tpu.memref_slice %arg6[%mul3A_155, %dma_wait3A_369] : memref<5120x16xf32, #tpu.memory_space<vmem>> -> memref<128x16xf32, #tpu.memory_space<vmem>>
      %dma_wait3A_371 = arith.constant 0 : i32
      %dma_wait3A_372 = tpu.memref_slice %arg5[%add3A_153, %dma_wait3A_371] : memref<40x128xi32, #tpu.memory_space<vmem>> -> memref<1x128xi32, #tpu.memory_space<vmem>>
      %dma_wait3A_373 = tpu.memref_squeeze %dma_wait3A_372 : memref<1x128xi32, #tpu.memory_space<vmem>> -> memref<128xi32, #tpu.memory_space<vmem>>
      %dma_wait3A_374 = arith.constant 0 : i32
      %dma_wait3A_375 = arith.constant 0 : i32
      %dma_wait3A_376 = tpu.memref_slice %arg2[%dma_wait3A_374, %dma_wait3A_375] : memref<10000x16xf32, #tpu.memory_space<hbm>> -> memref<10000x16xf32, #tpu.memory_space<hbm>>
      tpu.wait_indirect_dma semaphore(%arg7 : memref<!tpu.dma_semaphore, #tpu.memory_space<semaphore_mem>>) src(%dma_wait3A_376 : memref<10000x16xf32, #tpu.memory_space<hbm>>) dst(%dma_wait3A_370 : memref<128x16xf32, #tpu.memory_space<vmem>>)
      %dma_wait3A_377 = arith.constant 0 : i32
      %dma_wait3A_378 = tpu.memref_slice %arg6[%mul3A_169, %dma_wait3A_377] : memref<5120x16xf32, #tpu.memory_space<vmem>> -> memref<128x16xf32, #tpu.memory_space<vmem>>
      %dma_wait3A_379 = arith.constant 0 : i32
      %dma_wait3A_380 = tpu.memref_slice %arg5[%add3A_167, %dma_wait3A_379] : memref<40x128xi32, #tpu.memory_space<vmem>> -> memref<1x128xi32, #tpu.memory_space<vmem>>
      %dma_wait3A_381 = tpu.memref_squeeze %dma_wait3A_380 : memref<1x128xi32, #tpu.memory_space<vmem>> -> memref<128xi32, #tpu.memory_space<vmem>>
      %dma_wait3A_382 = arith.constant 0 : i32
      %dma_wait3A_383 = arith.constant 0 : i32
      %dma_wait3A_384 = tpu.memref_slice %arg2[%dma_wait3A_382, %dma_wait3A_383] : memref<10000x16xf32, #tpu.memory_space<hbm>> -> memref<10000x16xf32, #tpu.memory_space<hbm>>
      tpu.wait_indirect_dma semaphore(%arg7 : memref<!tpu.dma_semaphore, #tpu.memory_space<semaphore_mem>>) src(%dma_wait3A_384 : memref<10000x16xf32, #tpu.memory_space<hbm>>) dst(%dma_wait3A_378 : memref<128x16xf32, #tpu.memory_space<vmem>>)
      %dma_wait3A_385 = arith.constant 0 : i32
      %dma_wait3A_386 = tpu.memref_slice %arg6[%mul3A_183, %dma_wait3A_385] : memref<5120x16xf32, #tpu.memory_space<vmem>> -> memref<128x16xf32, #tpu.memory_space<vmem>>
      %dma_wait3A_387 = arith.constant 0 : i32
      %dma_wait3A_388 = tpu.memref_slice %arg5[%add3A_181, %dma_wait3A_387] : memref<40x128xi32, #tpu.memory_space<vmem>> -> memref<1x128xi32, #tpu.memory_space<vmem>>
      %dma_wait3A_389 = tpu.memref_squeeze %dma_wait3A_388 : memref<1x128xi32, #tpu.memory_space<vmem>> -> memref<128xi32, #tpu.memory_space<vmem>>
      %dma_wait3A_390 = arith.constant 0 : i32
      %dma_wait3A_391 = arith.constant 0 : i32
      %dma_wait3A_392 = tpu.memref_slice %arg2[%dma_wait3A_390, %dma_wait3A_391] : memref<10000x16xf32, #tpu.memory_space<hbm>> -> memref<10000x16xf32, #tpu.memory_space<hbm>>
      tpu.wait_indirect_dma semaphore(%arg7 : memref<!tpu.dma_semaphore, #tpu.memory_space<semaphore_mem>>) src(%dma_wait3A_392 : memref<10000x16xf32, #tpu.memory_space<hbm>>) dst(%dma_wait3A_386 : memref<128x16xf32, #tpu.memory_space<vmem>>)
      %dma_wait3A_393 = arith.constant 0 : i32
      %dma_wait3A_394 = tpu.memref_slice %arg6[%mul3A_197, %dma_wait3A_393] : memref<5120x16xf32, #tpu.memory_space<vmem>> -> memref<128x16xf32, #tpu.memory_space<vmem>>
      %dma_wait3A_395 = arith.constant 0 : i32
      %dma_wait3A_396 = tpu.memref_slice %arg5[%add3A_195, %dma_wait3A_395] : memref<40x128xi32, #tpu.memory_space<vmem>> -> memref<1x128xi32, #tpu.memory_space<vmem>>
      %dma_wait3A_397 = tpu.memref_squeeze %dma_wait3A_396 : memref<1x128xi32, #tpu.memory_space<vmem>> -> memref<128xi32, #tpu.memory_space<vmem>>
      %dma_wait3A_398 = arith.constant 0 : i32
      %dma_wait3A_399 = arith.constant 0 : i32
      %dma_wait3A_400 = tpu.memref_slice %arg2[%dma_wait3A_398, %dma_wait3A_399] : memref<10000x16xf32, #tpu.memory_space<hbm>> -> memref<10000x16xf32, #tpu.memory_space<hbm>>
      tpu.wait_indirect_dma semaphore(%arg7 : memref<!tpu.dma_semaphore, #tpu.memory_space<semaphore_mem>>) src(%dma_wait3A_400 : memref<10000x16xf32, #tpu.memory_space<hbm>>) dst(%dma_wait3A_394 : memref<128x16xf32, #tpu.memory_space<vmem>>)
      %dma_wait3A_401 = arith.constant 0 : i32
      %dma_wait3A_402 = tpu.memref_slice %arg6[%mul3A_211, %dma_wait3A_401] : memref<5120x16xf32, #tpu.memory_space<vmem>> -> memref<128x16xf32, #tpu.memory_space<vmem>>
      %dma_wait3A_403 = arith.constant 0 : i32
      %dma_wait3A_404 = tpu.memref_slice %arg5[%add3A_209, %dma_wait3A_403] : memref<40x128xi32, #tpu.memory_space<vmem>> -> memref<1x128xi32, #tpu.memory_space<vmem>>
      %dma_wait3A_405 = tpu.memref_squeeze %dma_wait3A_404 : memref<1x128xi32, #tpu.memory_space<vmem>> -> memref<128xi32, #tpu.memory_space<vmem>>
      %dma_wait3A_406 = arith.constant 0 : i32
      %dma_wait3A_407 = arith.constant 0 : i32
      %dma_wait3A_408 = tpu.memref_slice %arg2[%dma_wait3A_406, %dma_wait3A_407] : memref<10000x16xf32, #tpu.memory_space<hbm>> -> memref<10000x16xf32, #tpu.memory_space<hbm>>
      tpu.wait_indirect_dma semaphore(%arg7 : memref<!tpu.dma_semaphore, #tpu.memory_space<semaphore_mem>>) src(%dma_wait3A_408 : memref<10000x16xf32, #tpu.memory_space<hbm>>) dst(%dma_wait3A_402 : memref<128x16xf32, #tpu.memory_space<vmem>>)
      %dma_wait3A_409 = arith.constant 0 : i32
      %dma_wait3A_410 = tpu.memref_slice %arg6[%mul3A_225, %dma_wait3A_409] : memref<5120x16xf32, #tpu.memory_space<vmem>> -> memref<128x16xf32, #tpu.memory_space<vmem>>
      %dma_wait3A_411 = arith.constant 0 : i32
      %dma_wait3A_412 = tpu.memref_slice %arg5[%add3A_223, %dma_wait3A_411] : memref<40x128xi32, #tpu.memory_space<vmem>> -> memref<1x128xi32, #tpu.memory_space<vmem>>
      %dma_wait3A_413 = tpu.memref_squeeze %dma_wait3A_412 : memref<1x128xi32, #tpu.memory_space<vmem>> -> memref<128xi32, #tpu.memory_space<vmem>>
      %dma_wait3A_414 = arith.constant 0 : i32
      %dma_wait3A_415 = arith.constant 0 : i32
      %dma_wait3A_416 = tpu.memref_slice %arg2[%dma_wait3A_414, %dma_wait3A_415] : memref<10000x16xf32, #tpu.memory_space<hbm>> -> memref<10000x16xf32, #tpu.memory_space<hbm>>
      tpu.wait_indirect_dma semaphore(%arg7 : memref<!tpu.dma_semaphore, #tpu.memory_space<semaphore_mem>>) src(%dma_wait3A_416 : memref<10000x16xf32, #tpu.memory_space<hbm>>) dst(%dma_wait3A_410 : memref<128x16xf32, #tpu.memory_space<vmem>>)
      %dma_wait3A_417 = arith.constant 0 : i32
      %dma_wait3A_418 = tpu.memref_slice %arg6[%mul3A_239, %dma_wait3A_417] : memref<5120x16xf32, #tpu.memory_space<vmem>> -> memref<128x16xf32, #tpu.memory_space<vmem>>
      %dma_wait3A_419 = arith.constant 0 : i32
      %dma_wait3A_420 = tpu.memref_slice %arg5[%add3A_237, %dma_wait3A_419] : memref<40x128xi32, #tpu.memory_space<vmem>> -> memref<1x128xi32, #tpu.memory_space<vmem>>
      %dma_wait3A_421 = tpu.memref_squeeze %dma_wait3A_420 : memref<1x128xi32, #tpu.memory_space<vmem>> -> memref<128xi32, #tpu.memory_space<vmem>>
      %dma_wait3A_422 = arith.constant 0 : i32
      %dma_wait3A_423 = arith.constant 0 : i32
      %dma_wait3A_424 = tpu.memref_slice %arg2[%dma_wait3A_422, %dma_wait3A_423] : memref<10000x16xf32, #tpu.memory_space<hbm>> -> memref<10000x16xf32, #tpu.memory_space<hbm>>
      tpu.wait_indirect_dma semaphore(%arg7 : memref<!tpu.dma_semaphore, #tpu.memory_space<semaphore_mem>>) src(%dma_wait3A_424 : memref<10000x16xf32, #tpu.memory_space<hbm>>) dst(%dma_wait3A_418 : memref<128x16xf32, #tpu.memory_space<vmem>>)
      %dma_wait3A_425 = arith.constant 0 : i32
      %dma_wait3A_426 = tpu.memref_slice %arg6[%mul3A_253, %dma_wait3A_425] : memref<5120x16xf32, #tpu.memory_space<vmem>> -> memref<128x16xf32, #tpu.memory_space<vmem>>
      %dma_wait3A_427 = arith.constant 0 : i32
      %dma_wait3A_428 = tpu.memref_slice %arg5[%add3A_251, %dma_wait3A_427] : memref<40x128xi32, #tpu.memory_space<vmem>> -> memref<1x128xi32, #tpu.memory_space<vmem>>
      %dma_wait3A_429 = tpu.memref_squeeze %dma_wait3A_428 : memref<1x128xi32, #tpu.memory_space<vmem>> -> memref<128xi32, #tpu.memory_space<vmem>>
      %dma_wait3A_430 = arith.constant 0 : i32
      %dma_wait3A_431 = arith.constant 0 : i32
      %dma_wait3A_432 = tpu.memref_slice %arg2[%dma_wait3A_430, %dma_wait3A_431] : memref<10000x16xf32, #tpu.memory_space<hbm>> -> memref<10000x16xf32, #tpu.memory_space<hbm>>
      tpu.wait_indirect_dma semaphore(%arg7 : memref<!tpu.dma_semaphore, #tpu.memory_space<semaphore_mem>>) src(%dma_wait3A_432 : memref<10000x16xf32, #tpu.memory_space<hbm>>) dst(%dma_wait3A_426 : memref<128x16xf32, #tpu.memory_space<vmem>>)
      %dma_wait3A_433 = arith.constant 0 : i32
      %dma_wait3A_434 = tpu.memref_slice %arg6[%mul3A_267, %dma_wait3A_433] : memref<5120x16xf32, #tpu.memory_space<vmem>> -> memref<128x16xf32, #tpu.memory_space<vmem>>
      %dma_wait3A_435 = arith.constant 0 : i32
      %dma_wait3A_436 = tpu.memref_slice %arg5[%add3A_265, %dma_wait3A_435] : memref<40x128xi32, #tpu.memory_space<vmem>> -> memref<1x128xi32, #tpu.memory_space<vmem>>
      %dma_wait3A_437 = tpu.memref_squeeze %dma_wait3A_436 : memref<1x128xi32, #tpu.memory_space<vmem>> -> memref<128xi32, #tpu.memory_space<vmem>>
      %dma_wait3A_438 = arith.constant 0 : i32
      %dma_wait3A_439 = arith.constant 0 : i32
      %dma_wait3A_440 = tpu.memref_slice %arg2[%dma_wait3A_438, %dma_wait3A_439] : memref<10000x16xf32, #tpu.memory_space<hbm>> -> memref<10000x16xf32, #tpu.memory_space<hbm>>
      tpu.wait_indirect_dma semaphore(%arg7 : memref<!tpu.dma_semaphore, #tpu.memory_space<semaphore_mem>>) src(%dma_wait3A_440 : memref<10000x16xf32, #tpu.memory_space<hbm>>) dst(%dma_wait3A_434 : memref<128x16xf32, #tpu.memory_space<vmem>>)
      %dma_wait3A_441 = arith.constant 0 : i32
      %dma_wait3A_442 = tpu.memref_slice %arg6[%mul3A_281, %dma_wait3A_441] : memref<5120x16xf32, #tpu.memory_space<vmem>> -> memref<128x16xf32, #tpu.memory_space<vmem>>
      %dma_wait3A_443 = arith.constant 0 : i32
      %dma_wait3A_444 = tpu.memref_slice %arg5[%add3A_279, %dma_wait3A_443] : memref<40x128xi32, #tpu.memory_space<vmem>> -> memref<1x128xi32, #tpu.memory_space<vmem>>
      %dma_wait3A_445 = tpu.memref_squeeze %dma_wait3A_444 : memref<1x128xi32, #tpu.memory_space<vmem>> -> memref<128xi32, #tpu.memory_space<vmem>>
      %dma_wait3A_446 = arith.constant 0 : i32
      %dma_wait3A_447 = arith.constant 0 : i32
      %dma_wait3A_448 = tpu.memref_slice %arg2[%dma_wait3A_446, %dma_wait3A_447] : memref<10000x16xf32, #tpu.memory_space<hbm>> -> memref<10000x16xf32, #tpu.memory_space<hbm>>
      tpu.wait_indirect_dma semaphore(%arg7 : memref<!tpu.dma_semaphore, #tpu.memory_space<semaphore_mem>>) src(%dma_wait3A_448 : memref<10000x16xf32, #tpu.memory_space<hbm>>) dst(%dma_wait3A_442 : memref<128x16xf32, #tpu.memory_space<vmem>>)
    }
    %scan3A_7 = arith.constant 2 : i32
    %mul3A_8 = arith.constant 128 : i32
    %mul3A_9 = arith.muli %mul3A_2, %mul3A_8 : i32
    "tpu.region"() ({
      %run_scoped3A = tpu.sem_alloc : memref<!tpu.dma_semaphore, #tpu.memory_space<semaphore_mem>>
      %dma_start3A = arith.constant 0 : i32
      %dma_start3A_10 = tpu.memref_slice %arg4[%mul3A_9, %dma_start3A] : memref<163840x16xf32, #tpu.memory_space<hbm>> -> memref<5120x16xf32, #tpu.memory_space<hbm>>
      %dma_start3A_11 = arith.constant 0 : i32
      %dma_start3A_12 = tpu.memref_slice %arg4[%mul3A_9, %dma_start3A_11] : memref<163840x16xf32, #tpu.memory_space<hbm>> -> memref<5120x16xf32, #tpu.memory_space<hbm>>
      tpu.enqueue_dma source(%arg6 : memref<5120x16xf32, #tpu.memory_space<vmem>>) target(%dma_start3A_12 : memref<5120x16xf32, #tpu.memory_space<hbm>>) target_semaphore(%run_scoped3A : memref<!tpu.dma_semaphore, #tpu.memory_space<semaphore_mem>>)
      %dma_wait3A = arith.constant 0 : i32
      %dma_wait3A_13 = tpu.memref_slice %arg4[%mul3A_9, %dma_wait3A] : memref<163840x16xf32, #tpu.memory_space<hbm>> -> memref<5120x16xf32, #tpu.memory_space<hbm>>
      %dma_wait3A_14 = arith.constant 0 : i32
      %dma_wait3A_15 = tpu.memref_slice %arg4[%mul3A_9, %dma_wait3A_14] : memref<163840x16xf32, #tpu.memory_space<hbm>> -> memref<5120x16xf32, #tpu.memory_space<hbm>>
      tpu.wait_dma2 semaphore(%run_scoped3A : memref<!tpu.dma_semaphore, #tpu.memory_space<semaphore_mem>>) src(%arg6 : memref<5120x16xf32, #tpu.memory_space<vmem>>) dst(%dma_wait3A_15 : memref<5120x16xf32, #tpu.memory_space<hbm>>)
      tpu.yield
    }) : () -> ()
    return
  }
}

module attributes {stable_mosaic.version = 14 : i64} {
  func.func @body(%arg0: i32, %arg1: memref<16x2048xf32, #tpu.memory_space<vmem>>, %arg2: memref<2048x16xf32, #tpu.memory_space<vmem>>, %arg3: memref<4x2048xf32, #tpu.memory_space<vmem>>, %arg4: memref<16x16xf32, #tpu.memory_space<vmem>>, %arg5: memref<16x1xf32, #tpu.memory_space<vmem>>, %arg6: memref<256x16xf32, #tpu.memory_space<vmem>>, %arg7: memref<256x16xf32, #tpu.memory_space<vmem>>, %arg8: memref<32x256xf32, #tpu.memory_space<vmem>>, %arg9: memref<32x16xf32, #tpu.memory_space<vmem>>, %arg10: memref<32x4xf32, #tpu.memory_space<vmem>>, %arg11: memref<2048x32xf32, #tpu.memory_space<vmem>>) attributes {dimension_semantics = [#tpu.dimension_semantics<arbitrary>], iteration_bounds = array<i64: 79>, scalar_prefetch = 0 : i64, scratch_operands = 0 : i64, tpu.core_type = #tpu.core_type<tc>, window_params = [{transform_indices = @transform_0, window_bounds = array<i64: 16, 2048>}, {transform_indices = @transform_1, window_bounds = array<i64: 2048, 16>}, {transform_indices = @transform_2, window_bounds = array<i64: 4, 2048>}, {pipeline_mode = #tpu.pipeline_mode<synchronous>, transform_indices = @transform_3, window_bounds = array<i64: 16, 16>}, {pipeline_mode = #tpu.pipeline_mode<synchronous>, transform_indices = @transform_4, window_bounds = array<i64: 16, 1>}, {pipeline_mode = #tpu.pipeline_mode<synchronous>, transform_indices = @transform_5, window_bounds = array<i64: 256, 16>}, {pipeline_mode = #tpu.pipeline_mode<synchronous>, transform_indices = @transform_6, window_bounds = array<i64: 256, 16>}, {pipeline_mode = #tpu.pipeline_mode<synchronous>, transform_indices = @transform_7, window_bounds = array<i64: 32, 256>}, {pipeline_mode = #tpu.pipeline_mode<synchronous>, transform_indices = @transform_8, window_bounds = array<i64: 32, 16>}, {pipeline_mode = #tpu.pipeline_mode<synchronous>, transform_indices = @transform_9, window_bounds = array<i64: 32, 4>}, {transform_indices = @transform_10, window_bounds = array<i64: 2048, 32>}]} {
    %get3A = arith.constant 0 : index
    %get3A_0 = arith.constant 0 : index
    %get3A_1 = vector.load %arg2[%get3A, %get3A_0] : memref<2048x16xf32, #tpu.memory_space<vmem>>, vector<2048x16xf32>
    %transpose3A = tpu.transpose %get3A_1, [1, 0] : vector<2048x16xf32> -> vector<16x2048xf32>
    %get3A_2 = arith.constant 0 : index
    %get3A_3 = arith.constant 0 : index
    %get3A_4 = vector.load %arg4[%get3A_2, %get3A_3] : memref<16x16xf32, #tpu.memory_space<vmem>>, vector<16x16xf32>
    %get3A_5 = arith.constant 0 : index
    %get3A_6 = arith.constant 0 : index
    %get3A_7 = vector.load %arg1[%get3A_5, %get3A_6] : memref<16x2048xf32, #tpu.memory_space<vmem>>, vector<16x2048xf32>
    %dot_general3A = arith.constant dense<0.000000e+00> : vector<16x2048xf32>
    %dot_general3A_8 = tpu.matmul %get3A_4, %get3A_7, %dot_general3A {dimension_numbers = #tpu.dot_dimension_numbers<[1], [0], [0], [1], [0, 0, 1, 1], [], []>, transpose_lhs_hint = false} : vector<16x16xf32>, vector<16x2048xf32>, vector<16x2048xf32> -> vector<16x2048xf32>
    %get3A_9 = arith.constant 0 : index
    %get3A_10 = arith.constant 0 : index
    %get3A_11 = vector.load %arg5[%get3A_9, %get3A_10] : memref<16x1xf32, #tpu.memory_space<vmem>>, vector<16x1xf32>
    %add3A = vector.broadcast %get3A_11 : vector<16x1xf32> to vector<16x2048xf32>
    %add3A_12 = arith.addf %dot_general3A_8, %add3A : vector<16x2048xf32>
    %max3A = arith.constant 0.000000e+00 : f32
    %max3A_13 = vector.broadcast %max3A : f32 to vector<16x2048xf32>
    %max3A_14 = arith.maximumf %add3A_12, %max3A_13 : vector<16x2048xf32>
    %get3A_15 = arith.constant 0 : index
    %get3A_16 = arith.constant 0 : index
    %get3A_17 = vector.load %arg6[%get3A_15, %get3A_16] : memref<256x16xf32, #tpu.memory_space<vmem>>, vector<256x16xf32>
    %dot_general3A_18 = arith.constant dense<0.000000e+00> : vector<256x2048xf32>
    %dot_general3A_19 = tpu.matmul %get3A_17, %max3A_14, %dot_general3A_18 {dimension_numbers = #tpu.dot_dimension_numbers<[1], [0], [0], [1], [0, 0, 1, 1], [], []>, transpose_lhs_hint = false} : vector<256x16xf32>, vector<16x2048xf32>, vector<256x2048xf32> -> vector<256x2048xf32>
    %get3A_20 = arith.constant 0 : index
    %get3A_21 = arith.constant 0 : index
    %get3A_22 = vector.load %arg7[%get3A_20, %get3A_21] : memref<256x16xf32, #tpu.memory_space<vmem>>, vector<256x16xf32>
    %dot_general3A_23 = arith.constant dense<0.000000e+00> : vector<256x2048xf32>
    %dot_general3A_24 = tpu.matmul %get3A_22, %transpose3A, %dot_general3A_23 {dimension_numbers = #tpu.dot_dimension_numbers<[1], [0], [0], [1], [0, 0, 1, 1], [], []>, transpose_lhs_hint = false} : vector<256x16xf32>, vector<16x2048xf32>, vector<256x2048xf32> -> vector<256x2048xf32>
    %get3A_25 = arith.constant 0 : index
    %get3A_26 = arith.constant 0 : index
    %get3A_27 = vector.load %arg8[%get3A_25, %get3A_26] : memref<32x256xf32, #tpu.memory_space<vmem>>, vector<32x256xf32>
    %mul3A = arith.mulf %dot_general3A_19, %dot_general3A_24 : vector<256x2048xf32>
    %dot_general3A_28 = arith.constant dense<0.000000e+00> : vector<32x2048xf32>
    %dot_general3A_29 = tpu.matmul %get3A_27, %mul3A, %dot_general3A_28 {dimension_numbers = #tpu.dot_dimension_numbers<[1], [0], [0], [1], [0, 0, 1, 1], [], []>, transpose_lhs_hint = false} : vector<32x256xf32>, vector<256x2048xf32>, vector<32x2048xf32> -> vector<32x2048xf32>
    %get3A_30 = arith.constant 0 : index
    %get3A_31 = arith.constant 0 : index
    %get3A_32 = vector.load %arg9[%get3A_30, %get3A_31] : memref<32x16xf32, #tpu.memory_space<vmem>>, vector<32x16xf32>
    %dot_general3A_33 = arith.constant dense<0.000000e+00> : vector<32x2048xf32>
    %dot_general3A_34 = tpu.matmul %get3A_32, %transpose3A, %dot_general3A_33 {dimension_numbers = #tpu.dot_dimension_numbers<[1], [0], [0], [1], [0, 0, 1, 1], [], []>, transpose_lhs_hint = false} : vector<32x16xf32>, vector<16x2048xf32>, vector<32x2048xf32> -> vector<32x2048xf32>
    %add3A_35 = arith.addf %dot_general3A_29, %dot_general3A_34 : vector<32x2048xf32>
    %get3A_36 = arith.constant 0 : index
    %get3A_37 = arith.constant 0 : index
    %get3A_38 = vector.load %arg10[%get3A_36, %get3A_37] : memref<32x4xf32, #tpu.memory_space<vmem>>, vector<32x4xf32>
    %get3A_39 = arith.constant 0 : index
    %get3A_40 = arith.constant 0 : index
    %get3A_41 = vector.load %arg3[%get3A_39, %get3A_40] : memref<4x2048xf32, #tpu.memory_space<vmem>>, vector<4x2048xf32>
    %dot_general3A_42 = arith.constant dense<0.000000e+00> : vector<32x2048xf32>
    %dot_general3A_43 = tpu.matmul %get3A_38, %get3A_41, %dot_general3A_42 {dimension_numbers = #tpu.dot_dimension_numbers<[1], [0], [0], [1], [0, 0, 1, 1], [], []>, transpose_lhs_hint = false} : vector<32x4xf32>, vector<4x2048xf32>, vector<32x2048xf32> -> vector<32x2048xf32>
    %iota3A = tpu.iota {dimensions = array<i32: 0>} : vector<32x2048xi32>
    %eq3A = arith.constant 28 : i32
    %eq3A_44 = vector.broadcast %eq3A : i32 to vector<32x2048xi32>
    %eq3A_45 = arith.cmpi eq, %iota3A, %eq3A_44 : vector<32x2048xi32>
    %mul3A_46 = arith.mulf %add3A_35, %dot_general3A_43 : vector<32x2048xf32>
    %jit3A = arith.constant 1.000000e+00 : f32
    %broadcast_in_dim3A = vector.broadcast %jit3A : f32 to vector<32x2048xf32>
    %select_n3A = arith.select %eq3A_45, %broadcast_in_dim3A, %mul3A_46 : vector<32x2048xi1>, vector<32x2048xf32>
    %transpose3A_47 = tpu.transpose %select_n3A, [1, 0] : vector<32x2048xf32> -> vector<2048x32xf32>
    %swap3A = arith.constant 0 : index
    %swap3A_48 = arith.constant 0 : index
    %swap3A_49 = vector.load %arg11[%swap3A, %swap3A_48] : memref<2048x32xf32, #tpu.memory_space<vmem>>, vector<2048x32xf32>
    tpu.vector_store %arg11[%swap3A, %swap3A_48], %transpose3A_47 {strides = array<i32>} : memref<2048x32xf32, #tpu.memory_space<vmem>>, vector<2048x32xf32>,
    return
  }
  func.func @transform_0(%arg0: i32) -> (i32, i32) {
    %c0_i32 = arith.constant 0 : i32
    %c0_i32_0 = arith.constant 0 : i32
    return %c0_i32, %arg0 : i32, i32
  }
  func.func @transform_1(%arg0: i32) -> (i32, i32) {
    %c0_i32 = arith.constant 0 : i32
    %c0_i32_0 = arith.constant 0 : i32
    return %arg0, %c0_i32 : i32, i32
  }
  func.func @transform_2(%arg0: i32) -> (i32, i32) {
    %c0_i32 = arith.constant 0 : i32
    %c0_i32_0 = arith.constant 0 : i32
    return %c0_i32, %arg0 : i32, i32
  }
  func.func @transform_3(%arg0: i32) -> (i32, i32) {
    %c0_i32 = arith.constant 0 : i32
    %c0_i32_0 = arith.constant 0 : i32
    %c0_i32_1 = arith.constant 0 : i32
    return %c0_i32, %c0_i32_0 : i32, i32
  }
  func.func @transform_4(%arg0: i32) -> (i32, i32) {
    %c0_i32 = arith.constant 0 : i32
    %c0_i32_0 = arith.constant 0 : i32
    %c0_i32_1 = arith.constant 0 : i32
    return %c0_i32, %c0_i32_0 : i32, i32
  }
  func.func @transform_5(%arg0: i32) -> (i32, i32) {
    %c0_i32 = arith.constant 0 : i32
    %c0_i32_0 = arith.constant 0 : i32
    %c0_i32_1 = arith.constant 0 : i32
    return %c0_i32, %c0_i32_0 : i32, i32
  }
  func.func @transform_6(%arg0: i32) -> (i32, i32) {
    %c0_i32 = arith.constant 0 : i32
    %c0_i32_0 = arith.constant 0 : i32
    %c0_i32_1 = arith.constant 0 : i32
    return %c0_i32, %c0_i32_0 : i32, i32
  }
  func.func @transform_7(%arg0: i32) -> (i32, i32) {
    %c0_i32 = arith.constant 0 : i32
    %c0_i32_0 = arith.constant 0 : i32
    %c0_i32_1 = arith.constant 0 : i32
    return %c0_i32, %c0_i32_0 : i32, i32
  }
  func.func @transform_8(%arg0: i32) -> (i32, i32) {
    %c0_i32 = arith.constant 0 : i32
    %c0_i32_0 = arith.constant 0 : i32
    %c0_i32_1 = arith.constant 0 : i32
    return %c0_i32, %c0_i32_0 : i32, i32
  }
  func.func @transform_9(%arg0: i32) -> (i32, i32) {
    %c0_i32 = arith.constant 0 : i32
    %c0_i32_0 = arith.constant 0 : i32
    %c0_i32_1 = arith.constant 0 : i32
    return %c0_i32, %c0_i32_0 : i32, i32
  }
  func.func @transform_10(%arg0: i32) -> (i32, i32) {
    %c0_i32 = arith.constant 0 : i32
    %c0_i32_0 = arith.constant 0 : i32
    return %arg0, %c0_i32 : i32, i32
  }
}

module attributes {stable_mosaic.version = 14 : i64} {
  func.func @body(%arg0: memref<10000x32xf32, #tpu.memory_space<vmem>>, %arg1: memref<10000x32xf32, #tpu.memory_space<vmem>>, %arg2: memref<10000x16xf32, #tpu.memory_space<vmem>>, %arg3: memref<10000x28xf32, #tpu.memory_space<vmem>>) attributes {dimension_semantics = [], scalar_prefetch = 0 : i64, scratch_operands = 0 : i64, tpu.core_type = #tpu.core_type<tc>} {
    %get3A = arith.constant 0 : index
    %get3A_0 = arith.constant 0 : index
    %get3A_1 = vector.load %arg0[%get3A, %get3A_0] : memref<10000x32xf32, #tpu.memory_space<vmem>>, vector<10000x32xf32>
    %get3A_2 = arith.constant 0 : index
    %get3A_3 = arith.constant 0 : index
    %get3A_4 = vector.load %arg1[%get3A_2, %get3A_3] : memref<10000x32xf32, #tpu.memory_space<vmem>>, vector<10000x32xf32>
    %add3A = arith.addf %get3A_1, %get3A_4 : vector<10000x32xf32>
    %slice3A = vector.extract_strided_slice %add3A {offsets = [0, 28], sizes = [10000, 1], strides = [1, 1]} : vector<10000x32xf32> to vector<10000x1xf32>
    %max3A = arith.constant 1.000000e+00 : f32
    %max3A_5 = vector.broadcast %max3A : f32 to vector<10000x1xf32>
    %max3A_6 = arith.maximumf %slice3A, %max3A_5 : vector<10000x1xf32>
    %get3A_7 = arith.constant 0 : index
    %get3A_8 = arith.constant 0 : index
    %get3A_9 = vector.load %arg2[%get3A_7, %get3A_8] : memref<10000x16xf32, #tpu.memory_space<vmem>>, vector<10000x16xf32>
    %broadcast_in_dim3A = arith.constant 0.000000e+00 : f32
    %broadcast_in_dim3A_10 = vector.broadcast %broadcast_in_dim3A : f32 to vector<10000x12xf32>
    %concatenate3A = tpu.concatenate %get3A_9, %broadcast_in_dim3A_10 in 1 : vector<10000x16xf32>, vector<10000x12xf32> -> vector<10000x28xf32>
    %slice3A_11 = vector.extract_strided_slice %add3A {offsets = [0, 0], sizes = [10000, 28], strides = [1, 1]} : vector<10000x32xf32> to vector<10000x28xf32>
    %div3A = vector.broadcast %max3A_6 : vector<10000x1xf32> to vector<10000x28xf32>
    %div3A_12 = arith.divf %slice3A_11, %div3A : vector<10000x28xf32>
    %add3A_13 = arith.addf %div3A_12, %concatenate3A : vector<10000x28xf32>
    %swap3A = arith.constant 0 : index
    %swap3A_14 = arith.constant 0 : index
    %swap3A_15 = vector.load %arg3[%swap3A, %swap3A_14] : memref<10000x28xf32, #tpu.memory_space<vmem>>, vector<10000x28xf32>
    tpu.vector_store %arg3[%swap3A, %swap3A_14], %add3A_13 {strides = array<i32>} : memref<10000x28xf32, #tpu.memory_space<vmem>>, vector<10000x28xf32>,
    return
  }
}

</mosaic_0001>

<sc_bundles>
// kernel: kernel.6.cloned.1.call-start
scs
__scs_entry_jumppad:
0x0: {  	(pc) =	sbr.rel $0x88, $3  }
0x1: {  	(tag) =	ssettag $0x0;
	lr =	simm.s32 $0x1  }
0x2: {  	[smem:$0x3F99] =	sst lr;
	_ =	strace $0xD0000000  }
0x3: {  	_ = 	snop  }
0x4: {  	_ = 	snop  }
0x5: {  	_ = 	snop  }
0x6: {  	_ = 	snop  }
0x7: {  	_ = 	snop  }
__scs_overlays_trampoline_lowered:
0x8: {  	[smem:$0x3FA8] =	sst s0  }
0x9: {  	[smem:$0x3FA9] =	sst s1  }
0xa: {  	[smem:$0x3FAA] =	sst s2  }
0xb: {  	[smem:$0x3FAB] =	sst s3  }
0xc: {  	[smem:$0x3FAC] =	sst s4  }
0xd: {  	[smem:$0x3FAD] =	sst s5  }
0xe: {  	[smem:$0x3FAE] =	sst s6  }
0xf: {  	[smem:$0x3FAF] =	sst s7  }
0x10: {  	[smem:$0x3FB0] =	sst s8  }
0x11: {  	[smem:$0x3FB1] =	sst s9;
	s0 =	simm.s32 @!p0 $0x0  }
0x12: {  	s1 =	sld [smem:$0x3F97];
	s0 =	simm.s32 @p0 $0x1  }
0x13: {  	[smem:$0x3FB2] =	sst s0;
	s0 =	simm.s32 @!p1 $0x0  }
0x14: {  	s2 =	sld [smem:$0x3F96];
	s0 =	simm.s32 @p1 $0x1  }
0x15: {  	[smem:$0x3FB3] =	sst s0;
	s0 =	simm.s32 @!p2 $0x0  }
0x16: {  	s3 =	sld [smem:$0x3FDB];
	s0 =	simm.s32 @p2 $0x1  }
0x17: {  	s4 =	simm.s32 $0x1BF5;
	[smem:$0x3FB5] =	sst s0  }
0x18: {  	s0 =	sld [smem:$0x3F98];
	_ =	swait.ge [sflag:s4], $0x0  }
0x19: {  	s7 =	sld [smem:$0x3F99]  }
0x1a: {  	s8 =	sadd.s32 $0xFFFFE003, lr  }
0x1b: {  	s9 =	sadd.s32 $0xFFFFFEF7, lr;
	s5 =	simm.s32 $0xFFFFFFFF;
	p2 =	slt.u32 s8, $0xFFFFF086  }
0x1c: {  	p1 =	slt.u32 s9, $0xF7A;
	s5 =	simm.s32 @!p2 $0x0  }
0x1d: {  	s5 =	simm.s32 @p1 $0x1;
	p0 =	seq.s32 s7, s2  }
0x1e: {  	s7 =	smul.u32 @!p0 $0xF7A, s2;
	p2 =	seq.s32 @!p0 s5, $0x0  }
0x1f: {  	s9 =	smul.u32 $0xF7A, s1;
	s8 =	simm.s32 @!p0 $0x1BF5;
	p2 =	por !p2, p0  }
0x20: {  	[sflag:s8] =	ssyncset.s32 @!p0 $0xFFFFF086;
	s6 =	sadd.s32 @!p0 s3, s7;
	s7 =	simm.s32 @!p0 $0x108  }
0x21: {  	s3 =	sadd.s32 s3, s9;
	s6 =	sadd.s32 @!p0 $0x88, s6;
	s7 =	simm.s32 @p2 $0x1082  }
0x22: {  	[simem:s7], [sflag:s8] =	dma.local @!p0 [hbm:s6], $0xF7A  }
0x23: {  	s9 =	sor.u32 $0xD0000000, s2;
	s6 =	simm.s32 $0x108;
	_ =	swait.ge @!p0 [sflag:s8], $0x0  }
0x24: {  	s3 =	sadd.s32 $0x88, s3;
	s6 =	simm.s32 @!p1 $0x1082;
	[sflag:s4] =	ssyncset.s32 $0xFFFFF086  }
0x25: {  	[simem:s6], [sflag:s4] =	dma.local [hbm:s3], $0xF7A  }
0x26: {  	[smem:$0x3F99] =	sst s1;
	(tag) =	ssettag s2;
	_ =	strace s9  }
0x27: {  	s1 =	sld [smem:$0x3FA9]  }
0x28: {  	s2 =	sld [smem:$0x3FAA]  }
0x29: {  	s4 =	sld [smem:$0x3FAC]  }
0x2a: {  	p0 =	seq.s32 s5, $0x0;
	s5 =	sld [smem:$0x3FAD]  }
0x2b: {  	s6 =	sld [smem:$0x3FAE]  }
0x2c: {  	s7 =	sld [smem:$0x3FAF]  }
0x2d: {  	s3 =	simm.s32 $0x108;
	s8 =	sld [smem:$0x3FB0]  }
0x2e: {  	s3 =	simm.s32 @!p0 $0x1082;
	s9 =	sld [smem:$0x3FB1]  }
0x2f: {  	lr =	sadd.s32 s0, s3;
	s0 =	sld [smem:$0x3FA8]  }
0x30: {  	s3 =	sld [smem:$0x3FAB]  }
0x31: {  	[smem:$0x3FB4] =	sst s10  }
0x32: {  	s10 =	sld [smem:$0x3FB2];
	_ =	sdelay $0x3  }
0x33: {  	p0 =	seq.s32 s10, $0x1;
	s10 =	sld [smem:$0x3FB4];
	_ =	sdelay $0x3  }
0x34: {  	[smem:$0x3FB4] =	sst s10  }
0x35: {  	s10 =	sld [smem:$0x3FB3];
	_ =	sdelay $0x3  }
0x36: {  	p1 =	seq.s32 s10, $0x1;
	s10 =	sld [smem:$0x3FB4];
	_ =	sdelay $0x3  }
0x37: {  	[smem:$0x3FB4] =	sst s10  }
0x38: {  	s10 =	sld [smem:$0x3FB5]  }
0x39: {  	_ = 	snop;
	(pc) =	sbr.ind lr, $3  }
0x3a: {  	_ = 	snop  }
0x3b: {  	_ = 	snop  }
0x3c: {  	p2 =	seq.s32 s10, $0x1;
	s10 =	sld [smem:$0x3FB4]  }
0x3d: {  	_ =	shalt  }
0x3e: {  	_ =	shalt  }
0x3f: {  	_ =	shalt  }
0x40: {  	_ =	shalt  }
0x41: {  	_ =	shalt  }
0x42: {  	_ =	shalt  }
0x43: {  	_ =	shalt  }
0x44: {  	_ =	shalt  }
0x45: {  	_ =	shalt  }
0x46: {  	_ =	shalt  }
0x47: {  	_ =	shalt  }
0x48: {  	_ =	shalt  }
0x49: {  	_ =	shalt  }
0x4a: {  	_ =	shalt  }
0x4b: {  	_ =	shalt  }
0x4c: {  	_ =	shalt  }
0x4d: {  	_ =	shalt  }
0x4e: {  	_ =	shalt  }
0x4f: {  	_ =	shalt  }
0x50: {  	_ =	shalt  }
0x51: {  	_ =	shalt  }
0x52: {  	_ =	shalt  }
0x53: {  	_ =	shalt  }
0x54: {  	_ =	shalt  }
0x55: {  	_ =	shalt  }
0x56: {  	_ =	shalt  }
0x57: {  	_ =	shalt  }
0x58: {  	_ =	shalt  }
0x59: {  	_ =	shalt  }
0x5a: {  	_ =	shalt  }
0x5b: {  	_ =	shalt  }
0x5c: {  	_ =	shalt  }
0x5d: {  	_ =	shalt  }
0x5e: {  	_ =	shalt  }
0x5f: {  	_ =	shalt  }
0x60: {  	_ =	shalt  }
0x61: {  	_ =	shalt  }
0x62: {  	_ =	shalt  }
0x63: {  	_ =	shalt  }
0x64: {  	_ =	shalt  }
0x65: {  	_ =	shalt  }
0x66: {  	_ =	shalt  }
0x67: {  	_ =	shalt  }
0x68: {  	_ =	shalt  }
0x69: {  	_ =	shalt  }
0x6a: {  	_ =	shalt  }
0x6b: {  	_ =	shalt  }
0x6c: {  	_ =	shalt  }
0x6d: {  	_ =	shalt  }
0x6e: {  	_ =	shalt  }
0x6f: {  	_ =	shalt  }
0x70: {  	_ =	shalt  }
0x71: {  	_ =	shalt  }
0x72: {  	_ =	shalt  }
0x73: {  	_ =	shalt  }
0x74: {  	_ =	shalt  }
0x75: {  	_ =	shalt  }
0x76: {  	_ =	shalt  }
0x77: {  	_ =	shalt  }
0x78: {  	_ =	shalt  }
0x79: {  	_ =	shalt  }
0x7a: {  	_ =	shalt  }
0x7b: {  	_ =	shalt  }
0x7c: {  	_ =	shalt  }
0x7d: {  	_ =	shalt  }
0x7e: {  	_ =	shalt  }
0x7f: {  	_ =	shalt  }
0x80: {  	_ =	shalt  }
0x81: {  	_ =	shalt  }
0x82: {  	_ =	shalt  }
0x83: {  	_ =	shalt  }
0x84: {  	_ =	shalt  }
0x85: {  	_ =	shalt  }
0x86: {  	_ =	shalt  }
0x87: {  	_ =	shalt  }
.Lfunc_end0:
.L_simem_size_0:
called_computation_lowered:
.L_overlay_start_0:
0x88: {  	s2 =	sld [smem:$0x3FD9]  }
0x89: {  	s3 =	sld [smem:$0x3FFE];
	_ =	sdelay $0x1  }
0x8a: {  	s1 =	srdreg.scid  }
0x8b: {  	s0 =	sand.u32 $0x1, s1  }
0x8c: {  	s17 =	sshll.u32 s0, $0xA;
	s2 =	sadd.s32 s3, s2  }
0x8d: {  	s2 =	sadd.s32 s2, s17  }
0x8e: {  	[smem:$0x3FC0] =	sst s2  }
0x8f: {  	_ = 	snop  }
0x90: {  	s2 =	sld [smem:$0x3FD0];
	(tm) =	ssettm $0x1  }
0x91: {  	s18 =	sld [smem:$0x3FFB];
	_ =	sdelay $0x3  }
0x92: {  	_ =	strace s18  }
0x93: {  	s3 =	sld [smem:$0x3FFC];
	_ =	sdelay $0x3  }
0x94: {  	_ =	strace s3  }
0x95: {  	s3 =	sld [smem:$0x3FFD];
	_ =	sdelay $0x3  }
0x96: {  	_ =	strace s3  }
0x97: {  	_ =	strace $0x8FFFFFFF  }
0x98: {  	s19 =	sld [smem:$0x3FDB];
	_ =	sdelay $0x1  }
0x99: {  	s4 =	simm.s32 $_scs_section_size  }
0x9a: {  	s5 =	simm.s32 $_size__tile_overlayer_lowered;
	s6 =	simm.s32 $_tile_overlayer_lowered  }
0x9b: {  	s22 =	simm.s32 $0x1BFF;
	s21 =	sshll.u32 s6, $0x1;
	s3 =	sadd.s32 s4, s19  }
0x9c: {  	s7 =	simm.s32 $0x0;
	s20 =	sshll.u32 s5, $0x1;
	s5 =	sadd.s32 s21, s3  }
0x9d: {  	[timem:s7], [sflag:s22] =	dma.local [hbm:s5], s20  }
0x9e: {  	_ =	swait.ge [sflag:s22], s20  }
0x9f: {  	s4 =	ssub.s32 $0x0, s20;
	[sflag:s22] =	ssyncset.done $0x0  }
0xa0: {  	[sflag:s22] =	ssyncadd.s32 s4;
	_ =	sdelay $0x1  }
0xa1: {  	s23 =	simm.s32 $0x1B8B  }
0xa2: {  	_ =	swait.ge [sflag:s23], $0x1  }
0xa3: {  	[sflag:s23] =	ssyncset.done $0x0  }
0xa4: {  	s25 =	simm.s32 $0x1B8E;
	s24 =	sld [smem:$0x3FFE];
	[sflag:s23] =	ssyncadd.s32 $0xFFFFFFFF  }
0xa5: {  	s26 =	simm.s32 $execute0_lowered;
	[smem:$0x3FD2] =	sst s25  }
0xa6: {  	s5 =	sshll.u32 s26, $0x1;
	_ =	strace $0x80000046;
	[dreg:$0x1] =	wrdreg $0xFFFFFFFF  }
0xa7: {  	s28 =	simm.s32 $_size_execute0_lowered;
	s3 =	sadd.s32 s3, s5;
	[dreg:$0x0] =	wrdreg $0x0  }
0xa8: {  	s5 =	sshll.u32 s28, $0x1;
	[dreg:$0x2] =	wrdreg s3  }
0xa9: {  	[dreg:$0x3] =	wrdreg s5  }
0xaa: {  	[dreg:$0x4] =	wrdreg $0xC0  }
0xab: {  	_ =	task [dreg:s7], $0x5FFFF  }
0xac: {  	[dreg:$0x1] =	wrdreg $0xFFFFFFFF  }
0xad: {  	[dreg:$0x0] =	wrdreg $0x60  }
0xae: {  	[dreg:$0x2] =	wrdreg s24  }
0xaf: {  	[dreg:$0x3] =	wrdreg s2  }
0xb0: {  	[dreg:$0x4] =	wrdreg $0x9  }
0xb1: {  	_ =	task.clear_ibuf [dreg:s7], $0x5FFFF;
	_ =	strace $0x90000046  }
0xb2: {  	s29 =	simm.s32 $0x9;
	_ =	strace $0x80000048  }
0xb3: {  	_ =	swait.ge [sflag:s29], $0x1  }
0xb4: {  	[sflag:s29] =	ssyncadd.s32 $0xFFFFFFFF  }
0xb5: {  	_ =	strace $0x90000048  }
0xb6: {  	_ =	sfence  }
0xb7: {  	s30 =	sld [smem:$0x0];
	_ =	sdelay $0x2  }
0xb8: {  	s31 =	sshll.u32 s1, $0xD;
	s1 =	sshrl.u32 s1, $0x2  }
0xb9: {  	s3 =	sand.u32 $0x4000, s31;
	s1 =	sadd.s32 s1, s30  }
0xba: {  	s0 =	sor.u32 s3, s0;
	s1 =	sshll.u32 s1, $0x11  }
0xbb: {  	s0 =	sor.u32 s1, s0  }
0xbc: {  	s0 =	sadd.s32 $0x8F2B, s0  }
0xbd: {  	[sflag:s0] =	ssyncadd.remote.s32 $0x1  }
0xbe: {  	_ =	sfence.sel $0xFFFF  }
0xbf: {  	[dreg:$0x0] =	wrdreg $0xFFFFFFFF;
	(pc) =	sbr.abs _section_cstart, $3  }
0xc0: {  	[dreg:$0x1] =	wrdreg $0xFFFFFFFF  }
0xc1: {  	_ =	task.clear_ibuf [dreg:s7], $0x2FFFF;
	_ =	strace $0x9FFFFFFF  }
0xc2: {  	(tm) =	ssettm $0x7FFFFFFF  }
0xc3: {  	_ =	shalt  }
tec
execute0_lowered:
.L_overlay_start_1:
0x0: {  	(tag) =	ssettag $0x1  }
0x1: {  	s2 =	stileid.u32;
	s4 =	rddreg [dreg:$0x0]  }
0x2: {  	s3 =	rddreg [dreg:$0x1];
	s13 =	sshll.u32 s2, $0x1;
	s2 =	simm.s32 $0x0  }
0x3: {  	s15 =	simm.s32 $0x1C00;
	[smem:$0x7FF] =	sst s2  }
0x4: {  	s16 =	simm.s32 $0x100;
	_ =	strace $0x80000047;
	[dreg:$0x5] =	wrdreg s15  }
0x5: {  	s17 =	simm.s32 $0x2400;
	[dreg:$0x6] =	wrdreg s16  }
0x6: {  	s18 =	simm.s32 $0x180;
	[dreg:$0x7] =	wrdreg s17  }
0x7: {  	s19 =	simm.s32 $0x2C00;
	[dreg:$0x8] =	wrdreg s18  }
0x8: {  	s20 =	simm.s32 $0x200;
	[dreg:$0x9] =	wrdreg s19  }
0x9: {  	s21 =	simm.s32 $0x3400;
	[dreg:$0xa] =	wrdreg s20  }
0xa: {  	s22 =	simm.s32 $0x280;
	[dreg:$0xb] =	wrdreg s21  }
0xb: {  	s23 =	simm.s32 $0x3C00;
	[dreg:$0xc] =	wrdreg s22  }
0xc: {  	s24 =	simm.s32 $0x300;
	[dreg:$0xd] =	wrdreg s23  }
0xd: {  	s25 =	simm.s32 $0x4400;
	[dreg:$0xe] =	wrdreg s24  }
0xe: {  	s26 =	simm.s32 $0x380;
	[dreg:$0xf] =	wrdreg s25  }
0xf: {  	s6 =	simm.s32 $0x5400;
	[dreg:$0x10] =	wrdreg s26  }
0x10: {  	s7 =	simm.s32 $0x480;
	[dreg:$0x13] =	wrdreg s6  }
0x11: {  	s8 =	simm.s32 $0x5C00;
	[dreg:$0x14] =	wrdreg s7  }
0x12: {  	s9 =	simm.s32 $0x500;
	[dreg:$0x15] =	wrdreg s8  }
0x13: {  	s10 =	simm.s32 $0x6400;
	[dreg:$0x16] =	wrdreg s9  }
0x14: {  	s0 =	srdreg.scid;
	s11 =	simm.s32 $0x580;
	[dreg:$0x17] =	wrdreg s10  }
0x15: {  	s12 =	simm.s32 $0x6C00;
	s1 =	sand.u32 $0x1, s0;
	[dreg:$0x18] =	wrdreg s11  }
0x16: {  	s0 =	sor.u32 s1, s13;
	s13 =	simm.s32 $0x600;
	[dreg:$0x19] =	wrdreg s12  }
0x17: {  	[dreg:$0x1a] =	wrdreg s13;
	s15 =	simm.s32 $0x680  }
0x18: {  	s16 =	simm.s32 $0x7C00;
	[dreg:$0x1c] =	wrdreg s15  }
0x19: {  	s17 =	simm.s32 $0x700;
	[dreg:$0x1d] =	wrdreg s16  }
0x1a: {  	s18 =	simm.s32 $0x8400;
	[dreg:$0x1e] =	wrdreg s17  }
0x1b: {  	s19 =	simm.s32 $0x780;
	[dreg:$0x1f] =	wrdreg s18  }
0x1c: {  	s20 =	simm.s32 $0x8C00;
	[smem:$0x7E5] =	sst s19  }
0x1d: {  	s21 =	simm.s32 $0x800;
	[smem:$0x7E4] =	sst s20  }
0x1e: {  	s22 =	simm.s32 $0x9400;
	[smem:$0x7E7] =	sst s21  }
0x1f: {  	s23 =	simm.s32 $0x880;
	[smem:$0x7E6] =	sst s22  }
0x20: {  	s24 =	simm.s32 $0x9C00;
	[smem:$0x7E8] =	sst s23  }
0x21: {  	s25 =	simm.s32 $0x900;
	[smem:$0x7E3] =	sst s24  }
0x22: {  	s26 =	simm.s32 $0xA400;
	[smem:$0x7EA] =	sst s25  }
0x23: {  	s6 =	simm.s32 $0xA00;
	[smem:$0x7E9] =	sst s26  }
0x24: {  	s7 =	simm.s32 $0xB400;
	[smem:$0x7F3] =	sst s6  }
0x25: {  	s8 =	simm.s32 $0xA80;
	[smem:$0x7F4] =	sst s7  }
0x26: {  	s9 =	simm.s32 $0xBC00;
	[smem:$0x7F0] =	sst s8  }
0x27: {  	s10 =	simm.s32 $0xB00;
	[smem:$0x7F1] =	sst s9  }
0x28: {  	s11 =	simm.s32 $0xC400;
	[smem:$0x7EF] =	sst s10  }
0x29: {  	s12 =	simm.s32 $0xB80;
	[smem:$0x7F2] =	sst s11  }
0x2a: {  	s13 =	simm.s32 $0xCC00;
	[smem:$0x7F8] =	sst s12  }
0x2b: {  	[smem:$0x7F7] =	sst s13;
	s15 =	simm.s32 $0xD400  }
0x2c: {  	s16 =	simm.s32 $0xC80;
	[smem:$0x7F6] =	sst s15  }
0x2d: {  	s17 =	simm.s32 $0xDC00;
	[smem:$0x7FA] =	sst s16  }
0x2e: {  	s18 =	simm.s32 $0xD00;
	[smem:$0x7EE] =	sst s17  }
0x2f: {  	s19 =	simm.s32 $0xE400;
	[smem:$0x7FB] =	sst s18  }
0x30: {  	s5 =	smul.u32 $0x2800, s0;
	s20 =	simm.s32 $0xD80;
	[smem:$0x7F5] =	sst s19  }
0x31: {  	s0 =	smul.u32 $0x280, s0;
	s21 =	simm.s32 $0xEC00;
	[smem:$0x7FC] =	sst s20  }
0x32: {  	s23 =	simm.s32 $0xE00;
	[smem:$0x7ED] =	sst s21  }
0x33: {  	s0 =	sadd.s32 s3, s0;
	[smem:$0x7FD] =	sst s23  }
0x34: {  	s5 =	sadd.s32 s5, s4;
	s3 =	simm.s32 $0x4C00;
	[dreg:$0x3] =	wrdreg s0  }
0x35: {  	s14 =	sadd.s32 $0x2F000, s5;
	[dreg:$0x11] =	wrdreg s3  }
0x36: {  	s5 =	simm.s32 $0x400;
	[dreg:$0x4] =	wrdreg s14  }
0x37: {  	s3 =	simm.s32 $0x980;
	[dreg:$0x12] =	wrdreg s5  }
0x38: {  	[smem:$0x7EB] =	sst s3  }
0x39: {  	s14 =	simm.s32 $0x7400;
	s22 =	rddreg [dreg:$0x3]  }
0x3a: {  	s5 =	simm.s32 $0xAC00;
	[dreg:$0x1b] =	wrdreg s14  }
0x3b: {  	[smem:$0x7EC] =	sst s5;
	s14 =	simm.s32 $0xC00  }
0x3c: {  	[tilespmem:s2], [sflag:$0x2] =	stream.linear.gather [hbm4b:s22+s2], $0x1400, $0x38;
	[tilespmem:$0x15400] =	vst v63  }
0x3d: {  	s3 =	simm.s32 $0x2;
	[smem:$0x7F9] =	sst s14  }
0x3e: {  	_ =	swait.ge [sflag:s3], $0x1400  }
0x3f: {  	s0 =	rddreg [dreg:$0x13]  }
0x40: {  	s7 =	rddreg [dreg:$0xe]  }
0x41: {  	s8 =	sld [smem:$0x7E3]  }
0x42: {  	s9 =	rddreg [dreg:$0xf]  }
0x43: {  	s10 =	sld [smem:$0x7E4]  }
0x44: {  	s11 =	rddreg [dreg:$0xc]  }
0x45: {  	s12 =	rddreg [dreg:$0x1d]  }
0x46: {  	s13 =	rddreg [dreg:$0xa]  }
0x47: {  	s14 =	rddreg [dreg:$0x19]  }
0x48: {  	s15 =	rddreg [dreg:$0x15]  }
0x49: {  	s16 =	rddreg [dreg:$0x8]  }
0x4a: {  	s17 =	rddreg [dreg:$0x11]  }
0x4b: {  	s18 =	rddreg [dreg:$0xb]  }
0x4c: {  	s19 =	rddreg [dreg:$0x9]  }
0x4d: {  	s20 =	rddreg [dreg:$0xd]  }
0x4e: {  	s21 =	rddreg [dreg:$0x6]  }
0x4f: {  	s6 =	simm.s32 $0x80;
	s22 =	rddreg [dreg:$0x5]  }
0x50: {  	s5 =	sadd.s32 $0x2A000, s4;
	[sflag:s3] =	ssyncset.done $0x0;
	s23 =	rddreg [dreg:$0x7]  }
0x51: {  	s4 =	simm.s32 $0x1400;
	s24 =	rddreg [dreg:$0x12];
	[sflag:s3] =	ssyncadd.s32 $0xFFFFEC00  }
0x52: {  	[tilespmem:s4], [sflag:$0x1] =	stream.indirect.gather [hbm4b:s5+s6], $0x10, s2, s6, $0xb8;
	[tilespmem:$0x15400] =	vst v63  }
0x53: {  	s25 =	rddreg [dreg:$0x14]  }
0x54: {  	[tilespmem:s22], [sflag:$0x1] =	stream.indirect.gather [hbm4b:s5+s6], $0x10, s6, s6, $0xb8;
	[tilespmem:$0x15400] =	vst v63  }
0x55: {  	s26 =	rddreg [dreg:$0x16]  }
0x56: {  	[tilespmem:s23], [sflag:$0x1] =	stream.indirect.gather [hbm4b:s5+s6], $0x10, s21, s6, $0xb8;
	[tilespmem:$0x15400] =	vst v63  }
0x57: {  	s22 =	rddreg [dreg:$0x10]  }
0x58: {  	[tilespmem:s19], [sflag:$0x1] =	stream.indirect.gather [hbm4b:s5+s6], $0x10, s16, s6, $0xb8;
	[tilespmem:$0x15400] =	vst v63  }
0x59: {  	s21 =	sld [smem:$0x7EB]  }
0x5a: {  	[tilespmem:s18], [sflag:$0x1] =	stream.indirect.gather [hbm4b:s5+s6], $0x10, s13, s6, $0xb8;
	[tilespmem:$0x15400] =	vst v63  }
0x5b: {  	s19 =	rddreg [dreg:$0x17]  }
0x5c: {  	[tilespmem:s20], [sflag:$0x1] =	stream.indirect.gather [hbm4b:s5+s6], $0x10, s11, s6, $0xb8;
	[tilespmem:$0x15400] =	vst v63  }
0x5d: {  	s13 =	rddreg [dreg:$0x18]  }
0x5e: {  	[tilespmem:s9], [sflag:$0x1] =	stream.indirect.gather [hbm4b:s5+s6], $0x10, s7, s6, $0xb8;
	[tilespmem:$0x15400] =	vst v63  }
0x5f: {  	s18 =	rddreg [dreg:$0x1b]  }
0x60: {  	[tilespmem:s17], [sflag:$0x1] =	stream.indirect.gather [hbm4b:s5+s6], $0x10, s22, s6, $0xb8;
	[tilespmem:$0x15400] =	vst v63  }
0x61: {  	s20 =	rddreg [dreg:$0x1a]  }
0x62: {  	[tilespmem:s0], [sflag:$0x1] =	stream.indirect.gather [hbm4b:s5+s6], $0x10, s24, s6, $0xb8;
	[tilespmem:$0x15400] =	vst v63  }
0x63: {  	s22 =	rddreg [dreg:$0x1c]  }
0x64: {  	[tilespmem:s15], [sflag:$0x1] =	stream.indirect.gather [hbm4b:s5+s6], $0x10, s25, s6, $0xb8;
	[tilespmem:$0x15400] =	vst v63  }
0x65: {  	s17 =	sld [smem:$0x7E7]  }
0x66: {  	[tilespmem:s19], [sflag:$0x1] =	stream.indirect.gather [hbm4b:s5+s6], $0x10, s26, s6, $0xb8;
	[tilespmem:$0x15400] =	vst v63  }
0x67: {  	s24 =	rddreg [dreg:$0x1f]  }
0x68: {  	[tilespmem:s14], [sflag:$0x1] =	stream.indirect.gather [hbm4b:s5+s6], $0x10, s13, s6, $0xb8;
	[tilespmem:$0x15400] =	vst v63  }
0x69: {  	s25 =	rddreg [dreg:$0x1e]  }
0x6a: {  	[tilespmem:s18], [sflag:$0x1] =	stream.indirect.gather [hbm4b:s5+s6], $0x10, s20, s6, $0xb8;
	[tilespmem:$0x15400] =	vst v63  }
0x6b: {  	s26 =	sld [smem:$0x7E5]  }
0x6c: {  	[tilespmem:s12], [sflag:$0x1] =	stream.indirect.gather [hbm4b:s5+s6], $0x10, s22, s6, $0xb8;
	[tilespmem:$0x15400] =	vst v63  }
0x6d: {  	s19 =	sld [smem:$0x7E9]  }
0x6e: {  	[tilespmem:s24], [sflag:$0x1] =	stream.indirect.gather [hbm4b:s5+s6], $0x10, s25, s6, $0xb8;
	[tilespmem:$0x15400] =	vst v63  }
0x6f: {  	s14 =	sld [smem:$0x7E6]  }
0x70: {  	[tilespmem:s10], [sflag:$0x1] =	stream.indirect.gather [hbm4b:s5+s6], $0x10, s26, s6, $0xb8;
	[tilespmem:$0x15400] =	vst v63  }
0x71: {  	s18 =	sld [smem:$0x7E8]  }
0x72: {  	[tilespmem:s14], [sflag:$0x1] =	stream.indirect.gather [hbm4b:s5+s6], $0x10, s17, s6, $0xb8;
	[tilespmem:$0x15400] =	vst v63  }
0x73: {  	s20 =	sld [smem:$0x7EA]  }
0x74: {  	[tilespmem:s8], [sflag:$0x1] =	stream.indirect.gather [hbm4b:s5+s6], $0x10, s18, s6, $0xb8;
	[tilespmem:$0x15400] =	vst v63  }
0x75: {  	s22 =	sld [smem:$0x7EC]  }
0x76: {  	[tilespmem:s19], [sflag:$0x1] =	stream.indirect.gather [hbm4b:s5+s6], $0x10, s20, s6, $0xb8;
	[tilespmem:$0x15400] =	vst v63  }
0x77: {  	s7 =	simm.s32 $0x1  }
0x78: {  	[tilespmem:s22], [sflag:$0x1] =	stream.indirect.gather [hbm4b:s5+s6], $0x10, s21, s6, $0xb8;
	[tilespmem:$0x15400] =	vst v63  }
0x79: {  	_ =	swait.ge [sflag:s7], $0x800  }
0x7a: {  	[sflag:s7] =	ssyncset.done $0x0  }
0x7b: {  	[sflag:s7] =	ssyncadd.s32 $0xFFFFF800  }
0x7c: {  	_ =	swait.ge [sflag:s7], $0x800  }
0x7d: {  	[sflag:s7] =	ssyncset.done $0x0  }
0x7e: {  	[sflag:s7] =	ssyncadd.s32 $0xFFFFF800  }
0x7f: {  	_ =	swait.ge [sflag:s7], $0x800  }
0x80: {  	[sflag:s7] =	ssyncset.done $0x0  }
0x81: {  	[sflag:s7] =	ssyncadd.s32 $0xFFFFF800  }
0x82: {  	_ =	swait.ge [sflag:s7], $0x800  }
0x83: {  	[sflag:s7] =	ssyncset.done $0x0  }
0x84: {  	[sflag:s7] =	ssyncadd.s32 $0xFFFFF800  }
0x85: {  	_ =	swait.ge [sflag:s7], $0x800  }
0x86: {  	[sflag:s7] =	ssyncset.done $0x0  }
0x87: {  	[sflag:s7] =	ssyncadd.s32 $0xFFFFF800  }
0x88: {  	_ =	swait.ge [sflag:s7], $0x800  }
0x89: {  	[sflag:s7] =	ssyncset.done $0x0  }
0x8a: {  	[sflag:s7] =	ssyncadd.s32 $0xFFFFF800  }
0x8b: {  	_ =	swait.ge [sflag:s7], $0x800  }
0x8c: {  	[sflag:s7] =	ssyncset.done $0x0  }
0x8d: {  	[sflag:s7] =	ssyncadd.s32 $0xFFFFF800  }
0x8e: {  	_ =	swait.ge [sflag:s7], $0x800  }
0x8f: {  	[sflag:s7] =	ssyncset.done $0x0  }
0x90: {  	[sflag:s7] =	ssyncadd.s32 $0xFFFFF800  }
0x91: {  	_ =	swait.ge [sflag:s7], $0x800  }
0x92: {  	[sflag:s7] =	ssyncset.done $0x0  }
0x93: {  	[sflag:s7] =	ssyncadd.s32 $0xFFFFF800  }
0x94: {  	_ =	swait.ge [sflag:s7], $0x800  }
0x95: {  	[sflag:s7] =	ssyncset.done $0x0  }
0x96: {  	[sflag:s7] =	ssyncadd.s32 $0xFFFFF800  }
0x97: {  	_ =	swait.ge [sflag:s7], $0x800  }
0x98: {  	[sflag:s7] =	ssyncset.done $0x0  }
0x99: {  	[sflag:s7] =	ssyncadd.s32 $0xFFFFF800  }
0x9a: {  	_ =	swait.ge [sflag:s7], $0x800  }
0x9b: {  	[sflag:s7] =	ssyncset.done $0x0  }
0x9c: {  	[sflag:s7] =	ssyncadd.s32 $0xFFFFF800  }
0x9d: {  	_ =	swait.ge [sflag:s7], $0x800  }
0x9e: {  	[sflag:s7] =	ssyncset.done $0x0  }
0x9f: {  	[sflag:s7] =	ssyncadd.s32 $0xFFFFF800  }
0xa0: {  	_ =	swait.ge [sflag:s7], $0x800  }
0xa1: {  	[sflag:s7] =	ssyncset.done $0x0  }
0xa2: {  	[sflag:s7] =	ssyncadd.s32 $0xFFFFF800  }
0xa3: {  	_ =	swait.ge [sflag:s7], $0x800  }
0xa4: {  	[sflag:s7] =	ssyncset.done $0x0  }
0xa5: {  	[sflag:s7] =	ssyncadd.s32 $0xFFFFF800  }
0xa6: {  	_ =	swait.ge [sflag:s7], $0x800  }
0xa7: {  	[sflag:s7] =	ssyncset.done $0x0  }
0xa8: {  	[sflag:s7] =	ssyncadd.s32 $0xFFFFF800  }
0xa9: {  	_ =	swait.ge [sflag:s7], $0x800  }
0xaa: {  	[sflag:s7] =	ssyncset.done $0x0  }
0xab: {  	[sflag:s7] =	ssyncadd.s32 $0xFFFFF800  }
0xac: {  	_ =	swait.ge [sflag:s7], $0x800  }
0xad: {  	[sflag:s7] =	ssyncset.done $0x0  }
0xae: {  	[sflag:s7] =	ssyncadd.s32 $0xFFFFF800  }
0xaf: {  	_ =	swait.ge [sflag:s7], $0x800  }
0xb0: {  	[sflag:s7] =	ssyncset.done $0x0  }
0xb1: {  	[sflag:s7] =	ssyncadd.s32 $0xFFFFF800  }
0xb2: {  	_ =	swait.ge [sflag:s7], $0x800  }
0xb3: {  	s0 =	sld [smem:$0x7ED]  }
0xb4: {  	s8 =	sld [smem:$0x7EE]  }
0xb5: {  	s23 =	sld [smem:$0x7EF]  }
0xb6: {  	s24 =	sld [smem:$0x7F0]  }
0xb7: {  	s25 =	sld [smem:$0x7F1]  }
0xb8: {  	s26 =	sld [smem:$0x7F2]  }
0xb9: {  	s15 =	sld [smem:$0x7F3]  }
0xba: {  	s16 =	sld [smem:$0x7F4]  }
0xbb: {  	[sflag:s7] =	ssyncset.done $0x0;
	s17 =	sld [smem:$0x7F5]  }
0xbc: {  	s18 =	sld [smem:$0x7F6];
	[sflag:s7] =	ssyncadd.s32 $0xFFFFF800  }
0xbd: {  	[tilespmem:s16], [sflag:$0x1] =	stream.indirect.gather [hbm4b:s5+s6], $0x10, s15, s6, $0xb8;
	[tilespmem:$0x15400] =	vst v63  }
0xbe: {  	s19 =	sld [smem:$0x7F7]  }
0xbf: {  	[tilespmem:s25], [sflag:$0x1] =	stream.indirect.gather [hbm4b:s5+s6], $0x10, s24, s6, $0xb8;
	[tilespmem:$0x15400] =	vst v63  }
0xc0: {  	s20 =	sld [smem:$0x7F8]  }
0xc1: {  	[tilespmem:s26], [sflag:$0x1] =	stream.indirect.gather [hbm4b:s5+s6], $0x10, s23, s6, $0xb8;
	[tilespmem:$0x15400] =	vst v63  }
0xc2: {  	s21 =	sld [smem:$0x7F9]  }
0xc3: {  	[tilespmem:s19], [sflag:$0x1] =	stream.indirect.gather [hbm4b:s5+s6], $0x10, s20, s6, $0xb8;
	[tilespmem:$0x15400] =	vst v63  }
0xc4: {  	s22 =	sld [smem:$0x7FA]  }
0xc5: {  	[tilespmem:s18], [sflag:$0x1] =	stream.indirect.gather [hbm4b:s5+s6], $0x10, s21, s6, $0xb8;
	[tilespmem:$0x15400] =	vst v63  }
0xc6: {  	s23 =	sld [smem:$0x7FB]  }
0xc7: {  	[tilespmem:s8], [sflag:$0x1] =	stream.indirect.gather [hbm4b:s5+s6], $0x10, s22, s6, $0xb8;
	[tilespmem:$0x15400] =	vst v63  }
0xc8: {  	s24 =	sld [smem:$0x7FC]  }
0xc9: {  	[tilespmem:s17], [sflag:$0x1] =	stream.indirect.gather [hbm4b:s5+s6], $0x10, s23, s6, $0xb8;
	[tilespmem:$0x15400] =	vst v63  }
0xca: {  	s25 =	sld [smem:$0x7FD]  }
0xcb: {  	[tilespmem:s0], [sflag:$0x1] =	stream.indirect.gather [hbm4b:s5+s6], $0x10, s24, s6, $0xb8;
	[tilespmem:$0x15400] =	vst v63  }
0xcc: {  	s26 =	simm.s32 $0xF400  }
0xcd: {  	[tilespmem:s26], [sflag:$0x1] =	stream.indirect.gather [hbm4b:s5+s6], $0x10, s25, s6, $0xb8;
	[tilespmem:$0x15400] =	vst v63  }
0xce: {  	s9 =	simm.s32 $0xFC00;
	s8 =	simm.s32 $0xE80  }
0xcf: {  	[tilespmem:s9], [sflag:$0x1] =	stream.indirect.gather [hbm4b:s5+s6], $0x10, s8, s6, $0xb8;
	[tilespmem:$0x15400] =	vst v63  }
0xd0: {  	s11 =	simm.s32 $0x10400;
	s10 =	simm.s32 $0xF00  }
0xd1: {  	[tilespmem:s11], [sflag:$0x1] =	stream.indirect.gather [hbm4b:s5+s6], $0x10, s10, s6, $0xb8;
	[tilespmem:$0x15400] =	vst v63  }
0xd2: {  	s13 =	simm.s32 $0x10C00;
	s12 =	simm.s32 $0xF80  }
0xd3: {  	[tilespmem:s13], [sflag:$0x1] =	stream.indirect.gather [hbm4b:s5+s6], $0x10, s12, s6, $0xb8;
	[tilespmem:$0x15400] =	vst v63  }
0xd4: {  	s14 =	simm.s32 $0x1000;
	s15 =	simm.s32 $0x11400  }
0xd5: {  	[tilespmem:s15], [sflag:$0x1] =	stream.indirect.gather [hbm4b:s5+s6], $0x10, s14, s6, $0xb8;
	[tilespmem:$0x15400] =	vst v63  }
0xd6: {  	s16 =	simm.s32 $0x1080;
	s17 =	simm.s32 $0x11C00  }
0xd7: {  	[tilespmem:s17], [sflag:$0x1] =	stream.indirect.gather [hbm4b:s5+s6], $0x10, s16, s6, $0xb8;
	[tilespmem:$0x15400] =	vst v63  }
0xd8: {  	s19 =	simm.s32 $0x12400;
	s18 =	simm.s32 $0x1100  }
0xd9: {  	[tilespmem:s19], [sflag:$0x1] =	stream.indirect.gather [hbm4b:s5+s6], $0x10, s18, s6, $0xb8;
	[tilespmem:$0x15400] =	vst v63  }
0xda: {  	s20 =	simm.s32 $0x1180;
	s21 =	simm.s32 $0x12C00  }
0xdb: {  	[tilespmem:s21], [sflag:$0x1] =	stream.indirect.gather [hbm4b:s5+s6], $0x10, s20, s6, $0xb8;
	[tilespmem:$0x15400] =	vst v63  }
0xdc: {  	s22 =	simm.s32 $0x1200;
	s23 =	simm.s32 $0x13400  }
0xdd: {  	[tilespmem:s23], [sflag:$0x1] =	stream.indirect.gather [hbm4b:s5+s6], $0x10, s22, s6, $0xb8;
	[tilespmem:$0x15400] =	vst v63  }
0xde: {  	s24 =	simm.s32 $0x1280;
	s25 =	simm.s32 $0x13C00  }
0xdf: {  	[tilespmem:s25], [sflag:$0x1] =	stream.indirect.gather [hbm4b:s5+s6], $0x10, s24, s6, $0xb8;
	[tilespmem:$0x15400] =	vst v63  }
0xe0: {  	s28 =	simm.s32 $0x1300;
	s29 =	simm.s32 $0x14400  }
0xe1: {  	[tilespmem:s29], [sflag:$0x1] =	stream.indirect.gather [hbm4b:s5+s6], $0x10, s28, s6, $0xb8;
	[tilespmem:$0x15400] =	vst v63  }
0xe2: {  	s30 =	simm.s32 $0x1380;
	s31 =	simm.s32 $0x14C00  }
0xe3: {  	[tilespmem:s31], [sflag:$0x1] =	stream.indirect.gather [hbm4b:s5+s6], $0x10, s30, s6, $0xb8;
	[tilespmem:$0x15400] =	vst v63  }
0xe4: {  	_ =	swait.ge [sflag:s7], $0x800  }
0xe5: {  	[sflag:s7] =	ssyncset.done $0x0  }
0xe6: {  	[sflag:s7] =	ssyncadd.s32 $0xFFFFF800  }
0xe7: {  	_ =	swait.ge [sflag:s7], $0x800  }
0xe8: {  	[sflag:s7] =	ssyncset.done $0x0  }
0xe9: {  	[sflag:s7] =	ssyncadd.s32 $0xFFFFF800  }
0xea: {  	_ =	swait.ge [sflag:s7], $0x800  }
0xeb: {  	[sflag:s7] =	ssyncset.done $0x0  }
0xec: {  	[sflag:s7] =	ssyncadd.s32 $0xFFFFF800  }
0xed: {  	_ =	swait.ge [sflag:s7], $0x800  }
0xee: {  	[sflag:s7] =	ssyncset.done $0x0  }
0xef: {  	[sflag:s7] =	ssyncadd.s32 $0xFFFFF800  }
0xf0: {  	_ =	swait.ge [sflag:s7], $0x800  }
0xf1: {  	[sflag:s7] =	ssyncset.done $0x0  }
0xf2: {  	[sflag:s7] =	ssyncadd.s32 $0xFFFFF800  }
0xf3: {  	_ =	swait.ge [sflag:s7], $0x800  }
0xf4: {  	[sflag:s7] =	ssyncset.done $0x0  }
0xf5: {  	[sflag:s7] =	ssyncadd.s32 $0xFFFFF800  }
0xf6: {  	_ =	swait.ge [sflag:s7], $0x800  }
0xf7: {  	[sflag:s7] =	ssyncset.done $0x0  }
0xf8: {  	[sflag:s7] =	ssyncadd.s32 $0xFFFFF800  }
0xf9: {  	_ =	swait.ge [sflag:s7], $0x800  }
0xfa: {  	[sflag:s7] =	ssyncset.done $0x0  }
0xfb: {  	[sflag:s7] =	ssyncadd.s32 $0xFFFFF800  }
0xfc: {  	_ =	swait.ge [sflag:s7], $0x800  }
0xfd: {  	[sflag:s7] =	ssyncset.done $0x0  }
0xfe: {  	[sflag:s7] =	ssyncadd.s32 $0xFFFFF800  }
0xff: {  	_ =	swait.ge [sflag:s7], $0x800  }
0x100: {  	s26 =	ssub.s32 $0x2, s1;
	[sflag:s7] =	ssyncset.done $0x0  }
0x101: {  	s1 =	sshrl.u32 s26, $0x1;
	[sflag:s7] =	ssyncadd.s32 $0xFFFFF800  }
0x102: {  	s0 =	ssub.s32 s26, s1;
	_ =	swait.ge [sflag:s7], $0x800  }
0x103: {  	s0 =	smax.u32 s0, $0x1;
	[sflag:s7] =	ssyncset.done $0x0  }
0x104: {  	p0 =	sne.s32 s0, $0x1;
	[sflag:s7] =	ssyncadd.s32 $0xFFFFF800  }
.Ltmp0:
0x105: {  	_ =	swait.ge [sflag:s7], $0x800;
	(pc) =	sbr.rel @!p0 .LBB2_2-.Ltmp0, $4  }
0x106: {  	[sflag:s7] =	ssyncset.done $0x0  }
0x107: {  	[sflag:s7] =	ssyncadd.s32 $0xFFFFF800  }
0x108: {  	_ =	swait.ge [sflag:s7], $0x800  }
0x109: {  	s1 =	sadd.s32 $0xFFFFFFFF, s0;
	[sflag:s7] =	ssyncset.done $0x0  }
.LBB2_1:
0x10a: {  	[sflag:s7] =	ssyncadd.s32 $0xFFFFF800  }
0x10b: {  	_ =	swait.ge [sflag:s7], $0x800  }
0x10c: {  	[sflag:s7] =	ssyncset.done $0x0  }
0x10d: {  	[sflag:s7] =	ssyncadd.s32 $0xFFFFF800  }
0x10e: {  	_ =	swait.ge [sflag:s7], $0x800  }
0x10f: {  	[sflag:s7] =	ssyncset.done $0x0  }
0x110: {  	[sflag:s7] =	ssyncadd.s32 $0xFFFFF800  }
0x111: {  	_ =	swait.ge [sflag:s7], $0x800  }
0x112: {  	[sflag:s7] =	ssyncset.done $0x0  }
0x113: {  	[sflag:s7] =	ssyncadd.s32 $0xFFFFF800  }
0x114: {  	_ =	swait.ge [sflag:s7], $0x800  }
0x115: {  	[sflag:s7] =	ssyncset.done $0x0  }
0x116: {  	[sflag:s7] =	ssyncadd.s32 $0xFFFFF800  }
0x117: {  	_ =	swait.ge [sflag:s7], $0x800  }
0x118: {  	[sflag:s7] =	ssyncset.done $0x0  }
0x119: {  	[sflag:s7] =	ssyncadd.s32 $0xFFFFF800  }
0x11a: {  	_ =	swait.ge [sflag:s7], $0x800  }
0x11b: {  	[sflag:s7] =	ssyncset.done $0x0  }
0x11c: {  	[sflag:s7] =	ssyncadd.s32 $0xFFFFF800  }
0x11d: {  	_ =	swait.ge [sflag:s7], $0x800  }
0x11e: {  	[sflag:s7] =	ssyncset.done $0x0  }
0x11f: {  	s0 =	rddreg [dreg:$0x4];
	[sflag:s7] =	ssyncadd.s32 $0xFFFFF800  }
0x120: {  	[hbm4b:s0+s2] =	stream.linear.scatter [tilespmem:s4], [sflag:$0x2], $0x14000, $0x38;
	[tilespmem:$0x15400] =	vst v63  }
0x121: {  	_ =	swait.ge [sflag:s3], $0x14000  }
0x122: {  	[sflag:s3] =	ssyncset.done $0x0  }
0x123: {  	s18 =	rddreg [dreg:$0x3];
	[sflag:s3] =	ssyncadd.s32 $0xFFFEC000  }
0x124: {  	[tilespmem:s2], [sflag:$0x2] =	stream.linear.gather [hbm4b:s18+s2], $0x1400, $0x38;
	[tilespmem:$0x15400] =	vst v63  }
0x125: {  	_ =	swait.ge [sflag:s3], $0x1400  }
0x126: {  	s10 =	rddreg [dreg:$0x13]  }
0x127: {  	s12 =	rddreg [dreg:$0xe]  }
0x128: {  	s0 =	sld [smem:$0x7E3]  }
0x129: {  	s13 =	rddreg [dreg:$0xf]  }
0x12a: {  	s8 =	sld [smem:$0x7E4]  }
0x12b: {  	s14 =	rddreg [dreg:$0xc]  }
0x12c: {  	s9 =	rddreg [dreg:$0x1d]  }
0x12d: {  	s15 =	rddreg [dreg:$0xa]  }
0x12e: {  	s11 =	rddreg [dreg:$0x19]  }
0x12f: {  	s16 =	rddreg [dreg:$0x15]  }
0x130: {  	s17 =	rddreg [dreg:$0x8]  }
0x131: {  	s18 =	rddreg [dreg:$0x11]  }
0x132: {  	s19 =	rddreg [dreg:$0xb]  }
0x133: {  	s20 =	rddreg [dreg:$0x9]  }
0x134: {  	s21 =	rddreg [dreg:$0xd]  }
0x135: {  	s22 =	rddreg [dreg:$0x6]  }
0x136: {  	s23 =	rddreg [dreg:$0x5]  }
0x137: {  	[sflag:s3] =	ssyncset.done $0x0;
	s24 =	rddreg [dreg:$0x7]  }
0x138: {  	s25 =	rddreg [dreg:$0x10];
	[sflag:s3] =	ssyncadd.s32 $0xFFFFEC00  }
0x139: {  	[tilespmem:s4], [sflag:$0x1] =	stream.indirect.gather [hbm4b:s5+s6], $0x10, s2, s6, $0xb8;
	[tilespmem:$0x15400] =	vst v63  }
0x13a: {  	s26 =	rddreg [dreg:$0x12]  }
0x13b: {  	[tilespmem:s23], [sflag:$0x1] =	stream.indirect.gather [hbm4b:s5+s6], $0x10, s6, s6, $0xb8;
	[tilespmem:$0x15400] =	vst v63  }
0x13c: {  	s23 =	rddreg [dreg:$0x14]  }
0x13d: {  	[tilespmem:s24], [sflag:$0x1] =	stream.indirect.gather [hbm4b:s5+s6], $0x10, s22, s6, $0xb8;
	[tilespmem:$0x15400] =	vst v63  }
0x13e: {  	s22 =	rddreg [dreg:$0x17]  }
0x13f: {  	[tilespmem:s20], [sflag:$0x1] =	stream.indirect.gather [hbm4b:s5+s6], $0x10, s17, s6, $0xb8;
	[tilespmem:$0x15400] =	vst v63  }
0x140: {  	s24 =	rddreg [dreg:$0x1c]  }
0x141: {  	[tilespmem:s19], [sflag:$0x1] =	stream.indirect.gather [hbm4b:s5+s6], $0x10, s15, s6, $0xb8;
	[tilespmem:$0x15400] =	vst v63  }
0x142: {  	s17 =	rddreg [dreg:$0x16]  }
0x143: {  	[tilespmem:s21], [sflag:$0x1] =	stream.indirect.gather [hbm4b:s5+s6], $0x10, s14, s6, $0xb8;
	[tilespmem:$0x15400] =	vst v63  }
0x144: {  	s20 =	rddreg [dreg:$0x1b]  }
0x145: {  	[tilespmem:s13], [sflag:$0x1] =	stream.indirect.gather [hbm4b:s5+s6], $0x10, s12, s6, $0xb8;
	[tilespmem:$0x15400] =	vst v63  }
0x146: {  	s19 =	rddreg [dreg:$0x18]  }
0x147: {  	[tilespmem:s18], [sflag:$0x1] =	stream.indirect.gather [hbm4b:s5+s6], $0x10, s25, s6, $0xb8;
	[tilespmem:$0x15400] =	vst v63  }
0x148: {  	s21 =	rddreg [dreg:$0x1a]  }
0x149: {  	[tilespmem:s10], [sflag:$0x1] =	stream.indirect.gather [hbm4b:s5+s6], $0x10, s26, s6, $0xb8;
	[tilespmem:$0x15400] =	vst v63  }
0x14a: {  	s25 =	rddreg [dreg:$0x1f]  }
0x14b: {  	[tilespmem:s16], [sflag:$0x1] =	stream.indirect.gather [hbm4b:s5+s6], $0x10, s23, s6, $0xb8;
	[tilespmem:$0x15400] =	vst v63  }
0x14c: {  	s18 =	sld [smem:$0x7E5]  }
0x14d: {  	[tilespmem:s22], [sflag:$0x1] =	stream.indirect.gather [hbm4b:s5+s6], $0x10, s17, s6, $0xb8;
	[tilespmem:$0x15400] =	vst v63  }
0x14e: {  	s26 =	rddreg [dreg:$0x1e]  }
0x14f: {  	[tilespmem:s11], [sflag:$0x1] =	stream.indirect.gather [hbm4b:s5+s6], $0x10, s19, s6, $0xb8;
	[tilespmem:$0x15400] =	vst v63  }
0x150: {  	s23 =	sld [smem:$0x7EA]  }
0x151: {  	[tilespmem:s20], [sflag:$0x1] =	stream.indirect.gather [hbm4b:s5+s6], $0x10, s21, s6, $0xb8;
	[tilespmem:$0x15400] =	vst v63  }
0x152: {  	s22 =	sld [smem:$0x7E9]  }
0x153: {  	[tilespmem:s9], [sflag:$0x1] =	stream.indirect.gather [hbm4b:s5+s6], $0x10, s24, s6, $0xb8;
	[tilespmem:$0x15400] =	vst v63  }
0x154: {  	s19 =	sld [smem:$0x7E6]  }
0x155: {  	[tilespmem:s25], [sflag:$0x1] =	stream.indirect.gather [hbm4b:s5+s6], $0x10, s26, s6, $0xb8;
	[tilespmem:$0x15400] =	vst v63  }
0x156: {  	s20 =	sld [smem:$0x7E7]  }
0x157: {  	[tilespmem:s8], [sflag:$0x1] =	stream.indirect.gather [hbm4b:s5+s6], $0x10, s18, s6, $0xb8;
	[tilespmem:$0x15400] =	vst v63  }
0x158: {  	s21 =	sld [smem:$0x7E8]  }
0x159: {  	[tilespmem:s19], [sflag:$0x1] =	stream.indirect.gather [hbm4b:s5+s6], $0x10, s20, s6, $0xb8;
	[tilespmem:$0x15400] =	vst v63  }
0x15a: {  	s24 =	sld [smem:$0x7EB]  }
0x15b: {  	[tilespmem:s0], [sflag:$0x1] =	stream.indirect.gather [hbm4b:s5+s6], $0x10, s21, s6, $0xb8;
	[tilespmem:$0x15400] =	vst v63  }
0x15c: {  	s25 =	sld [smem:$0x7EC]  }
0x15d: {  	[tilespmem:s22], [sflag:$0x1] =	stream.indirect.gather [hbm4b:s5+s6], $0x10, s23, s6, $0xb8;
	[tilespmem:$0x15400] =	vst v63  }
0x15e: {  	_ = 	snop  }
0x15f: {  	[tilespmem:s25], [sflag:$0x1] =	stream.indirect.gather [hbm4b:s5+s6], $0x10, s24, s6, $0xb8;
	[tilespmem:$0x15400] =	vst v63  }
0x160: {  	_ =	swait.ge [sflag:s7], $0x800  }
0x161: {  	[sflag:s7] =	ssyncset.done $0x0  }
0x162: {  	[sflag:s7] =	ssyncadd.s32 $0xFFFFF800  }
0x163: {  	_ =	swait.ge [sflag:s7], $0x800  }
0x164: {  	[sflag:s7] =	ssyncset.done $0x0  }
0x165: {  	[sflag:s7] =	ssyncadd.s32 $0xFFFFF800  }
0x166: {  	_ =	swait.ge [sflag:s7], $0x800  }
0x167: {  	[sflag:s7] =	ssyncset.done $0x0  }
0x168: {  	[sflag:s7] =	ssyncadd.s32 $0xFFFFF800  }
0x169: {  	_ =	swait.ge [sflag:s7], $0x800  }
0x16a: {  	[sflag:s7] =	ssyncset.done $0x0  }
0x16b: {  	[sflag:s7] =	ssyncadd.s32 $0xFFFFF800  }
0x16c: {  	_ =	swait.ge [sflag:s7], $0x800  }
0x16d: {  	[sflag:s7] =	ssyncset.done $0x0  }
0x16e: {  	[sflag:s7] =	ssyncadd.s32 $0xFFFFF800  }
0x16f: {  	_ =	swait.ge [sflag:s7], $0x800  }
0x170: {  	[sflag:s7] =	ssyncset.done $0x0  }
0x171: {  	[sflag:s7] =	ssyncadd.s32 $0xFFFFF800  }
0x172: {  	_ =	swait.ge [sflag:s7], $0x800  }
0x173: {  	[sflag:s7] =	ssyncset.done $0x0  }
0x174: {  	[sflag:s7] =	ssyncadd.s32 $0xFFFFF800  }
0x175: {  	_ =	swait.ge [sflag:s7], $0x800  }
0x176: {  	[sflag:s7] =	ssyncset.done $0x0  }
0x177: {  	[sflag:s7] =	ssyncadd.s32 $0xFFFFF800  }
0x178: {  	_ =	swait.ge [sflag:s7], $0x800  }
0x179: {  	[sflag:s7] =	ssyncset.done $0x0  }
0x17a: {  	[sflag:s7] =	ssyncadd.s32 $0xFFFFF800  }
0x17b: {  	_ =	swait.ge [sflag:s7], $0x800  }
0x17c: {  	[sflag:s7] =	ssyncset.done $0x0  }
0x17d: {  	[sflag:s7] =	ssyncadd.s32 $0xFFFFF800  }
0x17e: {  	_ =	swait.ge [sflag:s7], $0x800  }
0x17f: {  	[sflag:s7] =	ssyncset.done $0x0  }
0x180: {  	[sflag:s7] =	ssyncadd.s32 $0xFFFFF800  }
0x181: {  	_ =	swait.ge [sflag:s7], $0x800  }
0x182: {  	[sflag:s7] =	ssyncset.done $0x0  }
0x183: {  	[sflag:s7] =	ssyncadd.s32 $0xFFFFF800  }
0x184: {  	_ =	swait.ge [sflag:s7], $0x800  }
0x185: {  	[sflag:s7] =	ssyncset.done $0x0  }
0x186: {  	[sflag:s7] =	ssyncadd.s32 $0xFFFFF800  }
0x187: {  	_ =	swait.ge [sflag:s7], $0x800  }
0x188: {  	[sflag:s7] =	ssyncset.done $0x0  }
0x189: {  	[sflag:s7] =	ssyncadd.s32 $0xFFFFF800  }
0x18a: {  	_ =	swait.ge [sflag:s7], $0x800  }
0x18b: {  	[sflag:s7] =	ssyncset.done $0x0  }
0x18c: {  	[sflag:s7] =	ssyncadd.s32 $0xFFFFF800  }
0x18d: {  	_ =	swait.ge [sflag:s7], $0x800  }
0x18e: {  	[sflag:s7] =	ssyncset.done $0x0  }
0x18f: {  	[sflag:s7] =	ssyncadd.s32 $0xFFFFF800  }
0x190: {  	_ =	swait.ge [sflag:s7], $0x800  }
0x191: {  	[sflag:s7] =	ssyncset.done $0x0  }
0x192: {  	[sflag:s7] =	ssyncadd.s32 $0xFFFFF800  }
0x193: {  	_ =	swait.ge [sflag:s7], $0x800  }
0x194: {  	[sflag:s7] =	ssyncset.done $0x0  }
0x195: {  	[sflag:s7] =	ssyncadd.s32 $0xFFFFF800  }
0x196: {  	_ =	swait.ge [sflag:s7], $0x800  }
0x197: {  	[sflag:s7] =	ssyncset.done $0x0  }
0x198: {  	[sflag:s7] =	ssyncadd.s32 $0xFFFFF800  }
0x199: {  	_ =	swait.ge [sflag:s7], $0x800  }
0x19a: {  	s0 =	sld [smem:$0x7ED]  }
0x19b: {  	s9 =	sld [smem:$0x7EE]  }
0x19c: {  	s26 =	sld [smem:$0x7EF]  }
0x19d: {  	s12 =	sld [smem:$0x7F0]  }
0x19e: {  	s13 =	sld [smem:$0x7F1]  }
0x19f: {  	s16 =	sld [smem:$0x7F2]  }
0x1a0: {  	s17 =	sld [smem:$0x7F3]  }
0x1a1: {  	s18 =	sld [smem:$0x7F4]  }
0x1a2: {  	[sflag:s7] =	ssyncset.done $0x0;
	s19 =	sld [smem:$0x7F5]  }
0x1a3: {  	s20 =	sld [smem:$0x7F6];
	[sflag:s7] =	ssyncadd.s32 $0xFFFFF800  }
0x1a4: {  	[tilespmem:s18], [sflag:$0x1] =	stream.indirect.gather [hbm4b:s5+s6], $0x10, s17, s6, $0xb8;
	[tilespmem:$0x15400] =	vst v63  }
0x1a5: {  	s21 =	sld [smem:$0x7F7]  }
0x1a6: {  	[tilespmem:s13], [sflag:$0x1] =	stream.indirect.gather [hbm4b:s5+s6], $0x10, s12, s6, $0xb8;
	[tilespmem:$0x15400] =	vst v63  }
0x1a7: {  	s22 =	sld [smem:$0x7F8]  }
0x1a8: {  	[tilespmem:s16], [sflag:$0x1] =	stream.indirect.gather [hbm4b:s5+s6], $0x10, s26, s6, $0xb8;
	[tilespmem:$0x15400] =	vst v63  }
0x1a9: {  	s23 =	sld [smem:$0x7F9]  }
0x1aa: {  	[tilespmem:s21], [sflag:$0x1] =	stream.indirect.gather [hbm4b:s5+s6], $0x10, s22, s6, $0xb8;
	[tilespmem:$0x15400] =	vst v63  }
0x1ab: {  	s24 =	sld [smem:$0x7FA]  }
0x1ac: {  	[tilespmem:s20], [sflag:$0x1] =	stream.indirect.gather [hbm4b:s5+s6], $0x10, s23, s6, $0xb8;
	[tilespmem:$0x15400] =	vst v63  }
0x1ad: {  	s25 =	sld [smem:$0x7FB]  }
0x1ae: {  	[tilespmem:s9], [sflag:$0x1] =	stream.indirect.gather [hbm4b:s5+s6], $0x10, s24, s6, $0xb8;
	[tilespmem:$0x15400] =	vst v63  }
0x1af: {  	s8 =	sld [smem:$0x7FC]  }
0x1b0: {  	[tilespmem:s19], [sflag:$0x1] =	stream.indirect.gather [hbm4b:s5+s6], $0x10, s25, s6, $0xb8;
	[tilespmem:$0x15400] =	vst v63  }
0x1b1: {  	s26 =	sld [smem:$0x7FD]  }
0x1b2: {  	[tilespmem:s0], [sflag:$0x1] =	stream.indirect.gather [hbm4b:s5+s6], $0x10, s8, s6, $0xb8;
	[tilespmem:$0x15400] =	vst v63  }
0x1b3: {  	s8 =	simm.s32 $0xF400  }
0x1b4: {  	[tilespmem:s8], [sflag:$0x1] =	stream.indirect.gather [hbm4b:s5+s6], $0x10, s26, s6, $0xb8;
	[tilespmem:$0x15400] =	vst v63  }
0x1b5: {  	s10 =	simm.s32 $0xFC00;
	s9 =	simm.s32 $0xE80  }
0x1b6: {  	[tilespmem:s10], [sflag:$0x1] =	stream.indirect.gather [hbm4b:s5+s6], $0x10, s9, s6, $0xb8;
	[tilespmem:$0x15400] =	vst v63  }
0x1b7: {  	s11 =	simm.s32 $0xF00;
	s12 =	simm.s32 $0x10400  }
0x1b8: {  	[tilespmem:s12], [sflag:$0x1] =	stream.indirect.gather [hbm4b:s5+s6], $0x10, s11, s6, $0xb8;
	[tilespmem:$0x15400] =	vst v63  }
0x1b9: {  	s14 =	simm.s32 $0x10C00;
	s13 =	simm.s32 $0xF80  }
0x1ba: {  	[tilespmem:s14], [sflag:$0x1] =	stream.indirect.gather [hbm4b:s5+s6], $0x10, s13, s6, $0xb8;
	[tilespmem:$0x15400] =	vst v63  }
0x1bb: {  	s15 =	simm.s32 $0x1000;
	s16 =	simm.s32 $0x11400  }
0x1bc: {  	[tilespmem:s16], [sflag:$0x1] =	stream.indirect.gather [hbm4b:s5+s6], $0x10, s15, s6, $0xb8;
	[tilespmem:$0x15400] =	vst v63  }
0x1bd: {  	s17 =	simm.s32 $0x1080;
	s18 =	simm.s32 $0x11C00  }
0x1be: {  	[tilespmem:s18], [sflag:$0x1] =	stream.indirect.gather [hbm4b:s5+s6], $0x10, s17, s6, $0xb8;
	[tilespmem:$0x15400] =	vst v63  }
0x1bf: {  	s20 =	simm.s32 $0x12400;
	s19 =	simm.s32 $0x1100  }
0x1c0: {  	[tilespmem:s20], [sflag:$0x1] =	stream.indirect.gather [hbm4b:s5+s6], $0x10, s19, s6, $0xb8;
	[tilespmem:$0x15400] =	vst v63  }
0x1c1: {  	s21 =	simm.s32 $0x1180;
	s22 =	simm.s32 $0x12C00  }
0x1c2: {  	[tilespmem:s22], [sflag:$0x1] =	stream.indirect.gather [hbm4b:s5+s6], $0x10, s21, s6, $0xb8;
	[tilespmem:$0x15400] =	vst v63  }
0x1c3: {  	s23 =	simm.s32 $0x1200;
	s24 =	simm.s32 $0x13400  }
0x1c4: {  	[tilespmem:s24], [sflag:$0x1] =	stream.indirect.gather [hbm4b:s5+s6], $0x10, s23, s6, $0xb8;
	[tilespmem:$0x15400] =	vst v63  }
0x1c5: {  	s25 =	simm.s32 $0x1280;
	s26 =	simm.s32 $0x13C00  }
0x1c6: {  	[tilespmem:s26], [sflag:$0x1] =	stream.indirect.gather [hbm4b:s5+s6], $0x10, s25, s6, $0xb8;
	[tilespmem:$0x15400] =	vst v63  }
0x1c7: {  	_ = 	snop  }
0x1c8: {  	[tilespmem:s29], [sflag:$0x1] =	stream.indirect.gather [hbm4b:s5+s6], $0x10, s28, s6, $0xb8;
	[tilespmem:$0x15400] =	vst v63  }
0x1c9: {  	_ = 	snop  }
0x1ca: {  	[tilespmem:s31], [sflag:$0x1] =	stream.indirect.gather [hbm4b:s5+s6], $0x10, s30, s6, $0xb8;
	[tilespmem:$0x15400] =	vst v63  }
0x1cb: {  	_ =	swait.ge [sflag:s7], $0x800  }
0x1cc: {  	[sflag:s7] =	ssyncset.done $0x0  }
0x1cd: {  	[sflag:s7] =	ssyncadd.s32 $0xFFFFF800  }
0x1ce: {  	_ =	swait.ge [sflag:s7], $0x800  }
0x1cf: {  	[sflag:s7] =	ssyncset.done $0x0  }
0x1d0: {  	[sflag:s7] =	ssyncadd.s32 $0xFFFFF800  }
0x1d1: {  	_ =	swait.ge [sflag:s7], $0x800  }
0x1d2: {  	[sflag:s7] =	ssyncset.done $0x0  }
0x1d3: {  	[sflag:s7] =	ssyncadd.s32 $0xFFFFF800  }
0x1d4: {  	_ =	swait.ge [sflag:s7], $0x800  }
0x1d5: {  	[sflag:s7] =	ssyncset.done $0x0  }
0x1d6: {  	[sflag:s7] =	ssyncadd.s32 $0xFFFFF800  }
0x1d7: {  	_ =	swait.ge [sflag:s7], $0x800  }
0x1d8: {  	[sflag:s7] =	ssyncset.done $0x0  }
0x1d9: {  	[sflag:s7] =	ssyncadd.s32 $0xFFFFF800  }
0x1da: {  	_ =	swait.ge [sflag:s7], $0x800  }
0x1db: {  	[sflag:s7] =	ssyncset.done $0x0  }
0x1dc: {  	[sflag:s7] =	ssyncadd.s32 $0xFFFFF800  }
0x1dd: {  	_ =	swait.ge [sflag:s7], $0x800  }
0x1de: {  	[sflag:s7] =	ssyncset.done $0x0  }
0x1df: {  	[sflag:s7] =	ssyncadd.s32 $0xFFFFF800  }
0x1e0: {  	_ =	swait.ge [sflag:s7], $0x800  }
0x1e1: {  	[sflag:s7] =	ssyncset.done $0x0  }
0x1e2: {  	[sflag:s7] =	ssyncadd.s32 $0xFFFFF800  }
0x1e3: {  	_ =	swait.ge [sflag:s7], $0x800  }
0x1e4: {  	[sflag:s7] =	ssyncset.done $0x0  }
0x1e5: {  	[sflag:s7] =	ssyncadd.s32 $0xFFFFF800  }
0x1e6: {  	_ =	swait.ge [sflag:s7], $0x800  }
0x1e7: {  	[sflag:s7] =	ssyncset.done $0x0  }
0x1e8: {  	[sflag:s7] =	ssyncadd.s32 $0xFFFFF800  }
0x1e9: {  	_ =	swait.ge [sflag:s7], $0x800  }
0x1ea: {  	[sflag:s7] =	ssyncset.done $0x0  }
0x1eb: {  	p0 =	sne.s32 s1, $0x1;
	[sflag:s7] =	ssyncadd.s32 $0xFFFFF800  }
.Ltmp1:
0x1ec: {  	_ =	swait.ge [sflag:s7], $0x800;
	(pc) =	sbr.rel @p0 .LBB2_1-.Ltmp1, $4  }
0x1ed: {  	[sflag:s7] =	ssyncset.done $0x0  }
0x1ee: {  	[sflag:s7] =	ssyncadd.s32 $0xFFFFF800  }
0x1ef: {  	_ =	swait.ge [sflag:s7], $0x800  }
0x1f0: {  	s1 =	sadd.s32 $0xFFFFFFFF, s1;
	[sflag:s7] =	ssyncset.done $0x0  }
.LBB2_2:
0x1f1: {  	[sflag:s7] =	ssyncadd.s32 $0xFFFFF800  }
0x1f2: {  	_ =	swait.ge [sflag:s7], $0x800  }
0x1f3: {  	[sflag:s7] =	ssyncset.done $0x0  }
0x1f4: {  	[sflag:s7] =	ssyncadd.s32 $0xFFFFF800  }
0x1f5: {  	_ =	swait.ge [sflag:s7], $0x800  }
0x1f6: {  	[sflag:s7] =	ssyncset.done $0x0  }
0x1f7: {  	[sflag:s7] =	ssyncadd.s32 $0xFFFFF800  }
0x1f8: {  	_ =	swait.ge [sflag:s7], $0x800  }
0x1f9: {  	[sflag:s7] =	ssyncset.done $0x0  }
0x1fa: {  	[sflag:s7] =	ssyncadd.s32 $0xFFFFF800  }
0x1fb: {  	_ =	swait.ge [sflag:s7], $0x800  }
0x1fc: {  	[sflag:s7] =	ssyncset.done $0x0  }
0x1fd: {  	[sflag:s7] =	ssyncadd.s32 $0xFFFFF800  }
0x1fe: {  	_ =	swait.ge [sflag:s7], $0x800  }
0x1ff: {  	[sflag:s7] =	ssyncset.done $0x0  }
0x200: {  	[sflag:s7] =	ssyncadd.s32 $0xFFFFF800  }
0x201: {  	_ =	swait.ge [sflag:s7], $0x800  }
0x202: {  	[sflag:s7] =	ssyncset.done $0x0  }
0x203: {  	[sflag:s7] =	ssyncadd.s32 $0xFFFFF800  }
0x204: {  	_ =	swait.ge [sflag:s7], $0x800  }
0x205: {  	[sflag:s7] =	ssyncset.done $0x0  }
0x206: {  	s0 =	rddreg [dreg:$0x4];
	[sflag:s7] =	ssyncadd.s32 $0xFFFFF800  }
0x207: {  	[hbm4b:s0+s2] =	stream.linear.scatter [tilespmem:s4], [sflag:$0x2], $0x14000, $0x38;
	[tilespmem:$0x15400] =	vst v63  }
0x208: {  	_ =	swait.ge [sflag:s3], $0x14000  }
0x209: {  	[sflag:s3] =	ssyncset.done $0x0  }
0x20a: {  	[sflag:s3] =	ssyncadd.s32 $0xFFFEC000  }
0x20b: {  	_ =	sfence.sel $0x180000  }
0x20c: {  	[bflag:$0x0] =	sbarrier.arrive $0xFFFF  }
0x20d: {  	_ =	strace $0x90000047  }
0x20e: {  	s31 =	stileid.u32;
	[bflag:$0x2] =	sbarrier.arrive $0xFFFF  }
0x20f: {  	p0 =	sne.s32 s31, $0x0;
	s0 =	rddreg [dreg:$0x2]  }
0x210: {  	s0 =	sadd.s32 @!p0 $0x100000, s0  }
0x211: {  	[sflag:s0] =	ssyncadd.tile.s32 @!p0 $0x1;
	_ =	shalt  }
.Lfunc_end2:
_tile_overlayer_lowered:
.L_overlay_start_2:
0x212: {  	(tag) =	ssettag $0x2  }
0x213: {  	s0 =	rddreg [dreg:$0x0];
	s2 =	stileid.u32  }
0x214: {  	s1 =	rddreg [dreg:$0x1];
	p0 =	sne.s32 s2, $0x0  }
0x215: {  	s3 =	rddreg [dreg:$0x2];
	[bflag:$0x3] =	sbarrier.arrive $0xFFFF;
	s2 =	simm.s32 @!p0 $0x1C02  }
0x216: {  	[timem:s3], [sflag:s2] =	dma.local @!p0 [hbm:s0], s1  }
0x217: {  	s0 =	simm.s32 @!p0 $0x2  }
0x218: {  	_ =	swait.ge @!p0 [sflag:s0], s1  }
0x219: {  	s1 =	ssub.s32 @!p0 $0x0, s1;
	[sflag:s0] =	ssyncset.done @!p0 $0x0  }
0x21a: {  	[sflag:s0] =	ssyncadd.s32 @!p0 s1  }
0x21b: {  	[bflag:$0x3] =	sbarrier.arrive $0xFFFF  }
0x21c: {  	_ =	shalt  }

// kernel: kernel.9.cloned.1.call-start
scs
__scs_entry_jumppad:
0x0: {  	(pc) =	sbr.rel $0x88, $3  }
0x1: {  	(tag) =	ssettag $0x0;
	lr =	simm.s32 $0x1  }
0x2: {  	[smem:$0x3F99] =	sst lr;
	_ =	strace $0xD0000000  }
0x3: {  	_ = 	snop  }
0x4: {  	_ = 	snop  }
0x5: {  	_ = 	snop  }
0x6: {  	_ = 	snop  }
0x7: {  	_ = 	snop  }
__scs_overlays_trampoline_lowered:
0x8: {  	[smem:$0x3FA8] =	sst s0  }
0x9: {  	[smem:$0x3FA9] =	sst s1  }
0xa: {  	[smem:$0x3FAA] =	sst s2  }
0xb: {  	[smem:$0x3FAB] =	sst s3  }
0xc: {  	[smem:$0x3FAC] =	sst s4  }
0xd: {  	[smem:$0x3FAD] =	sst s5  }
0xe: {  	[smem:$0x3FAE] =	sst s6  }
0xf: {  	[smem:$0x3FAF] =	sst s7  }
0x10: {  	[smem:$0x3FB0] =	sst s8  }
0x11: {  	[smem:$0x3FB1] =	sst s9;
	s0 =	simm.s32 @!p0 $0x0  }
0x12: {  	s1 =	sld [smem:$0x3F97];
	s0 =	simm.s32 @p0 $0x1  }
0x13: {  	[smem:$0x3FB2] =	sst s0;
	s0 =	simm.s32 @!p1 $0x0  }
0x14: {  	s2 =	sld [smem:$0x3F96];
	s0 =	simm.s32 @p1 $0x1  }
0x15: {  	[smem:$0x3FB3] =	sst s0;
	s0 =	simm.s32 @!p2 $0x0  }
0x16: {  	s3 =	sld [smem:$0x3FDB];
	s0 =	simm.s32 @p2 $0x1  }
0x17: {  	s4 =	simm.s32 $0x1BF5;
	[smem:$0x3FB5] =	sst s0  }
0x18: {  	s0 =	sld [smem:$0x3F98];
	_ =	swait.ge [sflag:s4], $0x0  }
0x19: {  	s7 =	sld [smem:$0x3F99]  }
0x1a: {  	s8 =	sadd.s32 $0xFFFFE003, lr  }
0x1b: {  	s9 =	sadd.s32 $0xFFFFFEF7, lr;
	s5 =	simm.s32 $0xFFFFFFFF;
	p2 =	slt.u32 s8, $0xFFFFF086  }
0x1c: {  	p1 =	slt.u32 s9, $0xF7A;
	s5 =	simm.s32 @!p2 $0x0  }
0x1d: {  	s5 =	simm.s32 @p1 $0x1;
	p0 =	seq.s32 s7, s2  }
0x1e: {  	s7 =	smul.u32 @!p0 $0xF7A, s2;
	p2 =	seq.s32 @!p0 s5, $0x0  }
0x1f: {  	s9 =	smul.u32 $0xF7A, s1;
	s8 =	simm.s32 @!p0 $0x1BF5;
	p2 =	por !p2, p0  }
0x20: {  	[sflag:s8] =	ssyncset.s32 @!p0 $0xFFFFF086;
	s6 =	sadd.s32 @!p0 s3, s7;
	s7 =	simm.s32 @!p0 $0x108  }
0x21: {  	s3 =	sadd.s32 s3, s9;
	s6 =	sadd.s32 @!p0 $0x88, s6;
	s7 =	simm.s32 @p2 $0x1082  }
0x22: {  	[simem:s7], [sflag:s8] =	dma.local @!p0 [hbm:s6], $0xF7A  }
0x23: {  	s9 =	sor.u32 $0xD0000000, s2;
	s6 =	simm.s32 $0x108;
	_ =	swait.ge @!p0 [sflag:s8], $0x0  }
0x24: {  	s3 =	sadd.s32 $0x88, s3;
	s6 =	simm.s32 @!p1 $0x1082;
	[sflag:s4] =	ssyncset.s32 $0xFFFFF086  }
0x25: {  	[simem:s6], [sflag:s4] =	dma.local [hbm:s3], $0xF7A  }
0x26: {  	[smem:$0x3F99] =	sst s1;
	(tag) =	ssettag s2;
	_ =	strace s9  }
0x27: {  	s1 =	sld [smem:$0x3FA9]  }
0x28: {  	s2 =	sld [smem:$0x3FAA]  }
0x29: {  	s4 =	sld [smem:$0x3FAC]  }
0x2a: {  	p0 =	seq.s32 s5, $0x0;
	s5 =	sld [smem:$0x3FAD]  }
0x2b: {  	s6 =	sld [smem:$0x3FAE]  }
0x2c: {  	s7 =	sld [smem:$0x3FAF]  }
0x2d: {  	s3 =	simm.s32 $0x108;
	s8 =	sld [smem:$0x3FB0]  }
0x2e: {  	s3 =	simm.s32 @!p0 $0x1082;
	s9 =	sld [smem:$0x3FB1]  }
0x2f: {  	lr =	sadd.s32 s0, s3;
	s0 =	sld [smem:$0x3FA8]  }
0x30: {  	s3 =	sld [smem:$0x3FAB]  }
0x31: {  	[smem:$0x3FB4] =	sst s10  }
0x32: {  	s10 =	sld [smem:$0x3FB2];
	_ =	sdelay $0x3  }
0x33: {  	p0 =	seq.s32 s10, $0x1;
	s10 =	sld [smem:$0x3FB4];
	_ =	sdelay $0x3  }
0x34: {  	[smem:$0x3FB4] =	sst s10  }
0x35: {  	s10 =	sld [smem:$0x3FB3];
	_ =	sdelay $0x3  }
0x36: {  	p1 =	seq.s32 s10, $0x1;
	s10 =	sld [smem:$0x3FB4];
	_ =	sdelay $0x3  }
0x37: {  	[smem:$0x3FB4] =	sst s10  }
0x38: {  	s10 =	sld [smem:$0x3FB5]  }
0x39: {  	_ = 	snop;
	(pc) =	sbr.ind lr, $3  }
0x3a: {  	_ = 	snop  }
0x3b: {  	_ = 	snop  }
0x3c: {  	p2 =	seq.s32 s10, $0x1;
	s10 =	sld [smem:$0x3FB4]  }
0x3d: {  	_ =	shalt  }
0x3e: {  	_ =	shalt  }
0x3f: {  	_ =	shalt  }
0x40: {  	_ =	shalt  }
0x41: {  	_ =	shalt  }
0x42: {  	_ =	shalt  }
0x43: {  	_ =	shalt  }
0x44: {  	_ =	shalt  }
0x45: {  	_ =	shalt  }
0x46: {  	_ =	shalt  }
0x47: {  	_ =	shalt  }
0x48: {  	_ =	shalt  }
0x49: {  	_ =	shalt  }
0x4a: {  	_ =	shalt  }
0x4b: {  	_ =	shalt  }
0x4c: {  	_ =	shalt  }
0x4d: {  	_ =	shalt  }
0x4e: {  	_ =	shalt  }
0x4f: {  	_ =	shalt  }
0x50: {  	_ =	shalt  }
0x51: {  	_ =	shalt  }
0x52: {  	_ =	shalt  }
0x53: {  	_ =	shalt  }
0x54: {  	_ =	shalt  }
0x55: {  	_ =	shalt  }
0x56: {  	_ =	shalt  }
0x57: {  	_ =	shalt  }
0x58: {  	_ =	shalt  }
0x59: {  	_ =	shalt  }
0x5a: {  	_ =	shalt  }
0x5b: {  	_ =	shalt  }
0x5c: {  	_ =	shalt  }
0x5d: {  	_ =	shalt  }
0x5e: {  	_ =	shalt  }
0x5f: {  	_ =	shalt  }
0x60: {  	_ =	shalt  }
0x61: {  	_ =	shalt  }
0x62: {  	_ =	shalt  }
0x63: {  	_ =	shalt  }
0x64: {  	_ =	shalt  }
0x65: {  	_ =	shalt  }
0x66: {  	_ =	shalt  }
0x67: {  	_ =	shalt  }
0x68: {  	_ =	shalt  }
0x69: {  	_ =	shalt  }
0x6a: {  	_ =	shalt  }
0x6b: {  	_ =	shalt  }
0x6c: {  	_ =	shalt  }
0x6d: {  	_ =	shalt  }
0x6e: {  	_ =	shalt  }
0x6f: {  	_ =	shalt  }
0x70: {  	_ =	shalt  }
0x71: {  	_ =	shalt  }
0x72: {  	_ =	shalt  }
0x73: {  	_ =	shalt  }
0x74: {  	_ =	shalt  }
0x75: {  	_ =	shalt  }
0x76: {  	_ =	shalt  }
0x77: {  	_ =	shalt  }
0x78: {  	_ =	shalt  }
0x79: {  	_ =	shalt  }
0x7a: {  	_ =	shalt  }
0x7b: {  	_ =	shalt  }
0x7c: {  	_ =	shalt  }
0x7d: {  	_ =	shalt  }
0x7e: {  	_ =	shalt  }
0x7f: {  	_ =	shalt  }
0x80: {  	_ =	shalt  }
0x81: {  	_ =	shalt  }
0x82: {  	_ =	shalt  }
0x83: {  	_ =	shalt  }
0x84: {  	_ =	shalt  }
0x85: {  	_ =	shalt  }
0x86: {  	_ =	shalt  }
0x87: {  	_ =	shalt  }
.Lfunc_end0:
.L_simem_size_0:
called_computation.1_lowered:
.L_overlay_start_0:
0x88: {  	s2 =	sld [smem:$0x3FD9]  }
0x89: {  	s3 =	sld [smem:$0x3FFE];
	_ =	sdelay $0x1  }
0x8a: {  	s1 =	srdreg.scid  }
0x8b: {  	s0 =	sand.u32 $0x1, s1  }
0x8c: {  	s17 =	sshll.u32 s0, $0xA;
	s2 =	sadd.s32 s3, s2  }
0x8d: {  	s2 =	sadd.s32 s2, s17  }
0x8e: {  	[smem:$0x3FC0] =	sst s2  }
0x8f: {  	_ = 	snop  }
0x90: {  	s2 =	sld [smem:$0x3FD0];
	(tm) =	ssettm $0x1  }
0x91: {  	s18 =	sld [smem:$0x3FFB];
	_ =	sdelay $0x3  }
0x92: {  	_ =	strace s18  }
0x93: {  	s3 =	sld [smem:$0x3FFC];
	_ =	sdelay $0x3  }
0x94: {  	_ =	strace s3  }
0x95: {  	s3 =	sld [smem:$0x3FFD];
	_ =	sdelay $0x3  }
0x96: {  	_ =	strace s3  }
0x97: {  	_ =	strace $0x8FFFFFFF  }
0x98: {  	s19 =	sld [smem:$0x3FDB];
	_ =	sdelay $0x1  }
0x99: {  	s4 =	simm.s32 $_scs_section_size  }
0x9a: {  	s5 =	simm.s32 $_size__tile_overlayer_lowered;
	s6 =	simm.s32 $_tile_overlayer_lowered  }
0x9b: {  	s22 =	simm.s32 $0x1BFF;
	s21 =	sshll.u32 s6, $0x1;
	s3 =	sadd.s32 s4, s19  }
0x9c: {  	s7 =	simm.s32 $0x0;
	s20 =	sshll.u32 s5, $0x1;
	s5 =	sadd.s32 s21, s3  }
0x9d: {  	[timem:s7], [sflag:s22] =	dma.local [hbm:s5], s20  }
0x9e: {  	_ =	swait.ge [sflag:s22], s20  }
0x9f: {  	s4 =	ssub.s32 $0x0, s20;
	[sflag:s22] =	ssyncset.done $0x0  }
0xa0: {  	[sflag:s22] =	ssyncadd.s32 s4;
	_ =	sdelay $0x1  }
0xa1: {  	s23 =	simm.s32 $0x1B8B  }
0xa2: {  	_ =	swait.ge [sflag:s23], $0x1  }
0xa3: {  	[sflag:s23] =	ssyncset.done $0x0  }
0xa4: {  	s25 =	simm.s32 $0x1B8E;
	s24 =	sld [smem:$0x3FFE];
	[sflag:s23] =	ssyncadd.s32 $0xFFFFFFFF  }
0xa5: {  	s26 =	simm.s32 $execute0_lowered;
	[smem:$0x3FD2] =	sst s25  }
0xa6: {  	s5 =	sshll.u32 s26, $0x1;
	_ =	strace $0x80000049;
	[dreg:$0x1] =	wrdreg $0xFFFFFFFF  }
0xa7: {  	s28 =	simm.s32 $_size_execute0_lowered;
	s3 =	sadd.s32 s3, s5;
	[dreg:$0x0] =	wrdreg $0x0  }
0xa8: {  	s5 =	sshll.u32 s28, $0x1;
	[dreg:$0x2] =	wrdreg s3  }
0xa9: {  	[dreg:$0x3] =	wrdreg s5  }
0xaa: {  	[dreg:$0x4] =	wrdreg $0xC0  }
0xab: {  	_ =	task [dreg:s7], $0x5FFFF  }
0xac: {  	[dreg:$0x1] =	wrdreg $0xFFFFFFFF  }
0xad: {  	[dreg:$0x0] =	wrdreg $0x60  }
0xae: {  	[dreg:$0x2] =	wrdreg s24  }
0xaf: {  	[dreg:$0x3] =	wrdreg s2  }
0xb0: {  	[dreg:$0x4] =	wrdreg $0x154000  }
0xb1: {  	[dreg:$0x5] =	wrdreg $0x9  }
0xb2: {  	_ =	task.clear_ibuf [dreg:s7], $0x6FFFF;
	_ =	strace $0x90000049  }
0xb3: {  	s29 =	simm.s32 $0x9;
	_ =	strace $0x8000004B  }
0xb4: {  	_ =	swait.ge [sflag:s29], $0x1  }
0xb5: {  	[sflag:s29] =	ssyncadd.s32 $0xFFFFFFFF  }
0xb6: {  	_ =	strace $0x9000004B  }
0xb7: {  	_ =	sfence  }
0xb8: {  	s30 =	sld [smem:$0x0];
	_ =	sdelay $0x2  }
0xb9: {  	s31 =	sshll.u32 s1, $0xD;
	s1 =	sshrl.u32 s1, $0x2  }
0xba: {  	s3 =	sand.u32 $0x4000, s31;
	s1 =	sadd.s32 s1, s30  }
0xbb: {  	s0 =	sor.u32 s3, s0;
	s1 =	sshll.u32 s1, $0x11  }
0xbc: {  	s0 =	sor.u32 s1, s0  }
0xbd: {  	s0 =	sadd.s32 $0x8F2B, s0  }
0xbe: {  	[sflag:s0] =	ssyncadd.remote.s32 $0x1  }
0xbf: {  	_ =	sfence.sel $0xFFFF  }
0xc0: {  	[dreg:$0x0] =	wrdreg $0xFFFFFFFF;
	(pc) =	sbr.abs _section_cstart, $3  }
0xc1: {  	[dreg:$0x1] =	wrdreg $0xFFFFFFFF  }
0xc2: {  	_ =	task.clear_ibuf [dreg:s7], $0x2FFFF;
	_ =	strace $0x9FFFFFFF  }
0xc3: {  	(tm) =	ssettm $0x7FFFFFFF  }
tec
execute0_lowered:
.L_overlay_start_1:
0x0: {  	(tag) =	ssettag $0x1  }
0x1: {  	s0 =	rddreg [dreg:$0x0]  }
0x2: {  	s3 =	rddreg [dreg:$0x1]  }
0x3: {  	s2 =	rddreg [dreg:$0x2];
	s7 =	simm.s32 $0x0  }
0x4: {  	s1 =	srdreg.scid;
	s13 =	simm.s32 $0x180;
	[smem:$0x7FF] =	sst s7  }
0x5: {  	s14 =	simm.s32 $0x200;
	_ =	strace $0x8000004A;
	[dreg:$0xc] =	wrdreg s13  }
0x6: {  	s12 =	stileid.u32;
	s15 =	simm.s32 $0x280;
	[dreg:$0xd] =	wrdreg s14  }
0x7: {  	s16 =	simm.s32 $0x300;
	s17 =	simm.s32 $0x380;
	[dreg:$0xe] =	wrdreg s15  }
0x8: {  	s18 =	simm.s32 $0x400;
	s19 =	simm.s32 $0x480;
	[dreg:$0xf] =	wrdreg s16  }
0x9: {  	s20 =	simm.s32 $0x500;
	s21 =	simm.s32 $0x580;
	[dreg:$0x10] =	wrdreg s17  }
0xa: {  	s31 =	simm.s32 $0x2400;
	s30 =	simm.s32 $0x3400;
	[dreg:$0x11] =	wrdreg s18  }
0xb: {  	s29 =	simm.s32 $0x4400;
	s28 =	simm.s32 $0x5400;
	[dreg:$0x12] =	wrdreg s19  }
0xc: {  	p0 =	por $0x0, $0x0;
	s1 =	sand.u32 $0x1, s1;
	[dreg:$0x13] =	wrdreg s20  }
0xd: {  	s4 =	sshll.u32 s12, $0x1;
	[dreg:$0x14] =	wrdreg s21;
	s13 =	simm.s32 $0xA80  }
0xe: {  	s6 =	smul.u32 $0x4E40, s12;
	s14 =	simm.s32 $0xB00;
	[dreg:$0x1e] =	wrdreg s13  }
0xf: {  	s9 =	sadd.s32 $0x84000, s0;
	s15 =	simm.s32 $0xB80;
	[dreg:$0x1f] =	wrdreg s14  }
0x10: {  	s4 =	sor.u32 s1, s4;
	s16 =	simm.s32 $0xC00;
	[smem:$0x7EF] =	sst s15  }
0x11: {  	s8 =	smul.u32 $0x4E400, s1;
	s17 =	simm.s32 $0xC80;
	[smem:$0x7F0] =	sst s16  }
0x12: {  	s1 =	ssub.s32 $0x2, s1;
	s18 =	simm.s32 $0xD00;
	[smem:$0x7F1] =	sst s17  }
0x13: {  	s19 =	simm.s32 $0xD80;
	s20 =	simm.s32 $0xE00;
	[smem:$0x7F2] =	sst s18  }
0x14: {  	s21 =	simm.s32 $0xE80;
	s5 =	smul.u32 $0x280, s4;
	[smem:$0x7F3] =	sst s19  }
0x15: {  	s10 =	sshrl.u32 s6, $0x3;
	s11 =	smul.u32 $0x28000, s4;
	[smem:$0x7F4] =	sst s20  }
0x16: {  	s4 =	smul.u32 $0x5000, s4;
	[smem:$0x7F5] =	sst s21;
	s21 =	simm.s32 $0xA400  }
0x17: {  	s20 =	simm.s32 $0xC400;
	s13 =	simm.s32 $0x1100;
	s19 =	simm.s32 $0xD400  }
0x18: {  	s14 =	simm.s32 $0x1180;
	s18 =	simm.s32 $0xE400;
	[smem:$0x7FA] =	sst s13  }
0x19: {  	s15 =	simm.s32 $0x1200;
	s17 =	simm.s32 $0xF400;
	[smem:$0x7FB] =	sst s14  }
0x1a: {  	s16 =	simm.s32 $0x1280;
	s3 =	sadd.s32 s3, s10;
	[smem:$0x7FC] =	sst s15  }
0x1b: {  	s26 =	sadd.s32 s6, s8;
	[smem:$0x7FD] =	sst s16;
	s16 =	simm.s32 $0x10400  }
0x1c: {  	s15 =	simm.s32 $0x11400;
	s14 =	simm.s32 $0x12400;
	s13 =	simm.s32 $0x1300  }
0x1d: {  	s5 =	sadd.s32 s5, s0;
	[dreg:$0x4] =	wrdreg s3;
	s23 =	sshrl.u32 s11, $0x3  }
0x1e: {  	s24 =	sadd.s32 s9, s4;
	s11 =	simm.s32 $0x100;
	s22 =	sadd.s32 $0x7F000, s5  }
0x1f: {  	s25 =	sadd.s32 s9, s23;
	[dreg:$0x6] =	wrdreg s24;
	s5 =	sshrl.u32 s26, $0x3  }
0x20: {  	[dreg:$0xb] =	wrdreg s11;
	s23 =	sshrl.u32 s1, $0x1;
	s24 =	simm.s32 $0x680  }
0x21: {  	s26 =	sadd.s32 s6, s2;
	s6 =	sshll.u32 s12, $0x6;
	[dreg:$0x5] =	wrdreg s22  }
0x22: {  	s11 =	simm.s32 $0x980;
	s12 =	simm.s32 $0xA00;
	[dreg:$0x16] =	wrdreg s24  }
0x23: {  	s8 =	sadd.s32 $0x1400, s25;
	s9 =	sadd.s32 $0x2800, s25;
	[dreg:$0x1c] =	wrdreg s11  }
0x24: {  	s0 =	sadd.s32 s5, s0;
	s10 =	sadd.s32 $0x3C00, s25;
	[dreg:$0x1d] =	wrdreg s12  }
0x25: {  	s22 =	simm.s32 $0x600;
	s1 =	ssub.s32 s1, s23;
	[dreg:$0x7] =	wrdreg s8  }
0x26: {  	s25 =	simm.s32 $0x700;
	s5 =	simm.s32 $0x780;
	[dreg:$0x8] =	wrdreg s9  }
0x27: {  	s3 =	sor.u32 $0x1C02, s6;
	s4 =	sshrl.u32 s26, $0x3;
	[dreg:$0x9] =	wrdreg s10  }
0x28: {  	s26 =	simm.s32 $0x1400;
	s6 =	simm.s32 $0x80;
	[dreg:$0x15] =	wrdreg s22  }
0x29: {  	s24 =	simm.s32 $0x7400;
	s23 =	simm.s32 $0x8400;
	[dreg:$0x17] =	wrdreg s25  }
0x2a: {  	s11 =	simm.s32 $0x1000;
	s12 =	simm.s32 $0x1080;
	[dreg:$0x18] =	wrdreg s5  }
0x2b: {  	s0 =	sadd.s32 $0x2A000, s0;
	s8 =	simm.s32 $0x800;
	[smem:$0x7F8] =	sst s11  }
0x2c: {  	s9 =	simm.s32 $0x880;
	s1 =	smax.u32 s1, $0x1;
	[smem:$0x7F9] =	sst s12  }
0x2d: {  	s10 =	simm.s32 $0x900;
	s5 =	simm.s32 $0x2;
	[dreg:$0xa] =	wrdreg s0  }
0x2e: {  	s25 =	simm.s32 $0x6400;
	[dreg:$0x19] =	wrdreg s8;
	p1 =	sne.s32 s1, $0x1  }
.Ltmp0:
0x2f: {  	s22 =	simm.s32 $0xF00;
	[dreg:$0x1a] =	wrdreg s9;
	(pc) =	sbr.rel @!p1 .LBB2_3-.Ltmp0, $4  }
0x30: {  	s12 =	simm.s32 $0x13400;
	s11 =	simm.s32 $0x1380;
	[dreg:$0x1b] =	wrdreg s10  }
0x31: {  	s8 =	simm.s32 $0xB400;
	s9 =	simm.s32 $0x1;
	[smem:$0x7F6] =	sst s22  }
0x32: {  	s10 =	simm.s32 $0xF80;
	s22 =	simm.s32 $0x9400;
	s0 =	rddreg [dreg:$0x4]  }
0x33: {  	s1 =	sadd.s32 $0xFFFFFFFF, s1;
	[smem:$0x7F7] =	sst s10;
	s10 =	simm.s32 $0x14400  }
0x34: {  	[spmem:s4], [sflag:s3] =	dma.local [hbm:s0], $0x9C8  }
0x35: {  	_ =	swait.ge [sflag:s5], $0x9C8  }
0x36: {  	[sflag:s5] =	ssyncset.done $0x0  }
0x37: {  	[sflag:s5] =	ssyncadd.s32 $0xFFFFF638  }
0x38: {  	[bflag:$0x0] =	sbarrier.arrive $0xFFFF  }
0x39: {  	s0 =	rddreg [dreg:$0x5]  }
0x3a: {  	[tilespmem:s7], [sflag:$0x2] =	stream.linear.gather [hbm4b:s0+s7], $0x1400, $0x38;
	[tilespmem:$0x1A240] =	vst v63  }
0x3b: {  	_ =	swait.ge [sflag:s5], $0x1400  }
0x3c: {  	s0 =	rddreg [dreg:$0x6];
	[sflag:s5] =	ssyncset.done $0x0  }
0x3d: {  	[smem:$0x7EE] =	sst s1;
	[sflag:s5] =	ssyncadd.s32 $0xFFFFEC00  }
0x3e: {  	[tilespmem:s26], [sflag:$0x1] =	stream.linear.gather [hbm4b:s0+s7], $0xA000, $0x38;
	[tilespmem:$0x1A240] =	vst v63  }
0x3f: {  	s1 =	rddreg [dreg:$0x7]  }
0x40: {  	[tilespmem:s8], [sflag:$0x1] =	stream.linear.gather [hbm4b:s1+s7], $0xA000, $0x38;
	[tilespmem:$0x1A240] =	vst v63  }
0x41: {  	_ =	swait.ge [sflag:s9], $0xA000  }
0x42: {  	[sflag:s9] =	ssyncset.done $0x0  }
0x43: {  	[sflag:s9] =	ssyncadd.s32 $0xFFFF6000  }
0x44: {  	[spmem:s2] =	stream.indirect.scatter.add.f32 [tilespmem:s26], [sflag:$0x2], $0x20, s7, s6, $0xb8;
	[tilespmem:$0x1A240] =	vst v63  }
0x45: {  	_ =	swait.ge [sflag:s5], $0x1000  }
0x46: {  	[sflag:s5] =	ssyncset.done $0x0  }
0x47: {  	[sflag:s5] =	ssyncadd.s32 $0xFFFFF000  }
0x48: {  	[spmem:s2] =	stream.indirect.scatter.add.f32 [tilespmem:s31], [sflag:$0x2], $0x20, s6, s6, $0xb8;
	[tilespmem:$0x1A240] =	vst v63  }
0x49: {  	_ =	swait.ge [sflag:s5], $0x1000  }
0x4a: {  	[sflag:s5] =	ssyncset.done $0x0  }
0x4b: {  	s1 =	rddreg [dreg:$0xb];
	[sflag:s5] =	ssyncadd.s32 $0xFFFFF000  }
0x4c: {  	[spmem:s2] =	stream.indirect.scatter.add.f32 [tilespmem:s30], [sflag:$0x2], $0x20, s1, s6, $0xb8;
	[tilespmem:$0x1A240] =	vst v63  }
0x4d: {  	_ =	swait.ge [sflag:s5], $0x1000  }
0x4e: {  	[sflag:s5] =	ssyncset.done $0x0  }
0x4f: {  	s1 =	rddreg [dreg:$0xc];
	[sflag:s5] =	ssyncadd.s32 $0xFFFFF000  }
0x50: {  	[spmem:s2] =	stream.indirect.scatter.add.f32 [tilespmem:s29], [sflag:$0x2], $0x20, s1, s6, $0xb8;
	[tilespmem:$0x1A240] =	vst v63  }
0x51: {  	_ =	swait.ge [sflag:s5], $0x1000  }
0x52: {  	[sflag:s5] =	ssyncset.done $0x0  }
0x53: {  	s1 =	rddreg [dreg:$0xd];
	[sflag:s5] =	ssyncadd.s32 $0xFFFFF000  }
0x54: {  	[spmem:s2] =	stream.indirect.scatter.add.f32 [tilespmem:s28], [sflag:$0x2], $0x20, s1, s6, $0xb8;
	[tilespmem:$0x1A240] =	vst v63  }
0x55: {  	_ =	swait.ge [sflag:s5], $0x1000  }
0x56: {  	[sflag:s5] =	ssyncset.done $0x0  }
0x57: {  	s1 =	rddreg [dreg:$0xe];
	[sflag:s5] =	ssyncadd.s32 $0xFFFFF000  }
0x58: {  	[spmem:s2] =	stream.indirect.scatter.add.f32 [tilespmem:s25], [sflag:$0x2], $0x20, s1, s6, $0xb8;
	[tilespmem:$0x1A240] =	vst v63  }
0x59: {  	_ =	swait.ge [sflag:s5], $0x1000  }
0x5a: {  	[sflag:s5] =	ssyncset.done $0x0  }
0x5b: {  	s1 =	rddreg [dreg:$0xf];
	[sflag:s5] =	ssyncadd.s32 $0xFFFFF000  }
0x5c: {  	[spmem:s2] =	stream.indirect.scatter.add.f32 [tilespmem:s24], [sflag:$0x2], $0x20, s1, s6, $0xb8;
	[tilespmem:$0x1A240] =	vst v63  }
0x5d: {  	_ =	swait.ge [sflag:s5], $0x1000  }
0x5e: {  	[sflag:s5] =	ssyncset.done $0x0  }
0x5f: {  	s1 =	rddreg [dreg:$0x10];
	[sflag:s5] =	ssyncadd.s32 $0xFFFFF000  }
0x60: {  	[spmem:s2] =	stream.indirect.scatter.add.f32 [tilespmem:s23], [sflag:$0x2], $0x20, s1, s6, $0xb8;
	[tilespmem:$0x1A240] =	vst v63  }
0x61: {  	_ =	swait.ge [sflag:s5], $0x1000  }
0x62: {  	[sflag:s5] =	ssyncset.done $0x0  }
0x63: {  	s1 =	rddreg [dreg:$0x11];
	[sflag:s5] =	ssyncadd.s32 $0xFFFFF000  }
0x64: {  	[spmem:s2] =	stream.indirect.scatter.add.f32 [tilespmem:s22], [sflag:$0x2], $0x20, s1, s6, $0xb8;
	[tilespmem:$0x1A240] =	vst v63  }
0x65: {  	_ =	swait.ge [sflag:s5], $0x1000  }
0x66: {  	[sflag:s5] =	ssyncset.done $0x0  }
0x67: {  	s1 =	rddreg [dreg:$0x12];
	[sflag:s5] =	ssyncadd.s32 $0xFFFFF000  }
0x68: {  	[spmem:s2] =	stream.indirect.scatter.add.f32 [tilespmem:s21], [sflag:$0x2], $0x20, s1, s6, $0xb8;
	[tilespmem:$0x1A240] =	vst v63  }
0x69: {  	_ =	swait.ge [sflag:s5], $0x1000  }
0x6a: {  	[sflag:s5] =	ssyncset.done $0x0  }
0x6b: {  	s1 =	rddreg [dreg:$0x8];
	[sflag:s5] =	ssyncadd.s32 $0xFFFFF000  }
0x6c: {  	[tilespmem:s26], [sflag:$0x1] =	stream.linear.gather [hbm4b:s1+s7], $0xA000, $0x38;
	[tilespmem:$0x1A240] =	vst v63  }
0x6d: {  	_ =	swait.ge [sflag:s9], $0xA000  }
0x6e: {  	[sflag:s9] =	ssyncset.done $0x0  }
0x6f: {  	s1 =	rddreg [dreg:$0x13];
	[sflag:s9] =	ssyncadd.s32 $0xFFFF6000  }
0x70: {  	[spmem:s2] =	stream.indirect.scatter.add.f32 [tilespmem:s8], [sflag:$0x2], $0x20, s1, s6, $0xb8;
	[tilespmem:$0x1A240] =	vst v63  }
0x71: {  	_ =	swait.ge [sflag:s5], $0x1000  }
0x72: {  	[sflag:s5] =	ssyncset.done $0x0  }
0x73: {  	s1 =	rddreg [dreg:$0x14];
	[sflag:s5] =	ssyncadd.s32 $0xFFFFF000  }
0x74: {  	[spmem:s2] =	stream.indirect.scatter.add.f32 [tilespmem:s20], [sflag:$0x2], $0x20, s1, s6, $0xb8;
	[tilespmem:$0x1A240] =	vst v63  }
0x75: {  	_ =	swait.ge [sflag:s5], $0x1000  }
0x76: {  	[sflag:s5] =	ssyncset.done $0x0  }
0x77: {  	s1 =	rddreg [dreg:$0x15];
	[sflag:s5] =	ssyncadd.s32 $0xFFFFF000  }
0x78: {  	[spmem:s2] =	stream.indirect.scatter.add.f32 [tilespmem:s19], [sflag:$0x2], $0x20, s1, s6, $0xb8;
	[tilespmem:$0x1A240] =	vst v63  }
0x79: {  	_ =	swait.ge [sflag:s5], $0x1000  }
0x7a: {  	[sflag:s5] =	ssyncset.done $0x0  }
0x7b: {  	s1 =	rddreg [dreg:$0x16];
	[sflag:s5] =	ssyncadd.s32 $0xFFFFF000  }
0x7c: {  	[spmem:s2] =	stream.indirect.scatter.add.f32 [tilespmem:s18], [sflag:$0x2], $0x20, s1, s6, $0xb8;
	[tilespmem:$0x1A240] =	vst v63  }
0x7d: {  	_ =	swait.ge [sflag:s5], $0x1000  }
0x7e: {  	[sflag:s5] =	ssyncset.done $0x0  }
0x7f: {  	s1 =	rddreg [dreg:$0x17];
	[sflag:s5] =	ssyncadd.s32 $0xFFFFF000  }
0x80: {  	[spmem:s2] =	stream.indirect.scatter.add.f32 [tilespmem:s17], [sflag:$0x2], $0x20, s1, s6, $0xb8;
	[tilespmem:$0x1A240] =	vst v63  }
0x81: {  	_ =	swait.ge [sflag:s5], $0x1000  }
0x82: {  	[sflag:s5] =	ssyncset.done $0x0  }
0x83: {  	s1 =	rddreg [dreg:$0x18];
	[sflag:s5] =	ssyncadd.s32 $0xFFFFF000  }
0x84: {  	[spmem:s2] =	stream.indirect.scatter.add.f32 [tilespmem:s16], [sflag:$0x2], $0x20, s1, s6, $0xb8;
	[tilespmem:$0x1A240] =	vst v63  }
0x85: {  	_ =	swait.ge [sflag:s5], $0x1000  }
0x86: {  	[sflag:s5] =	ssyncset.done $0x0  }
0x87: {  	s1 =	rddreg [dreg:$0x19];
	[sflag:s5] =	ssyncadd.s32 $0xFFFFF000  }
0x88: {  	[spmem:s2] =	stream.indirect.scatter.add.f32 [tilespmem:s15], [sflag:$0x2], $0x20, s1, s6, $0xb8;
	[tilespmem:$0x1A240] =	vst v63  }
0x89: {  	_ =	swait.ge [sflag:s5], $0x1000  }
0x8a: {  	[sflag:s5] =	ssyncset.done $0x0  }
0x8b: {  	s1 =	rddreg [dreg:$0x1a];
	[sflag:s5] =	ssyncadd.s32 $0xFFFFF000  }
0x8c: {  	[spmem:s2] =	stream.indirect.scatter.add.f32 [tilespmem:s14], [sflag:$0x2], $0x20, s1, s6, $0xb8;
	[tilespmem:$0x1A240] =	vst v63  }
0x8d: {  	_ =	swait.ge [sflag:s5], $0x1000  }
0x8e: {  	[sflag:s5] =	ssyncset.done $0x0  }
0x8f: {  	s1 =	rddreg [dreg:$0x1b];
	[sflag:s5] =	ssyncadd.s32 $0xFFFFF000  }
0x90: {  	[spmem:s2] =	stream.indirect.scatter.add.f32 [tilespmem:s12], [sflag:$0x2], $0x20, s1, s6, $0xb8;
	[tilespmem:$0x1A240] =	vst v63  }
0x91: {  	_ =	swait.ge [sflag:s5], $0x1000  }
0x92: {  	[sflag:s5] =	ssyncset.done $0x0  }
0x93: {  	s1 =	rddreg [dreg:$0x1c];
	[sflag:s5] =	ssyncadd.s32 $0xFFFFF000  }
0x94: {  	[spmem:s2] =	stream.indirect.scatter.add.f32 [tilespmem:s10], [sflag:$0x2], $0x20, s1, s6, $0xb8;
	[tilespmem:$0x1A240] =	vst v63  }
0x95: {  	_ =	swait.ge [sflag:s5], $0x1000  }
0x96: {  	[sflag:s5] =	ssyncset.done $0x0  }
0x97: {  	s1 =	rddreg [dreg:$0x9];
	[sflag:s5] =	ssyncadd.s32 $0xFFFFF000  }
0x98: {  	[tilespmem:s8], [sflag:$0x1] =	stream.linear.gather [hbm4b:s1+s7], $0xA000, $0x38;
	[tilespmem:$0x1A240] =	vst v63  }
0x99: {  	_ =	swait.ge [sflag:s9], $0xA000  }
0x9a: {  	[sflag:s9] =	ssyncset.done $0x0  }
0x9b: {  	s1 =	rddreg [dreg:$0x1d];
	[sflag:s9] =	ssyncadd.s32 $0xFFFF6000  }
0x9c: {  	[spmem:s2] =	stream.indirect.scatter.add.f32 [tilespmem:s26], [sflag:$0x2], $0x20, s1, s6, $0xb8;
	[tilespmem:$0x1A240] =	vst v63  }
0x9d: {  	_ =	swait.ge [sflag:s5], $0x1000  }
0x9e: {  	[sflag:s5] =	ssyncset.done $0x0  }
0x9f: {  	s1 =	rddreg [dreg:$0x1e];
	[sflag:s5] =	ssyncadd.s32 $0xFFFFF000  }
0xa0: {  	[spmem:s2] =	stream.indirect.scatter.add.f32 [tilespmem:s31], [sflag:$0x2], $0x20, s1, s6, $0xb8;
	[tilespmem:$0x1A240] =	vst v63  }
0xa1: {  	_ =	swait.ge [sflag:s5], $0x1000  }
0xa2: {  	[sflag:s5] =	ssyncset.done $0x0  }
0xa3: {  	s1 =	rddreg [dreg:$0x1f];
	[sflag:s5] =	ssyncadd.s32 $0xFFFFF000  }
0xa4: {  	[spmem:s2] =	stream.indirect.scatter.add.f32 [tilespmem:s30], [sflag:$0x2], $0x20, s1, s6, $0xb8;
	[tilespmem:$0x1A240] =	vst v63  }
0xa5: {  	_ =	swait.ge [sflag:s5], $0x1000  }
0xa6: {  	s1 =	sld [smem:$0x7EF]  }
0xa7: {  	[sflag:s5] =	ssyncset.done $0x0  }
0xa8: {  	[sflag:s5] =	ssyncadd.s32 $0xFFFFF000  }
0xa9: {  	[spmem:s2] =	stream.indirect.scatter.add.f32 [tilespmem:s29], [sflag:$0x2], $0x20, s1, s6, $0xb8;
	[tilespmem:$0x1A240] =	vst v63  }
0xaa: {  	_ =	swait.ge [sflag:s5], $0x1000  }
0xab: {  	s1 =	sld [smem:$0x7F0]  }
0xac: {  	[sflag:s5] =	ssyncset.done $0x0  }
0xad: {  	[sflag:s5] =	ssyncadd.s32 $0xFFFFF000  }
0xae: {  	[spmem:s2] =	stream.indirect.scatter.add.f32 [tilespmem:s28], [sflag:$0x2], $0x20, s1, s6, $0xb8;
	[tilespmem:$0x1A240] =	vst v63  }
0xaf: {  	_ =	swait.ge [sflag:s5], $0x1000  }
0xb0: {  	s1 =	sld [smem:$0x7F1]  }
0xb1: {  	[sflag:s5] =	ssyncset.done $0x0  }
0xb2: {  	[sflag:s5] =	ssyncadd.s32 $0xFFFFF000  }
0xb3: {  	[spmem:s2] =	stream.indirect.scatter.add.f32 [tilespmem:s25], [sflag:$0x2], $0x20, s1, s6, $0xb8;
	[tilespmem:$0x1A240] =	vst v63  }
0xb4: {  	_ =	swait.ge [sflag:s5], $0x1000  }
0xb5: {  	s1 =	sld [smem:$0x7F2]  }
0xb6: {  	[sflag:s5] =	ssyncset.done $0x0  }
0xb7: {  	[sflag:s5] =	ssyncadd.s32 $0xFFFFF000  }
0xb8: {  	[spmem:s2] =	stream.indirect.scatter.add.f32 [tilespmem:s24], [sflag:$0x2], $0x20, s1, s6, $0xb8;
	[tilespmem:$0x1A240] =	vst v63  }
0xb9: {  	_ =	swait.ge [sflag:s5], $0x1000  }
0xba: {  	s1 =	sld [smem:$0x7F3]  }
0xbb: {  	[sflag:s5] =	ssyncset.done $0x0  }
0xbc: {  	[sflag:s5] =	ssyncadd.s32 $0xFFFFF000  }
0xbd: {  	[spmem:s2] =	stream.indirect.scatter.add.f32 [tilespmem:s23], [sflag:$0x2], $0x20, s1, s6, $0xb8;
	[tilespmem:$0x1A240] =	vst v63  }
0xbe: {  	_ =	swait.ge [sflag:s5], $0x1000  }
0xbf: {  	s1 =	sld [smem:$0x7F4]  }
0xc0: {  	[sflag:s5] =	ssyncset.done $0x0  }
0xc1: {  	[sflag:s5] =	ssyncadd.s32 $0xFFFFF000  }
0xc2: {  	[spmem:s2] =	stream.indirect.scatter.add.f32 [tilespmem:s22], [sflag:$0x2], $0x20, s1, s6, $0xb8;
	[tilespmem:$0x1A240] =	vst v63  }
0xc3: {  	_ =	swait.ge [sflag:s5], $0x1000  }
0xc4: {  	s1 =	sld [smem:$0x7F5]  }
0xc5: {  	[sflag:s5] =	ssyncset.done $0x0  }
0xc6: {  	[sflag:s5] =	ssyncadd.s32 $0xFFFFF000  }
0xc7: {  	[spmem:s2] =	stream.indirect.scatter.add.f32 [tilespmem:s21], [sflag:$0x2], $0x20, s1, s6, $0xb8;
	[tilespmem:$0x1A240] =	vst v63  }
0xc8: {  	_ =	swait.ge [sflag:s5], $0x1000  }
0xc9: {  	[sflag:s5] =	ssyncset.done $0x0  }
0xca: {  	[sflag:s5] =	ssyncadd.s32 $0xFFFFF000  }
0xcb: {  	_ =	swait.ge [sflag:s9], $0xA000  }
0xcc: {  	s1 =	sld [smem:$0x7F6]  }
0xcd: {  	[sflag:s9] =	ssyncset.done $0x0  }
0xce: {  	[sflag:s9] =	ssyncadd.s32 $0xFFFF6000  }
0xcf: {  	[spmem:s2] =	stream.indirect.scatter.add.f32 [tilespmem:s8], [sflag:$0x2], $0x20, s1, s6, $0xb8;
	[tilespmem:$0x1A240] =	vst v63  }
0xd0: {  	_ =	swait.ge [sflag:s5], $0x1000  }
0xd1: {  	s1 =	sld [smem:$0x7F7]  }
0xd2: {  	[sflag:s5] =	ssyncset.done $0x0  }
0xd3: {  	[sflag:s5] =	ssyncadd.s32 $0xFFFFF000  }
0xd4: {  	[spmem:s2] =	stream.indirect.scatter.add.f32 [tilespmem:s20], [sflag:$0x2], $0x20, s1, s6, $0xb8;
	[tilespmem:$0x1A240] =	vst v63  }
0xd5: {  	_ =	swait.ge [sflag:s5], $0x1000  }
0xd6: {  	s1 =	sld [smem:$0x7F8]  }
0xd7: {  	[sflag:s5] =	ssyncset.done $0x0  }
0xd8: {  	[sflag:s5] =	ssyncadd.s32 $0xFFFFF000  }
0xd9: {  	[spmem:s2] =	stream.indirect.scatter.add.f32 [tilespmem:s19], [sflag:$0x2], $0x20, s1, s6, $0xb8;
	[tilespmem:$0x1A240] =	vst v63  }
0xda: {  	_ =	swait.ge [sflag:s5], $0x1000  }
0xdb: {  	s1 =	sld [smem:$0x7F9]  }
0xdc: {  	[sflag:s5] =	ssyncset.done $0x0  }
0xdd: {  	[sflag:s5] =	ssyncadd.s32 $0xFFFFF000  }
0xde: {  	[spmem:s2] =	stream.indirect.scatter.add.f32 [tilespmem:s18], [sflag:$0x2], $0x20, s1, s6, $0xb8;
	[tilespmem:$0x1A240] =	vst v63  }
0xdf: {  	_ =	swait.ge [sflag:s5], $0x1000  }
0xe0: {  	s1 =	sld [smem:$0x7FA]  }
0xe1: {  	[sflag:s5] =	ssyncset.done $0x0  }
0xe2: {  	[sflag:s5] =	ssyncadd.s32 $0xFFFFF000  }
0xe3: {  	[spmem:s2] =	stream.indirect.scatter.add.f32 [tilespmem:s17], [sflag:$0x2], $0x20, s1, s6, $0xb8;
	[tilespmem:$0x1A240] =	vst v63  }
0xe4: {  	_ =	swait.ge [sflag:s5], $0x1000  }
0xe5: {  	s1 =	sld [smem:$0x7FB]  }
0xe6: {  	[sflag:s5] =	ssyncset.done $0x0  }
0xe7: {  	[sflag:s5] =	ssyncadd.s32 $0xFFFFF000  }
0xe8: {  	[spmem:s2] =	stream.indirect.scatter.add.f32 [tilespmem:s16], [sflag:$0x2], $0x20, s1, s6, $0xb8;
	[tilespmem:$0x1A240] =	vst v63  }
0xe9: {  	_ =	swait.ge [sflag:s5], $0x1000  }
0xea: {  	s1 =	sld [smem:$0x7FC]  }
0xeb: {  	[sflag:s5] =	ssyncset.done $0x0  }
0xec: {  	[sflag:s5] =	ssyncadd.s32 $0xFFFFF000  }
0xed: {  	[spmem:s2] =	stream.indirect.scatter.add.f32 [tilespmem:s15], [sflag:$0x2], $0x20, s1, s6, $0xb8;
	[tilespmem:$0x1A240] =	vst v63  }
0xee: {  	_ =	swait.ge [sflag:s5], $0x1000  }
0xef: {  	s1 =	sld [smem:$0x7FD]  }
0xf0: {  	[sflag:s5] =	ssyncset.done $0x0  }
0xf1: {  	[sflag:s5] =	ssyncadd.s32 $0xFFFFF000  }
0xf2: {  	[spmem:s2] =	stream.indirect.scatter.add.f32 [tilespmem:s14], [sflag:$0x2], $0x20, s1, s6, $0xb8;
	[tilespmem:$0x1A240] =	vst v63  }
0xf3: {  	_ =	swait.ge [sflag:s5], $0x1000  }
0xf4: {  	[sflag:s5] =	ssyncset.done $0x0  }
0xf5: {  	[sflag:s5] =	ssyncadd.s32 $0xFFFFF000  }
0xf6: {  	[spmem:s2] =	stream.indirect.scatter.add.f32 [tilespmem:s12], [sflag:$0x2], $0x20, s13, s6, $0xb8;
	[tilespmem:$0x1A240] =	vst v63  }
0xf7: {  	_ =	swait.ge [sflag:s5], $0x1000  }
0xf8: {  	[sflag:s5] =	ssyncset.done $0x0  }
0xf9: {  	[sflag:s5] =	ssyncadd.s32 $0xFFFFF000  }
0xfa: {  	[spmem:s2] =	stream.indirect.scatter.add.f32 [tilespmem:s10], [sflag:$0x2], $0x20, s11, s6, $0xb8;
	[tilespmem:$0x1A240] =	vst v63  }
0xfb: {  	_ =	swait.ge [sflag:s5], $0x1000  }
0xfc: {  	[sflag:s5] =	ssyncset.done $0x0  }
0xfd: {  	[sflag:s5] =	ssyncadd.s32 $0xFFFFF000  }
0xfe: {  	[bflag:$0x0] =	sbarrier.arrive $0xFFFF  }
0xff: {  	s1 =	rddreg [dreg:$0xa]  }
0x100: {  	[hbm:s1], [sflag:s3] =	dma.local [spmem:s4], $0x9C8  }
0x101: {  	s0 =	sld [smem:$0x7EE];
	_ =	sdelay $0x2  }
0x102: {  	p1 =	sne.s32 s0, $0x1  }
.Ltmp1:
0x103: {  	_ = 	snop;
	(pc) =	sbr.rel @!p1 .LBB2_3-.Ltmp1, $3  }
0x104: {  	_ =	sdelay $0x1  }
0x105: {  	p0 =	por $0x1, $0x1;
	_ =	swait.ge [sflag:s5], $0x9C8  }
0x106: {  	[sflag:s5] =	ssyncset.done $0x0;
	s1 =	sadd.s32 $0xFFFFFFFF, s0;
	s0 =	rddreg [dreg:$0x4]  }
.LBB2_2:
0x107: {  	[sflag:s5] =	ssyncadd.s32 $0xFFFFF638  }
0x108: {  	[spmem:s4], [sflag:s3] =	dma.local [hbm:s0], $0x9C8  }
0x109: {  	_ =	swait.ge [sflag:s5], $0x9C8  }
0x10a: {  	[sflag:s5] =	ssyncset.done $0x0  }
0x10b: {  	[sflag:s5] =	ssyncadd.s32 $0xFFFFF638  }
0x10c: {  	[bflag:$0x0] =	sbarrier.arrive $0xFFFF  }
0x10d: {  	s11 =	rddreg [dreg:$0x5]  }
0x10e: {  	[tilespmem:s7], [sflag:$0x2] =	stream.linear.gather [hbm4b:s11+s7], $0x1400, $0x38;
	[tilespmem:$0x1A240] =	vst v63  }
0x10f: {  	_ =	swait.ge [sflag:s5], $0x1400  }
0x110: {  	[sflag:s5] =	ssyncset.done $0x0  }
0x111: {  	s0 =	rddreg [dreg:$0x6];
	[sflag:s5] =	ssyncadd.s32 $0xFFFFEC00  }
0x112: {  	[tilespmem:s26], [sflag:$0x1] =	stream.linear.gather [hbm4b:s0+s7], $0xA000, $0x38;
	[tilespmem:$0x1A240] =	vst v63  }
0x113: {  	s11 =	rddreg [dreg:$0x7]  }
0x114: {  	[tilespmem:s8], [sflag:$0x1] =	stream.linear.gather [hbm4b:s11+s7], $0xA000, $0x38;
	[tilespmem:$0x1A240] =	vst v63  }
0x115: {  	_ =	swait.ge [sflag:s9], $0xA000  }
0x116: {  	[sflag:s9] =	ssyncset.done $0x0  }
0x117: {  	[sflag:s9] =	ssyncadd.s32 $0xFFFF6000  }
0x118: {  	[spmem:s2] =	stream.indirect.scatter.add.f32 [tilespmem:s26], [sflag:$0x2], $0x20, s7, s6, $0xb8;
	[tilespmem:$0x1A240] =	vst v63  }
0x119: {  	_ =	swait.ge [sflag:s5], $0x1000  }
0x11a: {  	[sflag:s5] =	ssyncset.done $0x0  }
0x11b: {  	[sflag:s5] =	ssyncadd.s32 $0xFFFFF000  }
0x11c: {  	[spmem:s2] =	stream.indirect.scatter.add.f32 [tilespmem:s31], [sflag:$0x2], $0x20, s6, s6, $0xb8;
	[tilespmem:$0x1A240] =	vst v63  }
0x11d: {  	_ =	swait.ge [sflag:s5], $0x1000  }
0x11e: {  	[sflag:s5] =	ssyncset.done $0x0  }
0x11f: {  	s0 =	rddreg [dreg:$0xb];
	[sflag:s5] =	ssyncadd.s32 $0xFFFFF000  }
0x120: {  	[spmem:s2] =	stream.indirect.scatter.add.f32 [tilespmem:s30], [sflag:$0x2], $0x20, s0, s6, $0xb8;
	[tilespmem:$0x1A240] =	vst v63  }
0x121: {  	_ =	swait.ge [sflag:s5], $0x1000  }
0x122: {  	[sflag:s5] =	ssyncset.done $0x0  }
0x123: {  	s0 =	rddreg [dreg:$0xc];
	[sflag:s5] =	ssyncadd.s32 $0xFFFFF000  }
0x124: {  	[spmem:s2] =	stream.indirect.scatter.add.f32 [tilespmem:s29], [sflag:$0x2], $0x20, s0, s6, $0xb8;
	[tilespmem:$0x1A240] =	vst v63  }
0x125: {  	_ =	swait.ge [sflag:s5], $0x1000  }
0x126: {  	[sflag:s5] =	ssyncset.done $0x0  }
0x127: {  	s0 =	rddreg [dreg:$0xd];
	[sflag:s5] =	ssyncadd.s32 $0xFFFFF000  }
0x128: {  	[spmem:s2] =	stream.indirect.scatter.add.f32 [tilespmem:s28], [sflag:$0x2], $0x20, s0, s6, $0xb8;
	[tilespmem:$0x1A240] =	vst v63  }
0x129: {  	_ =	swait.ge [sflag:s5], $0x1000  }
0x12a: {  	[sflag:s5] =	ssyncset.done $0x0  }
0x12b: {  	s0 =	rddreg [dreg:$0xe];
	[sflag:s5] =	ssyncadd.s32 $0xFFFFF000  }
0x12c: {  	[spmem:s2] =	stream.indirect.scatter.add.f32 [tilespmem:s25], [sflag:$0x2], $0x20, s0, s6, $0xb8;
	[tilespmem:$0x1A240] =	vst v63  }
0x12d: {  	_ =	swait.ge [sflag:s5], $0x1000  }
0x12e: {  	[sflag:s5] =	ssyncset.done $0x0  }
0x12f: {  	s0 =	rddreg [dreg:$0xf];
	[sflag:s5] =	ssyncadd.s32 $0xFFFFF000  }
0x130: {  	[spmem:s2] =	stream.indirect.scatter.add.f32 [tilespmem:s24], [sflag:$0x2], $0x20, s0, s6, $0xb8;
	[tilespmem:$0x1A240] =	vst v63  }
0x131: {  	_ =	swait.ge [sflag:s5], $0x1000  }
0x132: {  	[sflag:s5] =	ssyncset.done $0x0  }
0x133: {  	s0 =	rddreg [dreg:$0x10];
	[sflag:s5] =	ssyncadd.s32 $0xFFFFF000  }
0x134: {  	[spmem:s2] =	stream.indirect.scatter.add.f32 [tilespmem:s23], [sflag:$0x2], $0x20, s0, s6, $0xb8;
	[tilespmem:$0x1A240] =	vst v63  }
0x135: {  	_ =	swait.ge [sflag:s5], $0x1000  }
0x136: {  	[sflag:s5] =	ssyncset.done $0x0  }
0x137: {  	s0 =	rddreg [dreg:$0x11];
	[sflag:s5] =	ssyncadd.s32 $0xFFFFF000  }
0x138: {  	[spmem:s2] =	stream.indirect.scatter.add.f32 [tilespmem:s22], [sflag:$0x2], $0x20, s0, s6, $0xb8;
	[tilespmem:$0x1A240] =	vst v63  }
0x139: {  	_ =	swait.ge [sflag:s5], $0x1000  }
0x13a: {  	[sflag:s5] =	ssyncset.done $0x0  }
0x13b: {  	s0 =	rddreg [dreg:$0x12];
	[sflag:s5] =	ssyncadd.s32 $0xFFFFF000  }
0x13c: {  	[spmem:s2] =	stream.indirect.scatter.add.f32 [tilespmem:s21], [sflag:$0x2], $0x20, s0, s6, $0xb8;
	[tilespmem:$0x1A240] =	vst v63  }
0x13d: {  	_ =	swait.ge [sflag:s5], $0x1000  }
0x13e: {  	[sflag:s5] =	ssyncset.done $0x0  }
0x13f: {  	s0 =	rddreg [dreg:$0x8];
	[sflag:s5] =	ssyncadd.s32 $0xFFFFF000  }
0x140: {  	[tilespmem:s26], [sflag:$0x1] =	stream.linear.gather [hbm4b:s0+s7], $0xA000, $0x38;
	[tilespmem:$0x1A240] =	vst v63  }
0x141: {  	_ =	swait.ge [sflag:s9], $0xA000  }
0x142: {  	[sflag:s9] =	ssyncset.done $0x0  }
0x143: {  	s0 =	rddreg [dreg:$0x13];
	[sflag:s9] =	ssyncadd.s32 $0xFFFF6000  }
0x144: {  	[spmem:s2] =	stream.indirect.scatter.add.f32 [tilespmem:s8], [sflag:$0x2], $0x20, s0, s6, $0xb8;
	[tilespmem:$0x1A240] =	vst v63  }
0x145: {  	_ =	swait.ge [sflag:s5], $0x1000  }
0x146: {  	[sflag:s5] =	ssyncset.done $0x0  }
0x147: {  	s0 =	rddreg [dreg:$0x14];
	[sflag:s5] =	ssyncadd.s32 $0xFFFFF000  }
0x148: {  	[spmem:s2] =	stream.indirect.scatter.add.f32 [tilespmem:s20], [sflag:$0x2], $0x20, s0, s6, $0xb8;
	[tilespmem:$0x1A240] =	vst v63  }
0x149: {  	_ =	swait.ge [sflag:s5], $0x1000  }
0x14a: {  	[sflag:s5] =	ssyncset.done $0x0  }
0x14b: {  	s0 =	rddreg [dreg:$0x15];
	[sflag:s5] =	ssyncadd.s32 $0xFFFFF000  }
0x14c: {  	[spmem:s2] =	stream.indirect.scatter.add.f32 [tilespmem:s19], [sflag:$0x2], $0x20, s0, s6, $0xb8;
	[tilespmem:$0x1A240] =	vst v63  }
0x14d: {  	_ =	swait.ge [sflag:s5], $0x1000  }
0x14e: {  	[sflag:s5] =	ssyncset.done $0x0  }
0x14f: {  	s0 =	rddreg [dreg:$0x16];
	[sflag:s5] =	ssyncadd.s32 $0xFFFFF000  }
0x150: {  	[spmem:s2] =	stream.indirect.scatter.add.f32 [tilespmem:s18], [sflag:$0x2], $0x20, s0, s6, $0xb8;
	[tilespmem:$0x1A240] =	vst v63  }
0x151: {  	_ =	swait.ge [sflag:s5], $0x1000  }
0x152: {  	[sflag:s5] =	ssyncset.done $0x0  }
0x153: {  	s0 =	rddreg [dreg:$0x17];
	[sflag:s5] =	ssyncadd.s32 $0xFFFFF000  }
0x154: {  	[spmem:s2] =	stream.indirect.scatter.add.f32 [tilespmem:s17], [sflag:$0x2], $0x20, s0, s6, $0xb8;
	[tilespmem:$0x1A240] =	vst v63  }
0x155: {  	_ =	swait.ge [sflag:s5], $0x1000  }
0x156: {  	[sflag:s5] =	ssyncset.done $0x0  }
0x157: {  	s0 =	rddreg [dreg:$0x18];
	[sflag:s5] =	ssyncadd.s32 $0xFFFFF000  }
0x158: {  	[spmem:s2] =	stream.indirect.scatter.add.f32 [tilespmem:s16], [sflag:$0x2], $0x20, s0, s6, $0xb8;
	[tilespmem:$0x1A240] =	vst v63  }
0x159: {  	_ =	swait.ge [sflag:s5], $0x1000  }
0x15a: {  	[sflag:s5] =	ssyncset.done $0x0  }
0x15b: {  	s0 =	rddreg [dreg:$0x19];
	[sflag:s5] =	ssyncadd.s32 $0xFFFFF000  }
0x15c: {  	[spmem:s2] =	stream.indirect.scatter.add.f32 [tilespmem:s15], [sflag:$0x2], $0x20, s0, s6, $0xb8;
	[tilespmem:$0x1A240] =	vst v63  }
0x15d: {  	_ =	swait.ge [sflag:s5], $0x1000  }
0x15e: {  	[sflag:s5] =	ssyncset.done $0x0  }
0x15f: {  	s0 =	rddreg [dreg:$0x1a];
	[sflag:s5] =	ssyncadd.s32 $0xFFFFF000  }
0x160: {  	[spmem:s2] =	stream.indirect.scatter.add.f32 [tilespmem:s14], [sflag:$0x2], $0x20, s0, s6, $0xb8;
	[tilespmem:$0x1A240] =	vst v63  }
0x161: {  	_ =	swait.ge [sflag:s5], $0x1000  }
0x162: {  	[sflag:s5] =	ssyncset.done $0x0  }
0x163: {  	s0 =	rddreg [dreg:$0x1b];
	[sflag:s5] =	ssyncadd.s32 $0xFFFFF000  }
0x164: {  	[spmem:s2] =	stream.indirect.scatter.add.f32 [tilespmem:s12], [sflag:$0x2], $0x20, s0, s6, $0xb8;
	[tilespmem:$0x1A240] =	vst v63  }
0x165: {  	_ =	swait.ge [sflag:s5], $0x1000  }
0x166: {  	[sflag:s5] =	ssyncset.done $0x0  }
0x167: {  	s0 =	rddreg [dreg:$0x1c];
	[sflag:s5] =	ssyncadd.s32 $0xFFFFF000  }
0x168: {  	[spmem:s2] =	stream.indirect.scatter.add.f32 [tilespmem:s10], [sflag:$0x2], $0x20, s0, s6, $0xb8;
	[tilespmem:$0x1A240] =	vst v63  }
0x169: {  	_ =	swait.ge [sflag:s5], $0x1000  }
0x16a: {  	[sflag:s5] =	ssyncset.done $0x0  }
0x16b: {  	s0 =	rddreg [dreg:$0x9];
	[sflag:s5] =	ssyncadd.s32 $0xFFFFF000  }
0x16c: {  	[tilespmem:s8], [sflag:$0x1] =	stream.linear.gather [hbm4b:s0+s7], $0xA000, $0x38;
	[tilespmem:$0x1A240] =	vst v63  }
0x16d: {  	_ =	swait.ge [sflag:s9], $0xA000  }
0x16e: {  	[sflag:s9] =	ssyncset.done $0x0  }
0x16f: {  	s0 =	rddreg [dreg:$0x1d];
	[sflag:s9] =	ssyncadd.s32 $0xFFFF6000  }
0x170: {  	[spmem:s2] =	stream.indirect.scatter.add.f32 [tilespmem:s26], [sflag:$0x2], $0x20, s0, s6, $0xb8;
	[tilespmem:$0x1A240] =	vst v63  }
0x171: {  	_ =	swait.ge [sflag:s5], $0x1000  }
0x172: {  	[sflag:s5] =	ssyncset.done $0x0  }
0x173: {  	s0 =	rddreg [dreg:$0x1e];
	[sflag:s5] =	ssyncadd.s32 $0xFFFFF000  }
0x174: {  	[spmem:s2] =	stream.indirect.scatter.add.f32 [tilespmem:s31], [sflag:$0x2], $0x20, s0, s6, $0xb8;
	[tilespmem:$0x1A240] =	vst v63  }
0x175: {  	_ =	swait.ge [sflag:s5], $0x1000  }
0x176: {  	[sflag:s5] =	ssyncset.done $0x0  }
0x177: {  	s0 =	rddreg [dreg:$0x1f];
	[sflag:s5] =	ssyncadd.s32 $0xFFFFF000  }
0x178: {  	[spmem:s2] =	stream.indirect.scatter.add.f32 [tilespmem:s30], [sflag:$0x2], $0x20, s0, s6, $0xb8;
	[tilespmem:$0x1A240] =	vst v63  }
0x179: {  	_ =	swait.ge [sflag:s5], $0x1000  }
0x17a: {  	s0 =	sld [smem:$0x7EF]  }
0x17b: {  	[sflag:s5] =	ssyncset.done $0x0  }
0x17c: {  	[sflag:s5] =	ssyncadd.s32 $0xFFFFF000  }
0x17d: {  	[spmem:s2] =	stream.indirect.scatter.add.f32 [tilespmem:s29], [sflag:$0x2], $0x20, s0, s6, $0xb8;
	[tilespmem:$0x1A240] =	vst v63  }
0x17e: {  	_ =	swait.ge [sflag:s5], $0x1000  }
0x17f: {  	s0 =	sld [smem:$0x7F0]  }
0x180: {  	[sflag:s5] =	ssyncset.done $0x0  }
0x181: {  	[sflag:s5] =	ssyncadd.s32 $0xFFFFF000  }
0x182: {  	[spmem:s2] =	stream.indirect.scatter.add.f32 [tilespmem:s28], [sflag:$0x2], $0x20, s0, s6, $0xb8;
	[tilespmem:$0x1A240] =	vst v63  }
0x183: {  	_ =	swait.ge [sflag:s5], $0x1000  }
0x184: {  	s0 =	sld [smem:$0x7F1]  }
0x185: {  	[sflag:s5] =	ssyncset.done $0x0  }
0x186: {  	[sflag:s5] =	ssyncadd.s32 $0xFFFFF000  }
0x187: {  	[spmem:s2] =	stream.indirect.scatter.add.f32 [tilespmem:s25], [sflag:$0x2], $0x20, s0, s6, $0xb8;
	[tilespmem:$0x1A240] =	vst v63  }
0x188: {  	_ =	swait.ge [sflag:s5], $0x1000  }
0x189: {  	s0 =	sld [smem:$0x7F2]  }
0x18a: {  	[sflag:s5] =	ssyncset.done $0x0  }
0x18b: {  	[sflag:s5] =	ssyncadd.s32 $0xFFFFF000  }
0x18c: {  	[spmem:s2] =	stream.indirect.scatter.add.f32 [tilespmem:s24], [sflag:$0x2], $0x20, s0, s6, $0xb8;
	[tilespmem:$0x1A240] =	vst v63  }
0x18d: {  	_ =	swait.ge [sflag:s5], $0x1000  }
0x18e: {  	s0 =	sld [smem:$0x7F3]  }
0x18f: {  	[sflag:s5] =	ssyncset.done $0x0  }
0x190: {  	[sflag:s5] =	ssyncadd.s32 $0xFFFFF000  }
0x191: {  	[spmem:s2] =	stream.indirect.scatter.add.f32 [tilespmem:s23], [sflag:$0x2], $0x20, s0, s6, $0xb8;
	[tilespmem:$0x1A240] =	vst v63  }
0x192: {  	_ =	swait.ge [sflag:s5], $0x1000  }
0x193: {  	s0 =	sld [smem:$0x7F4]  }
0x194: {  	[sflag:s5] =	ssyncset.done $0x0  }
0x195: {  	[sflag:s5] =	ssyncadd.s32 $0xFFFFF000  }
0x196: {  	[spmem:s2] =	stream.indirect.scatter.add.f32 [tilespmem:s22], [sflag:$0x2], $0x20, s0, s6, $0xb8;
	[tilespmem:$0x1A240] =	vst v63  }
0x197: {  	_ =	swait.ge [sflag:s5], $0x1000  }
0x198: {  	s0 =	sld [smem:$0x7F5]  }
0x199: {  	[sflag:s5] =	ssyncset.done $0x0  }
0x19a: {  	[sflag:s5] =	ssyncadd.s32 $0xFFFFF000  }
0x19b: {  	[spmem:s2] =	stream.indirect.scatter.add.f32 [tilespmem:s21], [sflag:$0x2], $0x20, s0, s6, $0xb8;
	[tilespmem:$0x1A240] =	vst v63  }
0x19c: {  	_ =	swait.ge [sflag:s5], $0x1000  }
0x19d: {  	[sflag:s5] =	ssyncset.done $0x0  }
0x19e: {  	[sflag:s5] =	ssyncadd.s32 $0xFFFFF000  }
0x19f: {  	_ =	swait.ge [sflag:s9], $0xA000  }
0x1a0: {  	s0 =	sld [smem:$0x7F6]  }
0x1a1: {  	[sflag:s9] =	ssyncset.done $0x0  }
0x1a2: {  	[sflag:s9] =	ssyncadd.s32 $0xFFFF6000  }
0x1a3: {  	[spmem:s2] =	stream.indirect.scatter.add.f32 [tilespmem:s8], [sflag:$0x2], $0x20, s0, s6, $0xb8;
	[tilespmem:$0x1A240] =	vst v63  }
0x1a4: {  	_ =	swait.ge [sflag:s5], $0x1000  }
0x1a5: {  	s0 =	sld [smem:$0x7F7]  }
0x1a6: {  	[sflag:s5] =	ssyncset.done $0x0  }
0x1a7: {  	[sflag:s5] =	ssyncadd.s32 $0xFFFFF000  }
0x1a8: {  	[spmem:s2] =	stream.indirect.scatter.add.f32 [tilespmem:s20], [sflag:$0x2], $0x20, s0, s6, $0xb8;
	[tilespmem:$0x1A240] =	vst v63  }
0x1a9: {  	_ =	swait.ge [sflag:s5], $0x1000  }
0x1aa: {  	s0 =	sld [smem:$0x7F8]  }
0x1ab: {  	[sflag:s5] =	ssyncset.done $0x0  }
0x1ac: {  	[sflag:s5] =	ssyncadd.s32 $0xFFFFF000  }
0x1ad: {  	[spmem:s2] =	stream.indirect.scatter.add.f32 [tilespmem:s19], [sflag:$0x2], $0x20, s0, s6, $0xb8;
	[tilespmem:$0x1A240] =	vst v63  }
0x1ae: {  	_ =	swait.ge [sflag:s5], $0x1000  }
0x1af: {  	s0 =	sld [smem:$0x7F9]  }
0x1b0: {  	[sflag:s5] =	ssyncset.done $0x0  }
0x1b1: {  	[sflag:s5] =	ssyncadd.s32 $0xFFFFF000  }
0x1b2: {  	[spmem:s2] =	stream.indirect.scatter.add.f32 [tilespmem:s18], [sflag:$0x2], $0x20, s0, s6, $0xb8;
	[tilespmem:$0x1A240] =	vst v63  }
0x1b3: {  	_ =	swait.ge [sflag:s5], $0x1000  }
0x1b4: {  	s0 =	sld [smem:$0x7FA]  }
0x1b5: {  	[sflag:s5] =	ssyncset.done $0x0  }
0x1b6: {  	[sflag:s5] =	ssyncadd.s32 $0xFFFFF000  }
0x1b7: {  	[spmem:s2] =	stream.indirect.scatter.add.f32 [tilespmem:s17], [sflag:$0x2], $0x20, s0, s6, $0xb8;
	[tilespmem:$0x1A240] =	vst v63  }
0x1b8: {  	_ =	swait.ge [sflag:s5], $0x1000  }
0x1b9: {  	s0 =	sld [smem:$0x7FB]  }
0x1ba: {  	[sflag:s5] =	ssyncset.done $0x0  }
0x1bb: {  	[sflag:s5] =	ssyncadd.s32 $0xFFFFF000  }
0x1bc: {  	[spmem:s2] =	stream.indirect.scatter.add.f32 [tilespmem:s16], [sflag:$0x2], $0x20, s0, s6, $0xb8;
	[tilespmem:$0x1A240] =	vst v63  }
0x1bd: {  	_ =	swait.ge [sflag:s5], $0x1000  }
0x1be: {  	s0 =	sld [smem:$0x7FC]  }
0x1bf: {  	[sflag:s5] =	ssyncset.done $0x0  }
0x1c0: {  	[sflag:s5] =	ssyncadd.s32 $0xFFFFF000  }
0x1c1: {  	[spmem:s2] =	stream.indirect.scatter.add.f32 [tilespmem:s15], [sflag:$0x2], $0x20, s0, s6, $0xb8;
	[tilespmem:$0x1A240] =	vst v63  }
0x1c2: {  	_ =	swait.ge [sflag:s5], $0x1000  }
0x1c3: {  	s0 =	sld [smem:$0x7FD]  }
0x1c4: {  	[sflag:s5] =	ssyncset.done $0x0  }
0x1c5: {  	[sflag:s5] =	ssyncadd.s32 $0xFFFFF000  }
0x1c6: {  	[spmem:s2] =	stream.indirect.scatter.add.f32 [tilespmem:s14], [sflag:$0x2], $0x20, s0, s6, $0xb8;
	[tilespmem:$0x1A240] =	vst v63  }
0x1c7: {  	_ =	swait.ge [sflag:s5], $0x1000  }
0x1c8: {  	[sflag:s5] =	ssyncset.done $0x0  }
0x1c9: {  	[sflag:s5] =	ssyncadd.s32 $0xFFFFF000  }
0x1ca: {  	[spmem:s2] =	stream.indirect.scatter.add.f32 [tilespmem:s12], [sflag:$0x2], $0x20, s13, s6, $0xb8;
	[tilespmem:$0x1A240] =	vst v63  }
0x1cb: {  	_ =	swait.ge [sflag:s5], $0x1000  }
0x1cc: {  	[sflag:s5] =	ssyncset.done $0x0  }
0x1cd: {  	s11 =	simm.s32 $0x1380;
	[sflag:s5] =	ssyncadd.s32 $0xFFFFF000  }
0x1ce: {  	[spmem:s2] =	stream.indirect.scatter.add.f32 [tilespmem:s10], [sflag:$0x2], $0x20, s11, s6, $0xb8;
	[tilespmem:$0x1A240] =	vst v63  }
0x1cf: {  	_ =	swait.ge [sflag:s5], $0x1000  }
0x1d0: {  	[sflag:s5] =	ssyncset.done $0x0  }
0x1d1: {  	p1 =	sne.s32 s1, $0x1;
	[sflag:s5] =	ssyncadd.s32 $0xFFFFF000  }
.Ltmp2:
0x1d2: {  	[bflag:$0x0] =	sbarrier.arrive $0xFFFF;
	(pc) =	sbr.rel @p1 .LBB2_2-.Ltmp2, $4  }
0x1d3: {  	s0 =	rddreg [dreg:$0xa]  }
0x1d4: {  	[hbm:s0], [sflag:s3] =	dma.local [spmem:s4], $0x9C8  }
0x1d5: {  	_ =	swait.ge [sflag:s5], $0x9C8  }
0x1d6: {  	s1 =	sadd.s32 $0xFFFFFFFF, s1;
	s0 =	rddreg [dreg:$0x4];
	[sflag:s5] =	ssyncset.done $0x0  }
.LBB2_3:
0x1d7: {  	[sflag:s5] =	ssyncadd.s32 @p0 $0xFFFFF638  }
0x1d8: {  	[spmem:s4], [sflag:s3] =	dma.local [hbm:s0], $0x9C8  }
0x1d9: {  	_ =	swait.ge [sflag:s5], $0x9C8  }
0x1da: {  	[sflag:s5] =	ssyncset.done $0x0  }
0x1db: {  	[sflag:s5] =	ssyncadd.s32 $0xFFFFF638  }
0x1dc: {  	[bflag:$0x0] =	sbarrier.arrive $0xFFFF  }
0x1dd: {  	s1 =	rddreg [dreg:$0x5]  }
0x1de: {  	[tilespmem:s7], [sflag:$0x2] =	stream.linear.gather [hbm4b:s1+s7], $0x1400, $0x38;
	[tilespmem:$0x1A240] =	vst v63  }
0x1df: {  	_ =	swait.ge [sflag:s5], $0x1400  }
0x1e0: {  	[sflag:s5] =	ssyncset.done $0x0  }
0x1e1: {  	s0 =	rddreg [dreg:$0x6];
	[sflag:s5] =	ssyncadd.s32 $0xFFFFEC00  }
0x1e2: {  	[tilespmem:s26], [sflag:$0x1] =	stream.linear.gather [hbm4b:s0+s7], $0xA000, $0x38;
	[tilespmem:$0x1A240] =	vst v63  }
0x1e3: {  	s1 =	rddreg [dreg:$0x7]  }
0x1e4: {  	[tilespmem:s8], [sflag:$0x1] =	stream.linear.gather [hbm4b:s1+s7], $0xA000, $0x38;
	[tilespmem:$0x1A240] =	vst v63  }
0x1e5: {  	_ =	swait.ge [sflag:s9], $0xA000  }
0x1e6: {  	[sflag:s9] =	ssyncset.done $0x0  }
0x1e7: {  	[sflag:s9] =	ssyncadd.s32 $0xFFFF6000  }
0x1e8: {  	[spmem:s2] =	stream.indirect.scatter.add.f32 [tilespmem:s26], [sflag:$0x2], $0x20, s7, s6, $0xb8;
	[tilespmem:$0x1A240] =	vst v63  }
0x1e9: {  	_ =	swait.ge [sflag:s5], $0x1000  }
0x1ea: {  	[sflag:s5] =	ssyncset.done $0x0  }
0x1eb: {  	[sflag:s5] =	ssyncadd.s32 $0xFFFFF000  }
0x1ec: {  	[spmem:s2] =	stream.indirect.scatter.add.f32 [tilespmem:s31], [sflag:$0x2], $0x20, s6, s6, $0xb8;
	[tilespmem:$0x1A240] =	vst v63  }
0x1ed: {  	_ =	swait.ge [sflag:s5], $0x1000  }
0x1ee: {  	[sflag:s5] =	ssyncset.done $0x0  }
0x1ef: {  	s1 =	rddreg [dreg:$0xb];
	[sflag:s5] =	ssyncadd.s32 $0xFFFFF000  }
0x1f0: {  	[spmem:s2] =	stream.indirect.scatter.add.f32 [tilespmem:s30], [sflag:$0x2], $0x20, s1, s6, $0xb8;
	[tilespmem:$0x1A240] =	vst v63  }
0x1f1: {  	_ =	swait.ge [sflag:s5], $0x1000  }
0x1f2: {  	[sflag:s5] =	ssyncset.done $0x0  }
0x1f3: {  	s1 =	rddreg [dreg:$0xc];
	[sflag:s5] =	ssyncadd.s32 $0xFFFFF000  }
0x1f4: {  	[spmem:s2] =	stream.indirect.scatter.add.f32 [tilespmem:s29], [sflag:$0x2], $0x20, s1, s6, $0xb8;
	[tilespmem:$0x1A240] =	vst v63  }
0x1f5: {  	_ =	swait.ge [sflag:s5], $0x1000  }
0x1f6: {  	[sflag:s5] =	ssyncset.done $0x0  }
0x1f7: {  	s1 =	rddreg [dreg:$0xd];
	[sflag:s5] =	ssyncadd.s32 $0xFFFFF000  }
0x1f8: {  	[spmem:s2] =	stream.indirect.scatter.add.f32 [tilespmem:s28], [sflag:$0x2], $0x20, s1, s6, $0xb8;
	[tilespmem:$0x1A240] =	vst v63  }
0x1f9: {  	_ =	swait.ge [sflag:s5], $0x1000  }
0x1fa: {  	[sflag:s5] =	ssyncset.done $0x0  }
0x1fb: {  	s1 =	rddreg [dreg:$0xe];
	[sflag:s5] =	ssyncadd.s32 $0xFFFFF000  }
0x1fc: {  	[spmem:s2] =	stream.indirect.scatter.add.f32 [tilespmem:s25], [sflag:$0x2], $0x20, s1, s6, $0xb8;
	[tilespmem:$0x1A240] =	vst v63  }
0x1fd: {  	_ =	swait.ge [sflag:s5], $0x1000  }
0x1fe: {  	[sflag:s5] =	ssyncset.done $0x0  }
0x1ff: {  	s1 =	rddreg [dreg:$0xf];
	[sflag:s5] =	ssyncadd.s32 $0xFFFFF000  }
0x200: {  	[spmem:s2] =	stream.indirect.scatter.add.f32 [tilespmem:s24], [sflag:$0x2], $0x20, s1, s6, $0xb8;
	[tilespmem:$0x1A240] =	vst v63  }
0x201: {  	_ =	swait.ge [sflag:s5], $0x1000  }
0x202: {  	[sflag:s5] =	ssyncset.done $0x0  }
0x203: {  	s1 =	rddreg [dreg:$0x10];
	[sflag:s5] =	ssyncadd.s32 $0xFFFFF000  }
0x204: {  	[spmem:s2] =	stream.indirect.scatter.add.f32 [tilespmem:s23], [sflag:$0x2], $0x20, s1, s6, $0xb8;
	[tilespmem:$0x1A240] =	vst v63  }
0x205: {  	_ =	swait.ge [sflag:s5], $0x1000  }
0x206: {  	[sflag:s5] =	ssyncset.done $0x0  }
0x207: {  	s1 =	rddreg [dreg:$0x11];
	[sflag:s5] =	ssyncadd.s32 $0xFFFFF000  }
0x208: {  	[spmem:s2] =	stream.indirect.scatter.add.f32 [tilespmem:s22], [sflag:$0x2], $0x20, s1, s6, $0xb8;
	[tilespmem:$0x1A240] =	vst v63  }
0x209: {  	_ =	swait.ge [sflag:s5], $0x1000  }
0x20a: {  	[sflag:s5] =	ssyncset.done $0x0  }
0x20b: {  	s1 =	rddreg [dreg:$0x12];
	[sflag:s5] =	ssyncadd.s32 $0xFFFFF000  }
0x20c: {  	[spmem:s2] =	stream.indirect.scatter.add.f32 [tilespmem:s21], [sflag:$0x2], $0x20, s1, s6, $0xb8;
	[tilespmem:$0x1A240] =	vst v63  }
0x20d: {  	_ =	swait.ge [sflag:s5], $0x1000  }
0x20e: {  	[sflag:s5] =	ssyncset.done $0x0  }
0x20f: {  	s1 =	rddreg [dreg:$0x8];
	[sflag:s5] =	ssyncadd.s32 $0xFFFFF000  }
0x210: {  	[tilespmem:s26], [sflag:$0x1] =	stream.linear.gather [hbm4b:s1+s7], $0xA000, $0x38;
	[tilespmem:$0x1A240] =	vst v63  }
0x211: {  	_ =	swait.ge [sflag:s9], $0xA000  }
0x212: {  	[sflag:s9] =	ssyncset.done $0x0  }
0x213: {  	s1 =	rddreg [dreg:$0x13];
	[sflag:s9] =	ssyncadd.s32 $0xFFFF6000  }
0x214: {  	[spmem:s2] =	stream.indirect.scatter.add.f32 [tilespmem:s8], [sflag:$0x2], $0x20, s1, s6, $0xb8;
	[tilespmem:$0x1A240] =	vst v63  }
0x215: {  	_ =	swait.ge [sflag:s5], $0x1000  }
0x216: {  	[sflag:s5] =	ssyncset.done $0x0  }
0x217: {  	s1 =	rddreg [dreg:$0x14];
	[sflag:s5] =	ssyncadd.s32 $0xFFFFF000  }
0x218: {  	[spmem:s2] =	stream.indirect.scatter.add.f32 [tilespmem:s20], [sflag:$0x2], $0x20, s1, s6, $0xb8;
	[tilespmem:$0x1A240] =	vst v63  }
0x219: {  	_ =	swait.ge [sflag:s5], $0x1000  }
0x21a: {  	[sflag:s5] =	ssyncset.done $0x0  }
0x21b: {  	s1 =	rddreg [dreg:$0x15];
	[sflag:s5] =	ssyncadd.s32 $0xFFFFF000  }
0x21c: {  	[spmem:s2] =	stream.indirect.scatter.add.f32 [tilespmem:s19], [sflag:$0x2], $0x20, s1, s6, $0xb8;
	[tilespmem:$0x1A240] =	vst v63  }
0x21d: {  	_ =	swait.ge [sflag:s5], $0x1000  }
0x21e: {  	[sflag:s5] =	ssyncset.done $0x0  }
0x21f: {  	s1 =	rddreg [dreg:$0x16];
	[sflag:s5] =	ssyncadd.s32 $0xFFFFF000  }
0x220: {  	[spmem:s2] =	stream.indirect.scatter.add.f32 [tilespmem:s18], [sflag:$0x2], $0x20, s1, s6, $0xb8;
	[tilespmem:$0x1A240] =	vst v63  }
0x221: {  	_ =	swait.ge [sflag:s5], $0x1000  }
0x222: {  	[sflag:s5] =	ssyncset.done $0x0  }
0x223: {  	s1 =	rddreg [dreg:$0x17];
	[sflag:s5] =	ssyncadd.s32 $0xFFFFF000  }
0x224: {  	[spmem:s2] =	stream.indirect.scatter.add.f32 [tilespmem:s17], [sflag:$0x2], $0x20, s1, s6, $0xb8;
	[tilespmem:$0x1A240] =	vst v63  }
0x225: {  	_ =	swait.ge [sflag:s5], $0x1000  }
0x226: {  	[sflag:s5] =	ssyncset.done $0x0  }
0x227: {  	s1 =	rddreg [dreg:$0x18];
	[sflag:s5] =	ssyncadd.s32 $0xFFFFF000  }
0x228: {  	[spmem:s2] =	stream.indirect.scatter.add.f32 [tilespmem:s16], [sflag:$0x2], $0x20, s1, s6, $0xb8;
	[tilespmem:$0x1A240] =	vst v63  }
0x229: {  	_ =	swait.ge [sflag:s5], $0x1000  }
0x22a: {  	[sflag:s5] =	ssyncset.done $0x0  }
0x22b: {  	s1 =	rddreg [dreg:$0x19];
	[sflag:s5] =	ssyncadd.s32 $0xFFFFF000  }
0x22c: {  	[spmem:s2] =	stream.indirect.scatter.add.f32 [tilespmem:s15], [sflag:$0x2], $0x20, s1, s6, $0xb8;
	[tilespmem:$0x1A240] =	vst v63  }
0x22d: {  	_ =	swait.ge [sflag:s5], $0x1000  }
0x22e: {  	[sflag:s5] =	ssyncset.done $0x0  }
0x22f: {  	s1 =	rddreg [dreg:$0x1a];
	[sflag:s5] =	ssyncadd.s32 $0xFFFFF000  }
0x230: {  	[spmem:s2] =	stream.indirect.scatter.add.f32 [tilespmem:s14], [sflag:$0x2], $0x20, s1, s6, $0xb8;
	[tilespmem:$0x1A240] =	vst v63  }
0x231: {  	_ =	swait.ge [sflag:s5], $0x1000  }
0x232: {  	[sflag:s5] =	ssyncset.done $0x0  }
0x233: {  	s1 =	rddreg [dreg:$0x1b];
	[sflag:s5] =	ssyncadd.s32 $0xFFFFF000  }
0x234: {  	[spmem:s2] =	stream.indirect.scatter.add.f32 [tilespmem:s12], [sflag:$0x2], $0x20, s1, s6, $0xb8;
	[tilespmem:$0x1A240] =	vst v63  }
0x235: {  	_ =	swait.ge [sflag:s5], $0x1000  }
0x236: {  	[sflag:s5] =	ssyncset.done $0x0  }
0x237: {  	s1 =	rddreg [dreg:$0x1c];
	[sflag:s5] =	ssyncadd.s32 $0xFFFFF000  }
0x238: {  	[spmem:s2] =	stream.indirect.scatter.add.f32 [tilespmem:s10], [sflag:$0x2], $0x20, s1, s6, $0xb8;
	[tilespmem:$0x1A240] =	vst v63  }
0x239: {  	_ =	swait.ge [sflag:s5], $0x1000  }
0x23a: {  	[sflag:s5] =	ssyncset.done $0x0  }
0x23b: {  	s1 =	rddreg [dreg:$0x9];
	[sflag:s5] =	ssyncadd.s32 $0xFFFFF000  }
0x23c: {  	[tilespmem:s8], [sflag:$0x1] =	stream.linear.gather [hbm4b:s1+s7], $0xA000, $0x38;
	[tilespmem:$0x1A240] =	vst v63  }
0x23d: {  	_ =	swait.ge [sflag:s9], $0xA000  }
0x23e: {  	[sflag:s9] =	ssyncset.done $0x0  }
0x23f: {  	s7 =	rddreg [dreg:$0x1d];
	[sflag:s9] =	ssyncadd.s32 $0xFFFF6000  }
0x240: {  	[spmem:s2] =	stream.indirect.scatter.add.f32 [tilespmem:s26], [sflag:$0x2], $0x20, s7, s6, $0xb8;
	[tilespmem:$0x1A240] =	vst v63  }
0x241: {  	_ =	swait.ge [sflag:s5], $0x1000  }
0x242: {  	[sflag:s5] =	ssyncset.done $0x0  }
0x243: {  	s26 =	rddreg [dreg:$0x1e];
	[sflag:s5] =	ssyncadd.s32 $0xFFFFF000  }
0x244: {  	[spmem:s2] =	stream.indirect.scatter.add.f32 [tilespmem:s31], [sflag:$0x2], $0x20, s26, s6, $0xb8;
	[tilespmem:$0x1A240] =	vst v63  }
0x245: {  	_ =	swait.ge [sflag:s5], $0x1000  }
0x246: {  	[sflag:s5] =	ssyncset.done $0x0  }
0x247: {  	s1 =	rddreg [dreg:$0x1f];
	[sflag:s5] =	ssyncadd.s32 $0xFFFFF000  }
0x248: {  	[spmem:s2] =	stream.indirect.scatter.add.f32 [tilespmem:s30], [sflag:$0x2], $0x20, s1, s6, $0xb8;
	[tilespmem:$0x1A240] =	vst v63  }
0x249: {  	_ =	swait.ge [sflag:s5], $0x1000  }
0x24a: {  	s7 =	sld [smem:$0x7EF]  }
0x24b: {  	[sflag:s5] =	ssyncset.done $0x0  }
0x24c: {  	[sflag:s5] =	ssyncadd.s32 $0xFFFFF000  }
0x24d: {  	[spmem:s2] =	stream.indirect.scatter.add.f32 [tilespmem:s29], [sflag:$0x2], $0x20, s7, s6, $0xb8;
	[tilespmem:$0x1A240] =	vst v63  }
0x24e: {  	_ =	swait.ge [sflag:s5], $0x1000  }
0x24f: {  	s26 =	sld [smem:$0x7F0]  }
0x250: {  	[sflag:s5] =	ssyncset.done $0x0  }
0x251: {  	[sflag:s5] =	ssyncadd.s32 $0xFFFFF000  }
0x252: {  	[spmem:s2] =	stream.indirect.scatter.add.f32 [tilespmem:s28], [sflag:$0x2], $0x20, s26, s6, $0xb8;
	[tilespmem:$0x1A240] =	vst v63  }
0x253: {  	_ =	swait.ge [sflag:s5], $0x1000  }
0x254: {  	s29 =	sld [smem:$0x7F1]  }
0x255: {  	[sflag:s5] =	ssyncset.done $0x0  }
0x256: {  	[sflag:s5] =	ssyncadd.s32 $0xFFFFF000  }
0x257: {  	[spmem:s2] =	stream.indirect.scatter.add.f32 [tilespmem:s25], [sflag:$0x2], $0x20, s29, s6, $0xb8;
	[tilespmem:$0x1A240] =	vst v63  }
0x258: {  	_ =	swait.ge [sflag:s5], $0x1000  }
0x259: {  	s30 =	sld [smem:$0x7F2]  }
0x25a: {  	[sflag:s5] =	ssyncset.done $0x0  }
0x25b: {  	[sflag:s5] =	ssyncadd.s32 $0xFFFFF000  }
0x25c: {  	[spmem:s2] =	stream.indirect.scatter.add.f32 [tilespmem:s24], [sflag:$0x2], $0x20, s30, s6, $0xb8;
	[tilespmem:$0x1A240] =	vst v63  }
0x25d: {  	_ =	swait.ge [sflag:s5], $0x1000  }
0x25e: {  	s31 =	sld [smem:$0x7F3]  }
0x25f: {  	[sflag:s5] =	ssyncset.done $0x0  }
0x260: {  	[sflag:s5] =	ssyncadd.s32 $0xFFFFF000  }
0x261: {  	[spmem:s2] =	stream.indirect.scatter.add.f32 [tilespmem:s23], [sflag:$0x2], $0x20, s31, s6, $0xb8;
	[tilespmem:$0x1A240] =	vst v63  }
0x262: {  	_ =	swait.ge [sflag:s5], $0x1000  }
0x263: {  	s1 =	sld [smem:$0x7F4]  }
0x264: {  	[sflag:s5] =	ssyncset.done $0x0  }
0x265: {  	[sflag:s5] =	ssyncadd.s32 $0xFFFFF000  }
0x266: {  	[spmem:s2] =	stream.indirect.scatter.add.f32 [tilespmem:s22], [sflag:$0x2], $0x20, s1, s6, $0xb8;
	[tilespmem:$0x1A240] =	vst v63  }
0x267: {  	_ =	swait.ge [sflag:s5], $0x1000  }
0x268: {  	s7 =	sld [smem:$0x7F5]  }
0x269: {  	[sflag:s5] =	ssyncset.done $0x0  }
0x26a: {  	[sflag:s5] =	ssyncadd.s32 $0xFFFFF000  }
0x26b: {  	[spmem:s2] =	stream.indirect.scatter.add.f32 [tilespmem:s21], [sflag:$0x2], $0x20, s7, s6, $0xb8;
	[tilespmem:$0x1A240] =	vst v63  }
0x26c: {  	_ =	swait.ge [sflag:s5], $0x1000  }
0x26d: {  	[sflag:s5] =	ssyncset.done $0x0  }
0x26e: {  	[sflag:s5] =	ssyncadd.s32 $0xFFFFF000  }
0x26f: {  	_ =	swait.ge [sflag:s9], $0xA000  }
0x270: {  	s21 =	sld [smem:$0x7F6]  }
0x271: {  	[sflag:s9] =	ssyncset.done $0x0  }
0x272: {  	[sflag:s9] =	ssyncadd.s32 $0xFFFF6000  }
0x273: {  	[spmem:s2] =	stream.indirect.scatter.add.f32 [tilespmem:s8], [sflag:$0x2], $0x20, s21, s6, $0xb8;
	[tilespmem:$0x1A240] =	vst v63  }
0x274: {  	_ =	swait.ge [sflag:s5], $0x1000  }
0x275: {  	s22 =	sld [smem:$0x7F7]  }
0x276: {  	[sflag:s5] =	ssyncset.done $0x0  }
0x277: {  	[sflag:s5] =	ssyncadd.s32 $0xFFFFF000  }
0x278: {  	[spmem:s2] =	stream.indirect.scatter.add.f32 [tilespmem:s20], [sflag:$0x2], $0x20, s22, s6, $0xb8;
	[tilespmem:$0x1A240] =	vst v63  }
0x279: {  	_ =	swait.ge [sflag:s5], $0x1000  }
0x27a: {  	s23 =	sld [smem:$0x7F8]  }
0x27b: {  	[sflag:s5] =	ssyncset.done $0x0  }
0x27c: {  	[sflag:s5] =	ssyncadd.s32 $0xFFFFF000  }
0x27d: {  	[spmem:s2] =	stream.indirect.scatter.add.f32 [tilespmem:s19], [sflag:$0x2], $0x20, s23, s6, $0xb8;
	[tilespmem:$0x1A240] =	vst v63  }
0x27e: {  	_ =	swait.ge [sflag:s5], $0x1000  }
0x27f: {  	s24 =	sld [smem:$0x7F9]  }
0x280: {  	[sflag:s5] =	ssyncset.done $0x0  }
0x281: {  	[sflag:s5] =	ssyncadd.s32 $0xFFFFF000  }
0x282: {  	[spmem:s2] =	stream.indirect.scatter.add.f32 [tilespmem:s18], [sflag:$0x2], $0x20, s24, s6, $0xb8;
	[tilespmem:$0x1A240] =	vst v63  }
0x283: {  	_ =	swait.ge [sflag:s5], $0x1000  }
0x284: {  	s25 =	sld [smem:$0x7FA]  }
0x285: {  	[sflag:s5] =	ssyncset.done $0x0  }
0x286: {  	[sflag:s5] =	ssyncadd.s32 $0xFFFFF000  }
0x287: {  	[spmem:s2] =	stream.indirect.scatter.add.f32 [tilespmem:s17], [sflag:$0x2], $0x20, s25, s6, $0xb8;
	[tilespmem:$0x1A240] =	vst v63  }
0x288: {  	_ =	swait.ge [sflag:s5], $0x1000  }
0x289: {  	s26 =	sld [smem:$0x7FB]  }
0x28a: {  	[sflag:s5] =	ssyncset.done $0x0  }
0x28b: {  	[sflag:s5] =	ssyncadd.s32 $0xFFFFF000  }
0x28c: {  	[spmem:s2] =	stream.indirect.scatter.add.f32 [tilespmem:s16], [sflag:$0x2], $0x20, s26, s6, $0xb8;
	[tilespmem:$0x1A240] =	vst v63  }
0x28d: {  	_ =	swait.ge [sflag:s5], $0x1000  }
0x28e: {  	s28 =	sld [smem:$0x7FC]  }
0x28f: {  	[sflag:s5] =	ssyncset.done $0x0  }
0x290: {  	[sflag:s5] =	ssyncadd.s32 $0xFFFFF000  }
0x291: {  	[spmem:s2] =	stream.indirect.scatter.add.f32 [tilespmem:s15], [sflag:$0x2], $0x20, s28, s6, $0xb8;
	[tilespmem:$0x1A240] =	vst v63  }
0x292: {  	_ =	swait.ge [sflag:s5], $0x1000  }
0x293: {  	s29 =	sld [smem:$0x7FD]  }
0x294: {  	[sflag:s5] =	ssyncset.done $0x0  }
0x295: {  	[sflag:s5] =	ssyncadd.s32 $0xFFFFF000  }
0x296: {  	[spmem:s2] =	stream.indirect.scatter.add.f32 [tilespmem:s14], [sflag:$0x2], $0x20, s29, s6, $0xb8;
	[tilespmem:$0x1A240] =	vst v63  }
0x297: {  	_ =	swait.ge [sflag:s5], $0x1000  }
0x298: {  	[sflag:s5] =	ssyncset.done $0x0  }
0x299: {  	[sflag:s5] =	ssyncadd.s32 $0xFFFFF000  }
0x29a: {  	[spmem:s2] =	stream.indirect.scatter.add.f32 [tilespmem:s12], [sflag:$0x2], $0x20, s13, s6, $0xb8;
	[tilespmem:$0x1A240] =	vst v63  }
0x29b: {  	_ =	swait.ge [sflag:s5], $0x1000  }
0x29c: {  	[sflag:s5] =	ssyncset.done $0x0  }
0x29d: {  	[sflag:s5] =	ssyncadd.s32 $0xFFFFF000  }
0x29e: {  	[spmem:s2] =	stream.indirect.scatter.add.f32 [tilespmem:s10], [sflag:$0x2], $0x20, s11, s6, $0xb8;
	[tilespmem:$0x1A240] =	vst v63  }
0x29f: {  	_ =	swait.ge [sflag:s5], $0x1000  }
0x2a0: {  	[sflag:s5] =	ssyncset.done $0x0  }
0x2a1: {  	[sflag:s5] =	ssyncadd.s32 $0xFFFFF000  }
0x2a2: {  	[bflag:$0x0] =	sbarrier.arrive $0xFFFF  }
0x2a3: {  	s30 =	rddreg [dreg:$0xa]  }
0x2a4: {  	[hbm:s30], [sflag:s3] =	dma.local [spmem:s4], $0x9C8  }
0x2a5: {  	_ =	swait.ge [sflag:s5], $0x9C8  }
0x2a6: {  	[sflag:s5] =	ssyncset.done $0x0  }
0x2a7: {  	[sflag:s5] =	ssyncadd.s32 $0xFFFFF638  }
0x2a8: {  	_ =	sfence.sel $0x180000  }
0x2a9: {  	[bflag:$0x0] =	sbarrier.arrive $0xFFFF  }
0x2aa: {  	_ =	strace $0x9000004A  }
0x2ab: {  	s31 =	stileid.u32;
	[bflag:$0x2] =	sbarrier.arrive $0xFFFF  }
0x2ac: {  	p0 =	sne.s32 s31, $0x0;
	s0 =	rddreg [dreg:$0x3]  }
0x2ad: {  	s0 =	sadd.s32 @!p0 $0x100000, s0  }
0x2ae: {  	[sflag:s0] =	ssyncadd.tile.s32 @!p0 $0x1;
	_ =	shalt  }
.Lfunc_end2:
_tile_overlayer_lowered:
.L_overlay_start_2:
0x2af: {  	(tag) =	ssettag $0x2  }
0x2b0: {  	s0 =	rddreg [dreg:$0x0];
	s2 =	stileid.u32  }
0x2b1: {  	s1 =	rddreg [dreg:$0x1];
	p0 =	sne.s32 s2, $0x0  }
0x2b2: {  	s3 =	rddreg [dreg:$0x2];
	[bflag:$0x3] =	sbarrier.arrive $0xFFFF;
	s2 =	simm.s32 @!p0 $0x1C02  }
0x2b3: {  	[timem:s3], [sflag:s2] =	dma.local @!p0 [hbm:s0], s1  }
0x2b4: {  	s0 =	simm.s32 @!p0 $0x2  }
0x2b5: {  	_ =	swait.ge @!p0 [sflag:s0], s1  }
0x2b6: {  	s1 =	ssub.s32 @!p0 $0x0, s1;
	[sflag:s0] =	ssyncset.done @!p0 $0x0  }
0x2b7: {  	[sflag:s0] =	ssyncadd.s32 @!p0 s1  }
0x2b8: {  	[bflag:$0x3] =	sbarrier.arrive $0xFFFF  }
0x2b9: {  	_ =	shalt  }

</sc_bundles>
